<compile_context>
chip_gen: v7x
topology: tpu7x:2x2x1
jax: 0.10.2.dev20260603
libtpu: 0.0.44.dev20260713+nightly
codegen_flags: <defaults>
</compile_context>

<pallas_src>
import math

import jax
import jax.numpy as jnp
from jax import lax
from jax.experimental import pallas as pl
from jax.experimental.pallas import tpu as pltpu
from jax.experimental.pallas import tpu_sc as plsc

_NC = 2
_NS = 16
_NW = _NC * _NS
_CHUNK = 64
_NBUF = 8
_PD = 128


def _make_body(CH, ROWS_W, PERIOD):
    def body(x_hbm, tok_hbm, pose_hbm, out_hbm, idx_v, rv, pos_sh,
             si, sg, sw):
        sid = lax.axis_index("s")
        wid = sid * _NC + lax.axis_index("c")
        @pl.when(sid == 0)
        def _():
            pltpu.sync_copy(pose_hbm, pos_sh)

        pltpu.sync_copy(x_hbm.at[wid], idx_v)
        plsc.subcore_barrier()
        base = wid * ROWS_W

        def init(c, b):
            pltpu.async_copy(pos_sh.at[lax.rem(c, PERIOD)], rv.at[b],
                             si.at[b])

        def init_wait(c, b):
            pltpu.make_async_copy(pos_sh.at[lax.rem(c, PERIOD)], rv.at[b],
                                  si.at[b]).wait()

        def gather(c, b):
            pltpu.async_copy(tok_hbm.at[idx_v.at[c]], rv.at[b], sg.at[b],
                             add=True)

        def gather_wait(c, b):
            pltpu.make_async_copy(
                tok_hbm.at[idx_v.at[c]], rv.at[b], sg.at[b]).wait()

        def write(c, b):
            pltpu.async_copy(
                rv.at[b], out_hbm.at[pl.ds(base + c * _CHUNK, _CHUNK)],
                sw.at[b])

        def write_wait(c, b):
            pltpu.make_async_copy(
                rv.at[b], out_hbm.at[pl.ds(base + c * _CHUNK, _CHUNK)],
                sw.at[b]).wait()

        for c0 in range(4):
            init(c0, c0)
        init_wait(0, 0)
        gather(0, 0)
        init_wait(1, 1)
        gather(1, 1)

        @pl.loop(0, CH, step=_NBUF)
        def _(t):
            for k in range(_NBUF):
                c = t + k
                b2 = (k + 2) % _NBUF
                b4 = (k + 4) % _NBUF

                @pl.when(c + 4 < CH)
                def _():
                    @pl.when(c >= _NBUF - 4)
                    def _():
                        write_wait(c + 4 - _NBUF, b4)

                    init(c + 4, b4)

                @pl.when(c + 2 < CH)
                def _():
                    init_wait(c + 2, b2)
                    gather(c + 2, b2)

                gather_wait(c, k)
                write(c, k)

        for k in range(_NBUF):
            write_wait(CH - _NBUF + k, k)

    return body


def kernel(x, token_table, pos_table):
    B, L = x.shape
    V, D = token_table.shape
    N = B * L
    ROWS_W = N // _NW
    CH = ROWS_W // _CHUNK
    PERIOD = math.lcm(_CHUNK, L) // _CHUNK

    x_r = x.reshape(_NW, CH, _CHUNK)
    tok_pad = jnp.pad(token_table, ((0, 0), (0, _PD - D)))
    reps = PERIOD * _CHUNK // L
    pos_exp = jnp.pad(
        jnp.tile(pos_table, (reps, 1)).reshape(PERIOD, _CHUNK, D),
        ((0, 0), (0, 0), (0, _PD - D)))

    mesh = plsc.VectorSubcoreMesh(core_axis_name="c", subcore_axis_name="s")
    out = pl.kernel(
        _make_body(CH, ROWS_W, PERIOD),
        out_type=jax.ShapeDtypeStruct((N, _PD), jnp.float32),
        mesh=mesh,
        scratch_types=[
            pltpu.VMEM((CH, _CHUNK), jnp.int32),
            pltpu.VMEM((_NBUF, _CHUNK, _PD), jnp.float32),
            pltpu.VMEM_SHARED((25, _CHUNK, _PD), jnp.float32),
            pltpu.SemaphoreType.DMA((_NBUF,)),
            pltpu.SemaphoreType.DMA((_NBUF,)),
            pltpu.SemaphoreType.DMA((_NBUF,)),
        ],
    )(x_r, tok_pad, pos_exp)
    return out[:, :D].reshape(B, L, D)

# --- scband reference (transcript-rebuilt; emitter-appended) ---
"""Pipeline reference for scband-token-and-position-embedding-40114994545148 (READ-ONLY COPY).

The authoritative reference and input builder live on the scoring server;
editing this copy changes nothing except your own understanding.
"""

import jax, jax.numpy as jnp
import numpy as np

VOCAB = 100000
MAX_LEN = 200
DIM = 64
BATCH = 4096

def setup_inputs(seed: int = 0) -> dict:
    key = jax.random.key(seed)
    k1, k2, k3 = jax.random.split(key, 3)
    x = jax.random.randint(k1, (BATCH, MAX_LEN), 0, VOCAB, dtype=jnp.int64 if jax.config.jax_enable_x64 else jnp.int32)
    token_table = jax.random.normal(k2, (VOCAB, DIM), dtype=jnp.float32) * 0.02
    pos_table = jax.random.normal(k3, (MAX_LEN, DIM), dtype=jnp.float32) * 0.02
    return {"x": x, "token_table": token_table, "pos_table": pos_table}

def reference(x, token_table, pos_table):
    # token embedding lookup: gather rows of token_table by x
    tok = jnp.take(token_table, x, axis=0)           # [B, L, D]
    # position embedding: positions = arange(L)
    L = x.shape[-1]
    positions = jnp.arange(L)
    pos = jnp.take(pos_table, positions, axis=0)     # [L, D]
    return tok + pos[None, :, :]

if __name__ == "__main__":
    import jax
    _d = setup_inputs()
    print(jax.jit(kernel)(*tuple(_d.values())))

</pallas_src>

<mosaic_0001>
#map = affine_map<(d0, d1) -> (0, 0, 0)>
#map1 = affine_map<(d0, d1) -> (0, 0)>
module attributes {stable_mosaic.version = 14 : i64} {
  func.func @body(%arg0: i32, %arg1: i32, %arg2: memref<32x400x64xi32, #tpu.memory_space<hbm>>, %arg3: memref<100000x128xf32, #tpu.memory_space<hbm>>, %arg4: memref<25x64x128xf32, #tpu.memory_space<hbm>>, %arg5: memref<819200x128xf32, #tpu.memory_space<hbm>>, %arg6: memref<400x64xi32, #tpu.memory_space<vmem>>, %arg7: memref<8x64x128xf32, #tpu.memory_space<vmem>>, %arg8: memref<25x64x128xf32, #tpu.memory_space<vmem_shared>>, %arg9: memref<8x!tpu.dma_semaphore, #tpu.memory_space<semaphore_mem>>, %arg10: memref<8x!tpu.dma_semaphore, #tpu.memory_space<semaphore_mem>>, %arg11: memref<8x!tpu.dma_semaphore, #tpu.memory_space<semaphore_mem>>) attributes {dimension_semantics = [#tpu.dimension_semantics<core_parallel>, #tpu.dimension_semantics<subcore_parallel>], iteration_bounds = array<i64: 2, 16>, scalar_prefetch = 0 : i64, scratch_operands = 6 : i64, tpu.core_type = #tpu.core_type<sc_vector_subcore>, window_params = [{transform_indices = #map}, {transform_indices = #map1}, {transform_indices = #map}, {transform_indices = #map1}]} {
    %mul3A = arith.constant 2 : i32
    %mul3A_0 = arith.muli %arg1, %mul3A : i32
    %add3A = arith.addi %mul3A_0, %arg0 : i32
    %eq3A = arith.constant 0 : i32
    %eq3A_1 = arith.cmpi eq, %arg1, %eq3A : i32
    %convert_element_type3A = arith.extui %eq3A_1 : i1 to i32
    %cond3A = arith.constant 0 : i32
    %cond3A_2 = arith.cmpi ne, %convert_element_type3A, %cond3A : i32
    scf.if %cond3A_2 {
      "tpu.region"() ({
        %run_scoped3A = tpu.sem_alloc : memref<!tpu.dma_semaphore, #tpu.memory_space<semaphore_mem>>
        tpu.enqueue_dma source(%arg4 : memref<25x64x128xf32, #tpu.memory_space<hbm>>) target(%arg8 : memref<25x64x128xf32, #tpu.memory_space<vmem_shared>>) target_semaphore(%run_scoped3A : memref<!tpu.dma_semaphore, #tpu.memory_space<semaphore_mem>>)
        tpu.wait_dma2 semaphore(%run_scoped3A : memref<!tpu.dma_semaphore, #tpu.memory_space<semaphore_mem>>) src(%arg4 : memref<25x64x128xf32, #tpu.memory_space<hbm>>) dst(%arg8 : memref<25x64x128xf32, #tpu.memory_space<vmem_shared>>)
        tpu.yield
      }) : () -> ()
    } else {
    }
    "tpu.region"() ({
      %run_scoped3A = tpu.sem_alloc : memref<!tpu.dma_semaphore, #tpu.memory_space<semaphore_mem>>
      %dma_start3A_318 = arith.constant 0 : i32
      %dma_start3A_319 = arith.constant 0 : i32
      %dma_start3A_320 = tpu.memref_slice %arg2[%add3A, %dma_start3A_318, %dma_start3A_319] : memref<32x400x64xi32, #tpu.memory_space<hbm>> -> memref<1x400x64xi32, #tpu.memory_space<hbm>>
      %dma_start3A_321 = tpu.memref_squeeze %dma_start3A_320 : memref<1x400x64xi32, #tpu.memory_space<hbm>> -> memref<400x64xi32, #tpu.memory_space<hbm>>
      %dma_start3A_322 = arith.constant 0 : i32
      %dma_start3A_323 = arith.constant 0 : i32
      %dma_start3A_324 = tpu.memref_slice %arg2[%add3A, %dma_start3A_322, %dma_start3A_323] : memref<32x400x64xi32, #tpu.memory_space<hbm>> -> memref<1x400x64xi32, #tpu.memory_space<hbm>>
      %dma_start3A_325 = tpu.memref_squeeze %dma_start3A_324 : memref<1x400x64xi32, #tpu.memory_space<hbm>> -> memref<400x64xi32, #tpu.memory_space<hbm>>
      tpu.enqueue_dma source(%dma_start3A_325 : memref<400x64xi32, #tpu.memory_space<hbm>>) target(%arg6 : memref<400x64xi32, #tpu.memory_space<vmem>>) target_semaphore(%run_scoped3A : memref<!tpu.dma_semaphore, #tpu.memory_space<semaphore_mem>>)
      %dma_wait3A_326 = arith.constant 0 : i32
      %dma_wait3A_327 = arith.constant 0 : i32
      %dma_wait3A_328 = tpu.memref_slice %arg2[%add3A, %dma_wait3A_326, %dma_wait3A_327] : memref<32x400x64xi32, #tpu.memory_space<hbm>> -> memref<1x400x64xi32, #tpu.memory_space<hbm>>
      %dma_wait3A_329 = tpu.memref_squeeze %dma_wait3A_328 : memref<1x400x64xi32, #tpu.memory_space<hbm>> -> memref<400x64xi32, #tpu.memory_space<hbm>>
      %dma_wait3A_330 = arith.constant 0 : i32
      %dma_wait3A_331 = arith.constant 0 : i32
      %dma_wait3A_332 = tpu.memref_slice %arg2[%add3A, %dma_wait3A_330, %dma_wait3A_331] : memref<32x400x64xi32, #tpu.memory_space<hbm>> -> memref<1x400x64xi32, #tpu.memory_space<hbm>>
      %dma_wait3A_333 = tpu.memref_squeeze %dma_wait3A_332 : memref<1x400x64xi32, #tpu.memory_space<hbm>> -> memref<400x64xi32, #tpu.memory_space<hbm>>
      tpu.wait_dma2 semaphore(%run_scoped3A : memref<!tpu.dma_semaphore, #tpu.memory_space<semaphore_mem>>) src(%dma_wait3A_333 : memref<400x64xi32, #tpu.memory_space<hbm>>) dst(%arg6 : memref<400x64xi32, #tpu.memory_space<vmem>>)
      tpu.yield
    }) : () -> ()
    %barrier3A = arith.constant 0 : index
    tpu.barrier barrier_id(%barrier3A)
    %mul3A_3 = arith.constant 25600 : i32
    %mul3A_4 = arith.muli %add3A, %mul3A_3 : i32
    %rem3A = arith.constant 0 : i32
    %rem3A_5 = arith.constant 25 : i32
    %rem3A_6 = arith.remsi %rem3A, %rem3A_5 : i32
    %dma_start3A = arith.constant 0 : i32
    %dma_start3A_7 = arith.constant 0 : i32
    %dma_start3A_8 = arith.constant 0 : i32
    %dma_start3A_9 = arith.constant 0 : i32
    %dma_start3A_10 = tpu.memref_slice %arg7[%dma_start3A, %dma_start3A_8, %dma_start3A_9] : memref<8x64x128xf32, #tpu.memory_space<vmem>> -> memref<1x64x128xf32, #tpu.memory_space<vmem>>
    %dma_start3A_11 = tpu.memref_squeeze %dma_start3A_10 : memref<1x64x128xf32, #tpu.memory_space<vmem>> -> memref<64x128xf32, #tpu.memory_space<vmem>>
    %dma_start3A_12 = arith.constant 0 : i32
    %dma_start3A_13 = arith.constant 0 : i32
    %dma_start3A_14 = tpu.memref_slice %arg8[%rem3A_6, %dma_start3A_12, %dma_start3A_13] : memref<25x64x128xf32, #tpu.memory_space<vmem_shared>> -> memref<1x64x128xf32, #tpu.memory_space<vmem_shared>>
    %dma_start3A_15 = tpu.memref_squeeze %dma_start3A_14 : memref<1x64x128xf32, #tpu.memory_space<vmem_shared>> -> memref<64x128xf32, #tpu.memory_space<vmem_shared>>
    %dma_start3A_16 = tpu.memref_slice %arg9[%dma_start3A_7] : memref<8x!tpu.dma_semaphore, #tpu.memory_space<semaphore_mem>> -> memref<1x!tpu.dma_semaphore, #tpu.memory_space<semaphore_mem>>
    %dma_start3A_17 = tpu.memref_squeeze %dma_start3A_16 : memref<1x!tpu.dma_semaphore, #tpu.memory_space<semaphore_mem>> -> memref<!tpu.dma_semaphore, #tpu.memory_space<semaphore_mem>>
    %dma_start3A_18 = arith.constant 0 : i32
    %dma_start3A_19 = arith.constant 0 : i32
    %dma_start3A_20 = tpu.memref_slice %arg7[%dma_start3A, %dma_start3A_18, %dma_start3A_19] : memref<8x64x128xf32, #tpu.memory_space<vmem>> -> memref<1x64x128xf32, #tpu.memory_space<vmem>>
    %dma_start3A_21 = tpu.memref_squeeze %dma_start3A_20 : memref<1x64x128xf32, #tpu.memory_space<vmem>> -> memref<64x128xf32, #tpu.memory_space<vmem>>
    %dma_start3A_22 = arith.constant 0 : i32
    %dma_start3A_23 = arith.constant 0 : i32
    %dma_start3A_24 = tpu.memref_slice %arg8[%rem3A_6, %dma_start3A_22, %dma_start3A_23] : memref<25x64x128xf32, #tpu.memory_space<vmem_shared>> -> memref<1x64x128xf32, #tpu.memory_space<vmem_shared>>
    %dma_start3A_25 = tpu.memref_squeeze %dma_start3A_24 : memref<1x64x128xf32, #tpu.memory_space<vmem_shared>> -> memref<64x128xf32, #tpu.memory_space<vmem_shared>>
    tpu.enqueue_dma source(%dma_start3A_25 : memref<64x128xf32, #tpu.memory_space<vmem_shared>>) target(%dma_start3A_21 : memref<64x128xf32, #tpu.memory_space<vmem>>) target_semaphore(%dma_start3A_17 : memref<!tpu.dma_semaphore, #tpu.memory_space<semaphore_mem>>)
    %rem3A_26 = arith.constant 1 : i32
    %rem3A_27 = arith.constant 25 : i32
    %rem3A_28 = arith.remsi %rem3A_26, %rem3A_27 : i32
    %dma_start3A_29 = arith.constant 1 : i32
    %dma_start3A_30 = arith.constant 1 : i32
    %dma_start3A_31 = arith.constant 0 : i32
    %dma_start3A_32 = arith.constant 0 : i32
    %dma_start3A_33 = tpu.memref_slice %arg7[%dma_start3A_29, %dma_start3A_31, %dma_start3A_32] : memref<8x64x128xf32, #tpu.memory_space<vmem>> -> memref<1x64x128xf32, #tpu.memory_space<vmem>>
    %dma_start3A_34 = tpu.memref_squeeze %dma_start3A_33 : memref<1x64x128xf32, #tpu.memory_space<vmem>> -> memref<64x128xf32, #tpu.memory_space<vmem>>
    %dma_start3A_35 = arith.constant 0 : i32
    %dma_start3A_36 = arith.constant 0 : i32
    %dma_start3A_37 = tpu.memref_slice %arg8[%rem3A_28, %dma_start3A_35, %dma_start3A_36] : memref<25x64x128xf32, #tpu.memory_space<vmem_shared>> -> memref<1x64x128xf32, #tpu.memory_space<vmem_shared>>
    %dma_start3A_38 = tpu.memref_squeeze %dma_start3A_37 : memref<1x64x128xf32, #tpu.memory_space<vmem_shared>> -> memref<64x128xf32, #tpu.memory_space<vmem_shared>>
    %dma_start3A_39 = tpu.memref_slice %arg9[%dma_start3A_30] : memref<8x!tpu.dma_semaphore, #tpu.memory_space<semaphore_mem>> -> memref<1x!tpu.dma_semaphore, #tpu.memory_space<semaphore_mem>>
    %dma_start3A_40 = tpu.memref_squeeze %dma_start3A_39 : memref<1x!tpu.dma_semaphore, #tpu.memory_space<semaphore_mem>> -> memref<!tpu.dma_semaphore, #tpu.memory_space<semaphore_mem>>
    %dma_start3A_41 = arith.constant 0 : i32
    %dma_start3A_42 = arith.constant 0 : i32
    %dma_start3A_43 = tpu.memref_slice %arg7[%dma_start3A_29, %dma_start3A_41, %dma_start3A_42] : memref<8x64x128xf32, #tpu.memory_space<vmem>> -> memref<1x64x128xf32, #tpu.memory_space<vmem>>
    %dma_start3A_44 = tpu.memref_squeeze %dma_start3A_43 : memref<1x64x128xf32, #tpu.memory_space<vmem>> -> memref<64x128xf32, #tpu.memory_space<vmem>>
    %dma_start3A_45 = arith.constant 0 : i32
    %dma_start3A_46 = arith.constant 0 : i32
    %dma_start3A_47 = tpu.memref_slice %arg8[%rem3A_28, %dma_start3A_45, %dma_start3A_46] : memref<25x64x128xf32, #tpu.memory_space<vmem_shared>> -> memref<1x64x128xf32, #tpu.memory_space<vmem_shared>>
    %dma_start3A_48 = tpu.memref_squeeze %dma_start3A_47 : memref<1x64x128xf32, #tpu.memory_space<vmem_shared>> -> memref<64x128xf32, #tpu.memory_space<vmem_shared>>
    tpu.enqueue_dma source(%dma_start3A_48 : memref<64x128xf32, #tpu.memory_space<vmem_shared>>) target(%dma_start3A_44 : memref<64x128xf32, #tpu.memory_space<vmem>>) target_semaphore(%dma_start3A_40 : memref<!tpu.dma_semaphore, #tpu.memory_space<semaphore_mem>>)
    %rem3A_49 = arith.constant 2 : i32
    %rem3A_50 = arith.constant 25 : i32
    %rem3A_51 = arith.remsi %rem3A_49, %rem3A_50 : i32
    %dma_start3A_52 = arith.constant 2 : i32
    %dma_start3A_53 = arith.constant 2 : i32
    %dma_start3A_54 = arith.constant 0 : i32
    %dma_start3A_55 = arith.constant 0 : i32
    %dma_start3A_56 = tpu.memref_slice %arg7[%dma_start3A_52, %dma_start3A_54, %dma_start3A_55] : memref<8x64x128xf32, #tpu.memory_space<vmem>> -> memref<1x64x128xf32, #tpu.memory_space<vmem>>
    %dma_start3A_57 = tpu.memref_squeeze %dma_start3A_56 : memref<1x64x128xf32, #tpu.memory_space<vmem>> -> memref<64x128xf32, #tpu.memory_space<vmem>>
    %dma_start3A_58 = arith.constant 0 : i32
    %dma_start3A_59 = arith.constant 0 : i32
    %dma_start3A_60 = tpu.memref_slice %arg8[%rem3A_51, %dma_start3A_58, %dma_start3A_59] : memref<25x64x128xf32, #tpu.memory_space<vmem_shared>> -> memref<1x64x128xf32, #tpu.memory_space<vmem_shared>>
    %dma_start3A_61 = tpu.memref_squeeze %dma_start3A_60 : memref<1x64x128xf32, #tpu.memory_space<vmem_shared>> -> memref<64x128xf32, #tpu.memory_space<vmem_shared>>
    %dma_start3A_62 = tpu.memref_slice %arg9[%dma_start3A_53] : memref<8x!tpu.dma_semaphore, #tpu.memory_space<semaphore_mem>> -> memref<1x!tpu.dma_semaphore, #tpu.memory_space<semaphore_mem>>
    %dma_start3A_63 = tpu.memref_squeeze %dma_start3A_62 : memref<1x!tpu.dma_semaphore, #tpu.memory_space<semaphore_mem>> -> memref<!tpu.dma_semaphore, #tpu.memory_space<semaphore_mem>>
    %dma_start3A_64 = arith.constant 0 : i32
    %dma_start3A_65 = arith.constant 0 : i32
    %dma_start3A_66 = tpu.memref_slice %arg7[%dma_start3A_52, %dma_start3A_64, %dma_start3A_65] : memref<8x64x128xf32, #tpu.memory_space<vmem>> -> memref<1x64x128xf32, #tpu.memory_space<vmem>>
    %dma_start3A_67 = tpu.memref_squeeze %dma_start3A_66 : memref<1x64x128xf32, #tpu.memory_space<vmem>> -> memref<64x128xf32, #tpu.memory_space<vmem>>
    %dma_start3A_68 = arith.constant 0 : i32
    %dma_start3A_69 = arith.constant 0 : i32
    %dma_start3A_70 = tpu.memref_slice %arg8[%rem3A_51, %dma_start3A_68, %dma_start3A_69] : memref<25x64x128xf32, #tpu.memory_space<vmem_shared>> -> memref<1x64x128xf32, #tpu.memory_space<vmem_shared>>
    %dma_start3A_71 = tpu.memref_squeeze %dma_start3A_70 : memref<1x64x128xf32, #tpu.memory_space<vmem_shared>> -> memref<64x128xf32, #tpu.memory_space<vmem_shared>>
    tpu.enqueue_dma source(%dma_start3A_71 : memref<64x128xf32, #tpu.memory_space<vmem_shared>>) target(%dma_start3A_67 : memref<64x128xf32, #tpu.memory_space<vmem>>) target_semaphore(%dma_start3A_63 : memref<!tpu.dma_semaphore, #tpu.memory_space<semaphore_mem>>)
    %rem3A_72 = arith.constant 3 : i32
    %rem3A_73 = arith.constant 25 : i32
    %rem3A_74 = arith.remsi %rem3A_72, %rem3A_73 : i32
    %dma_start3A_75 = arith.constant 3 : i32
    %dma_start3A_76 = arith.constant 3 : i32
    %dma_start3A_77 = arith.constant 0 : i32
    %dma_start3A_78 = arith.constant 0 : i32
    %dma_start3A_79 = tpu.memref_slice %arg7[%dma_start3A_75, %dma_start3A_77, %dma_start3A_78] : memref<8x64x128xf32, #tpu.memory_space<vmem>> -> memref<1x64x128xf32, #tpu.memory_space<vmem>>
    %dma_start3A_80 = tpu.memref_squeeze %dma_start3A_79 : memref<1x64x128xf32, #tpu.memory_space<vmem>> -> memref<64x128xf32, #tpu.memory_space<vmem>>
    %dma_start3A_81 = arith.constant 0 : i32
    %dma_start3A_82 = arith.constant 0 : i32
    %dma_start3A_83 = tpu.memref_slice %arg8[%rem3A_74, %dma_start3A_81, %dma_start3A_82] : memref<25x64x128xf32, #tpu.memory_space<vmem_shared>> -> memref<1x64x128xf32, #tpu.memory_space<vmem_shared>>
    %dma_start3A_84 = tpu.memref_squeeze %dma_start3A_83 : memref<1x64x128xf32, #tpu.memory_space<vmem_shared>> -> memref<64x128xf32, #tpu.memory_space<vmem_shared>>
    %dma_start3A_85 = tpu.memref_slice %arg9[%dma_start3A_76] : memref<8x!tpu.dma_semaphore, #tpu.memory_space<semaphore_mem>> -> memref<1x!tpu.dma_semaphore, #tpu.memory_space<semaphore_mem>>
    %dma_start3A_86 = tpu.memref_squeeze %dma_start3A_85 : memref<1x!tpu.dma_semaphore, #tpu.memory_space<semaphore_mem>> -> memref<!tpu.dma_semaphore, #tpu.memory_space<semaphore_mem>>
    %dma_start3A_87 = arith.constant 0 : i32
    %dma_start3A_88 = arith.constant 0 : i32
    %dma_start3A_89 = tpu.memref_slice %arg7[%dma_start3A_75, %dma_start3A_87, %dma_start3A_88] : memref<8x64x128xf32, #tpu.memory_space<vmem>> -> memref<1x64x128xf32, #tpu.memory_space<vmem>>
    %dma_start3A_90 = tpu.memref_squeeze %dma_start3A_89 : memref<1x64x128xf32, #tpu.memory_space<vmem>> -> memref<64x128xf32, #tpu.memory_space<vmem>>
    %dma_start3A_91 = arith.constant 0 : i32
    %dma_start3A_92 = arith.constant 0 : i32
    %dma_start3A_93 = tpu.memref_slice %arg8[%rem3A_74, %dma_start3A_91, %dma_start3A_92] : memref<25x64x128xf32, #tpu.memory_space<vmem_shared>> -> memref<1x64x128xf32, #tpu.memory_space<vmem_shared>>
    %dma_start3A_94 = tpu.memref_squeeze %dma_start3A_93 : memref<1x64x128xf32, #tpu.memory_space<vmem_shared>> -> memref<64x128xf32, #tpu.memory_space<vmem_shared>>
    tpu.enqueue_dma source(%dma_start3A_94 : memref<64x128xf32, #tpu.memory_space<vmem_shared>>) target(%dma_start3A_90 : memref<64x128xf32, #tpu.memory_space<vmem>>) target_semaphore(%dma_start3A_86 : memref<!tpu.dma_semaphore, #tpu.memory_space<semaphore_mem>>)
    %rem3A_95 = arith.constant 0 : i32
    %rem3A_96 = arith.constant 25 : i32
    %rem3A_97 = arith.remsi %rem3A_95, %rem3A_96 : i32
    %dma_wait3A = arith.constant 0 : i32
    %dma_wait3A_98 = arith.constant 0 : i32
    %dma_wait3A_99 = arith.constant 0 : i32
    %dma_wait3A_100 = arith.constant 0 : i32
    %dma_wait3A_101 = tpu.memref_slice %arg7[%dma_wait3A, %dma_wait3A_99, %dma_wait3A_100] : memref<8x64x128xf32, #tpu.memory_space<vmem>> -> memref<1x64x128xf32, #tpu.memory_space<vmem>>
    %dma_wait3A_102 = tpu.memref_squeeze %dma_wait3A_101 : memref<1x64x128xf32, #tpu.memory_space<vmem>> -> memref<64x128xf32, #tpu.memory_space<vmem>>
    %dma_wait3A_103 = arith.constant 0 : i32
    %dma_wait3A_104 = arith.constant 0 : i32
    %dma_wait3A_105 = tpu.memref_slice %arg8[%rem3A_97, %dma_wait3A_103, %dma_wait3A_104] : memref<25x64x128xf32, #tpu.memory_space<vmem_shared>> -> memref<1x64x128xf32, #tpu.memory_space<vmem_shared>>
    %dma_wait3A_106 = tpu.memref_squeeze %dma_wait3A_105 : memref<1x64x128xf32, #tpu.memory_space<vmem_shared>> -> memref<64x128xf32, #tpu.memory_space<vmem_shared>>
    %dma_wait3A_107 = tpu.memref_slice %arg9[%dma_wait3A_98] : memref<8x!tpu.dma_semaphore, #tpu.memory_space<semaphore_mem>> -> memref<1x!tpu.dma_semaphore, #tpu.memory_space<semaphore_mem>>
    %dma_wait3A_108 = tpu.memref_squeeze %dma_wait3A_107 : memref<1x!tpu.dma_semaphore, #tpu.memory_space<semaphore_mem>> -> memref<!tpu.dma_semaphore, #tpu.memory_space<semaphore_mem>>
    %dma_wait3A_109 = arith.constant 0 : i32
    %dma_wait3A_110 = arith.constant 0 : i32
    %dma_wait3A_111 = tpu.memref_slice %arg7[%dma_wait3A, %dma_wait3A_109, %dma_wait3A_110] : memref<8x64x128xf32, #tpu.memory_space<vmem>> -> memref<1x64x128xf32, #tpu.memory_space<vmem>>
    %dma_wait3A_112 = tpu.memref_squeeze %dma_wait3A_111 : memref<1x64x128xf32, #tpu.memory_space<vmem>> -> memref<64x128xf32, #tpu.memory_space<vmem>>
    %dma_wait3A_113 = arith.constant 0 : i32
    %dma_wait3A_114 = arith.constant 0 : i32
    %dma_wait3A_115 = tpu.memref_slice %arg8[%rem3A_97, %dma_wait3A_113, %dma_wait3A_114] : memref<25x64x128xf32, #tpu.memory_space<vmem_shared>> -> memref<1x64x128xf32, #tpu.memory_space<vmem_shared>>
    %dma_wait3A_116 = tpu.memref_squeeze %dma_wait3A_115 : memref<1x64x128xf32, #tpu.memory_space<vmem_shared>> -> memref<64x128xf32, #tpu.memory_space<vmem_shared>>
    tpu.wait_dma2 semaphore(%dma_wait3A_108 : memref<!tpu.dma_semaphore, #tpu.memory_space<semaphore_mem>>) src(%dma_wait3A_116 : memref<64x128xf32, #tpu.memory_space<vmem_shared>>) dst(%dma_wait3A_112 : memref<64x128xf32, #tpu.memory_space<vmem>>)
    %dma_start3A_117 = arith.constant 0 : i32
    %dma_start3A_118 = arith.constant 0 : i32
    %dma_start3A_119 = arith.constant 0 : i32
    %dma_start3A_120 = arith.constant 0 : i32
    %dma_start3A_121 = arith.constant 0 : i32
    %dma_start3A_122 = tpu.memref_slice %arg7[%dma_start3A_118, %dma_start3A_120, %dma_start3A_121] : memref<8x64x128xf32, #tpu.memory_space<vmem>> -> memref<1x64x128xf32, #tpu.memory_space<vmem>>
    %dma_start3A_123 = tpu.memref_squeeze %dma_start3A_122 : memref<1x64x128xf32, #tpu.memory_space<vmem>> -> memref<64x128xf32, #tpu.memory_space<vmem>>
    %dma_start3A_124 = arith.constant 0 : i32
    %dma_start3A_125 = tpu.memref_slice %arg6[%dma_start3A_117, %dma_start3A_124] : memref<400x64xi32, #tpu.memory_space<vmem>> -> memref<1x64xi32, #tpu.memory_space<vmem>>
    %dma_start3A_126 = tpu.memref_squeeze %dma_start3A_125 : memref<1x64xi32, #tpu.memory_space<vmem>> -> memref<64xi32, #tpu.memory_space<vmem>>
    %dma_start3A_127 = arith.constant 0 : i32
    %dma_start3A_128 = arith.constant 0 : i32
    %dma_start3A_129 = tpu.memref_slice %arg3[%dma_start3A_127, %dma_start3A_128] : memref<100000x128xf32, #tpu.memory_space<hbm>> -> memref<100000x128xf32, #tpu.memory_space<hbm>>
    %dma_start3A_130 = tpu.memref_slice %arg10[%dma_start3A_119] : memref<8x!tpu.dma_semaphore, #tpu.memory_space<semaphore_mem>> -> memref<1x!tpu.dma_semaphore, #tpu.memory_space<semaphore_mem>>
    %dma_start3A_131 = tpu.memref_squeeze %dma_start3A_130 : memref<1x!tpu.dma_semaphore, #tpu.memory_space<semaphore_mem>> -> memref<!tpu.dma_semaphore, #tpu.memory_space<semaphore_mem>>
    tpu.enqueue_indirect_dma source(%dma_start3A_129 : memref<100000x128xf32, #tpu.memory_space<hbm>>) target(%dma_start3A_123 : memref<64x128xf32, #tpu.memory_space<vmem>>) offsets(%dma_start3A_126 : memref<64xi32, #tpu.memory_space<vmem>>) semaphore(%dma_start3A_131 : memref<!tpu.dma_semaphore, #tpu.memory_space<semaphore_mem>>) {add = true}
    %rem3A_132 = arith.constant 1 : i32
    %rem3A_133 = arith.constant 25 : i32
    %rem3A_134 = arith.remsi %rem3A_132, %rem3A_133 : i32
    %dma_wait3A_135 = arith.constant 1 : i32
    %dma_wait3A_136 = arith.constant 1 : i32
    %dma_wait3A_137 = arith.constant 0 : i32
    %dma_wait3A_138 = arith.constant 0 : i32
    %dma_wait3A_139 = tpu.memref_slice %arg7[%dma_wait3A_135, %dma_wait3A_137, %dma_wait3A_138] : memref<8x64x128xf32, #tpu.memory_space<vmem>> -> memref<1x64x128xf32, #tpu.memory_space<vmem>>
    %dma_wait3A_140 = tpu.memref_squeeze %dma_wait3A_139 : memref<1x64x128xf32, #tpu.memory_space<vmem>> -> memref<64x128xf32, #tpu.memory_space<vmem>>
    %dma_wait3A_141 = arith.constant 0 : i32
    %dma_wait3A_142 = arith.constant 0 : i32
    %dma_wait3A_143 = tpu.memref_slice %arg8[%rem3A_134, %dma_wait3A_141, %dma_wait3A_142] : memref<25x64x128xf32, #tpu.memory_space<vmem_shared>> -> memref<1x64x128xf32, #tpu.memory_space<vmem_shared>>
    %dma_wait3A_144 = tpu.memref_squeeze %dma_wait3A_143 : memref<1x64x128xf32, #tpu.memory_space<vmem_shared>> -> memref<64x128xf32, #tpu.memory_space<vmem_shared>>
    %dma_wait3A_145 = tpu.memref_slice %arg9[%dma_wait3A_136] : memref<8x!tpu.dma_semaphore, #tpu.memory_space<semaphore_mem>> -> memref<1x!tpu.dma_semaphore, #tpu.memory_space<semaphore_mem>>
    %dma_wait3A_146 = tpu.memref_squeeze %dma_wait3A_145 : memref<1x!tpu.dma_semaphore, #tpu.memory_space<semaphore_mem>> -> memref<!tpu.dma_semaphore, #tpu.memory_space<semaphore_mem>>
    %dma_wait3A_147 = arith.constant 0 : i32
    %dma_wait3A_148 = arith.constant 0 : i32
    %dma_wait3A_149 = tpu.memref_slice %arg7[%dma_wait3A_135, %dma_wait3A_147, %dma_wait3A_148] : memref<8x64x128xf32, #tpu.memory_space<vmem>> -> memref<1x64x128xf32, #tpu.memory_space<vmem>>
    %dma_wait3A_150 = tpu.memref_squeeze %dma_wait3A_149 : memref<1x64x128xf32, #tpu.memory_space<vmem>> -> memref<64x128xf32, #tpu.memory_space<vmem>>
    %dma_wait3A_151 = arith.constant 0 : i32
    %dma_wait3A_152 = arith.constant 0 : i32
    %dma_wait3A_153 = tpu.memref_slice %arg8[%rem3A_134, %dma_wait3A_151, %dma_wait3A_152] : memref<25x64x128xf32, #tpu.memory_space<vmem_shared>> -> memref<1x64x128xf32, #tpu.memory_space<vmem_shared>>
    %dma_wait3A_154 = tpu.memref_squeeze %dma_wait3A_153 : memref<1x64x128xf32, #tpu.memory_space<vmem_shared>> -> memref<64x128xf32, #tpu.memory_space<vmem_shared>>
    tpu.wait_dma2 semaphore(%dma_wait3A_146 : memref<!tpu.dma_semaphore, #tpu.memory_space<semaphore_mem>>) src(%dma_wait3A_154 : memref<64x128xf32, #tpu.memory_space<vmem_shared>>) dst(%dma_wait3A_150 : memref<64x128xf32, #tpu.memory_space<vmem>>)
    %dma_start3A_155 = arith.constant 1 : i32
    %dma_start3A_156 = arith.constant 1 : i32
    %dma_start3A_157 = arith.constant 1 : i32
    %dma_start3A_158 = arith.constant 0 : i32
    %dma_start3A_159 = arith.constant 0 : i32
    %dma_start3A_160 = tpu.memref_slice %arg7[%dma_start3A_156, %dma_start3A_158, %dma_start3A_159] : memref<8x64x128xf32, #tpu.memory_space<vmem>> -> memref<1x64x128xf32, #tpu.memory_space<vmem>>
    %dma_start3A_161 = tpu.memref_squeeze %dma_start3A_160 : memref<1x64x128xf32, #tpu.memory_space<vmem>> -> memref<64x128xf32, #tpu.memory_space<vmem>>
    %dma_start3A_162 = arith.constant 0 : i32
    %dma_start3A_163 = tpu.memref_slice %arg6[%dma_start3A_155, %dma_start3A_162] : memref<400x64xi32, #tpu.memory_space<vmem>> -> memref<1x64xi32, #tpu.memory_space<vmem>>
    %dma_start3A_164 = tpu.memref_squeeze %dma_start3A_163 : memref<1x64xi32, #tpu.memory_space<vmem>> -> memref<64xi32, #tpu.memory_space<vmem>>
    %dma_start3A_165 = arith.constant 0 : i32
    %dma_start3A_166 = arith.constant 0 : i32
    %dma_start3A_167 = tpu.memref_slice %arg3[%dma_start3A_165, %dma_start3A_166] : memref<100000x128xf32, #tpu.memory_space<hbm>> -> memref<100000x128xf32, #tpu.memory_space<hbm>>
    %dma_start3A_168 = tpu.memref_slice %arg10[%dma_start3A_157] : memref<8x!tpu.dma_semaphore, #tpu.memory_space<semaphore_mem>> -> memref<1x!tpu.dma_semaphore, #tpu.memory_space<semaphore_mem>>
    %dma_start3A_169 = tpu.memref_squeeze %dma_start3A_168 : memref<1x!tpu.dma_semaphore, #tpu.memory_space<semaphore_mem>> -> memref<!tpu.dma_semaphore, #tpu.memory_space<semaphore_mem>>
    tpu.enqueue_indirect_dma source(%dma_start3A_167 : memref<100000x128xf32, #tpu.memory_space<hbm>>) target(%dma_start3A_161 : memref<64x128xf32, #tpu.memory_space<vmem>>) offsets(%dma_start3A_164 : memref<64xi32, #tpu.memory_space<vmem>>) semaphore(%dma_start3A_169 : memref<!tpu.dma_semaphore, #tpu.memory_space<semaphore_mem>>) {add = true}
    %scan3A = arith.constant 0 : i32
    %scan3A_170 = arith.constant 50 : i32
    %scan3A_171 = arith.addi %scan3A, %scan3A_170 : i32
    %scan3A_172 = arith.constant 1 : i32
    scf.for %scan3A_318 = %scan3A to %scan3A_171 step %scan3A_172  : i32 {
      %mul3A_319 = arith.constant 8 : i32
      %mul3A_320 = arith.muli %scan3A_318, %mul3A_319 : i32
      %add3A_321 = arith.constant 0 : i32
      %add3A_322 = arith.addi %add3A_321, %mul3A_320 : i32
      %add3A_323 = arith.constant 0 : i32
      %add3A_324 = arith.addi %add3A_322, %add3A_323 : i32
      %add3A_325 = arith.constant 4 : i32
      %add3A_326 = arith.addi %add3A_324, %add3A_325 : i32
      %lt3A = arith.constant 400 : i32
      %lt3A_327 = arith.cmpi slt, %add3A_326, %lt3A : i32
      %convert_element_type3A_328 = arith.extui %lt3A_327 : i1 to i32
      %cond3A_329 = arith.constant 0 : i32
      %cond3A_330 = arith.cmpi ne, %convert_element_type3A_328, %cond3A_329 : i32
      scf.if %cond3A_330 {
        %ge3A = arith.constant 4 : i32
        %ge3A_714 = arith.cmpi sge, %add3A_324, %ge3A : i32
        %convert_element_type3A_715 = arith.extui %ge3A_714 : i1 to i32
        %cond3A_716 = arith.constant 0 : i32
        %cond3A_717 = arith.cmpi ne, %convert_element_type3A_715, %cond3A_716 : i32
        scf.if %cond3A_717 {
          %add3A_742 = arith.constant 4 : i32
          %add3A_743 = arith.addi %add3A_324, %add3A_742 : i32
          %sub3A = arith.constant 8 : i32
          %sub3A_744 = arith.subi %add3A_743, %sub3A : i32
          %mul3A_745 = arith.constant 64 : i32
          %mul3A_746 = arith.muli %sub3A_744, %mul3A_745 : i32
          %add3A_747 = arith.addi %mul3A_4, %mul3A_746 : i32
          %dma_wait3A_748 = arith.constant 4 : i32
          %dma_wait3A_749 = arith.constant 4 : i32
          %dma_wait3A_750 = arith.constant 0 : i32
          %dma_wait3A_751 = arith.constant 0 : i32
          %dma_wait3A_752 = tpu.memref_slice %arg7[%dma_wait3A_748, %dma_wait3A_750, %dma_wait3A_751] : memref<8x64x128xf32, #tpu.memory_space<vmem>> -> memref<1x64x128xf32, #tpu.memory_space<vmem>>
          %dma_wait3A_753 = tpu.memref_squeeze %dma_wait3A_752 : memref<1x64x128xf32, #tpu.memory_space<vmem>> -> memref<64x128xf32, #tpu.memory_space<vmem>>
          %dma_wait3A_754 = arith.constant 0 : i32
          %dma_wait3A_755 = tpu.memref_slice %arg5[%add3A_747, %dma_wait3A_754] : memref<819200x128xf32, #tpu.memory_space<hbm>> -> memref<64x128xf32, #tpu.memory_space<hbm>>
          %dma_wait3A_756 = tpu.memref_slice %arg11[%dma_wait3A_749] : memref<8x!tpu.dma_semaphore, #tpu.memory_space<semaphore_mem>> -> memref<1x!tpu.dma_semaphore, #tpu.memory_space<semaphore_mem>>
          %dma_wait3A_757 = tpu.memref_squeeze %dma_wait3A_756 : memref<1x!tpu.dma_semaphore, #tpu.memory_space<semaphore_mem>> -> memref<!tpu.dma_semaphore, #tpu.memory_space<semaphore_mem>>
          %dma_wait3A_758 = arith.constant 0 : i32
          %dma_wait3A_759 = tpu.memref_slice %arg5[%add3A_747, %dma_wait3A_758] : memref<819200x128xf32, #tpu.memory_space<hbm>> -> memref<64x128xf32, #tpu.memory_space<hbm>>
          %dma_wait3A_760 = arith.constant 0 : i32
          %dma_wait3A_761 = arith.constant 0 : i32
          %dma_wait3A_762 = tpu.memref_slice %arg7[%dma_wait3A_748, %dma_wait3A_760, %dma_wait3A_761] : memref<8x64x128xf32, #tpu.memory_space<vmem>> -> memref<1x64x128xf32, #tpu.memory_space<vmem>>
          %dma_wait3A_763 = tpu.memref_squeeze %dma_wait3A_762 : memref<1x64x128xf32, #tpu.memory_space<vmem>> -> memref<64x128xf32, #tpu.memory_space<vmem>>
          tpu.wait_dma2 semaphore(%dma_wait3A_757 : memref<!tpu.dma_semaphore, #tpu.memory_space<semaphore_mem>>) src(%dma_wait3A_763 : memref<64x128xf32, #tpu.memory_space<vmem>>) dst(%dma_wait3A_759 : memref<64x128xf32, #tpu.memory_space<hbm>>)
        } else {
        }
        %add3A_718 = arith.constant 4 : i32
        %add3A_719 = arith.addi %add3A_324, %add3A_718 : i32
        %rem3A_720 = arith.constant 25 : i32
        %rem3A_721 = arith.remsi %add3A_719, %rem3A_720 : i32
        %dma_start3A_722 = arith.constant 4 : i32
        %dma_start3A_723 = arith.constant 4 : i32
        %dma_start3A_724 = arith.constant 0 : i32
        %dma_start3A_725 = arith.constant 0 : i32
        %dma_start3A_726 = tpu.memref_slice %arg7[%dma_start3A_722, %dma_start3A_724, %dma_start3A_725] : memref<8x64x128xf32, #tpu.memory_space<vmem>> -> memref<1x64x128xf32, #tpu.memory_space<vmem>>
        %dma_start3A_727 = tpu.memref_squeeze %dma_start3A_726 : memref<1x64x128xf32, #tpu.memory_space<vmem>> -> memref<64x128xf32, #tpu.memory_space<vmem>>
        %dma_start3A_728 = arith.constant 0 : i32
        %dma_start3A_729 = arith.constant 0 : i32
        %dma_start3A_730 = tpu.memref_slice %arg8[%rem3A_721, %dma_start3A_728, %dma_start3A_729] : memref<25x64x128xf32, #tpu.memory_space<vmem_shared>> -> memref<1x64x128xf32, #tpu.memory_space<vmem_shared>>
        %dma_start3A_731 = tpu.memref_squeeze %dma_start3A_730 : memref<1x64x128xf32, #tpu.memory_space<vmem_shared>> -> memref<64x128xf32, #tpu.memory_space<vmem_shared>>
        %dma_start3A_732 = tpu.memref_slice %arg9[%dma_start3A_723] : memref<8x!tpu.dma_semaphore, #tpu.memory_space<semaphore_mem>> -> memref<1x!tpu.dma_semaphore, #tpu.memory_space<semaphore_mem>>
        %dma_start3A_733 = tpu.memref_squeeze %dma_start3A_732 : memref<1x!tpu.dma_semaphore, #tpu.memory_space<semaphore_mem>> -> memref<!tpu.dma_semaphore, #tpu.memory_space<semaphore_mem>>
        %dma_start3A_734 = arith.constant 0 : i32
        %dma_start3A_735 = arith.constant 0 : i32
        %dma_start3A_736 = tpu.memref_slice %arg7[%dma_start3A_722, %dma_start3A_734, %dma_start3A_735] : memref<8x64x128xf32, #tpu.memory_space<vmem>> -> memref<1x64x128xf32, #tpu.memory_space<vmem>>
        %dma_start3A_737 = tpu.memref_squeeze %dma_start3A_736 : memref<1x64x128xf32, #tpu.memory_space<vmem>> -> memref<64x128xf32, #tpu.memory_space<vmem>>
        %dma_start3A_738 = arith.constant 0 : i32
        %dma_start3A_739 = arith.constant 0 : i32
        %dma_start3A_740 = tpu.memref_slice %arg8[%rem3A_721, %dma_start3A_738, %dma_start3A_739] : memref<25x64x128xf32, #tpu.memory_space<vmem_shared>> -> memref<1x64x128xf32, #tpu.memory_space<vmem_shared>>
        %dma_start3A_741 = tpu.memref_squeeze %dma_start3A_740 : memref<1x64x128xf32, #tpu.memory_space<vmem_shared>> -> memref<64x128xf32, #tpu.memory_space<vmem_shared>>
        tpu.enqueue_dma source(%dma_start3A_741 : memref<64x128xf32, #tpu.memory_space<vmem_shared>>) target(%dma_start3A_737 : memref<64x128xf32, #tpu.memory_space<vmem>>) target_semaphore(%dma_start3A_733 : memref<!tpu.dma_semaphore, #tpu.memory_space<semaphore_mem>>)
      } else {
      }
      %add3A_331 = arith.constant 2 : i32
      %add3A_332 = arith.addi %add3A_324, %add3A_331 : i32
      %lt3A_333 = arith.constant 400 : i32
      %lt3A_334 = arith.cmpi slt, %add3A_332, %lt3A_333 : i32
      %convert_element_type3A_335 = arith.extui %lt3A_334 : i1 to i32
      %cond3A_336 = arith.constant 0 : i32
      %cond3A_337 = arith.cmpi ne, %convert_element_type3A_335, %cond3A_336 : i32
      scf.if %cond3A_337 {
        %add3A_714 = arith.constant 2 : i32
        %add3A_715 = arith.addi %add3A_324, %add3A_714 : i32
        %rem3A_716 = arith.constant 25 : i32
        %rem3A_717 = arith.remsi %add3A_715, %rem3A_716 : i32
        %dma_wait3A_718 = arith.constant 2 : i32
        %dma_wait3A_719 = arith.constant 2 : i32
        %dma_wait3A_720 = arith.constant 0 : i32
        %dma_wait3A_721 = arith.constant 0 : i32
        %dma_wait3A_722 = tpu.memref_slice %arg7[%dma_wait3A_718, %dma_wait3A_720, %dma_wait3A_721] : memref<8x64x128xf32, #tpu.memory_space<vmem>> -> memref<1x64x128xf32, #tpu.memory_space<vmem>>
        %dma_wait3A_723 = tpu.memref_squeeze %dma_wait3A_722 : memref<1x64x128xf32, #tpu.memory_space<vmem>> -> memref<64x128xf32, #tpu.memory_space<vmem>>
        %dma_wait3A_724 = arith.constant 0 : i32
        %dma_wait3A_725 = arith.constant 0 : i32
        %dma_wait3A_726 = tpu.memref_slice %arg8[%rem3A_717, %dma_wait3A_724, %dma_wait3A_725] : memref<25x64x128xf32, #tpu.memory_space<vmem_shared>> -> memref<1x64x128xf32, #tpu.memory_space<vmem_shared>>
        %dma_wait3A_727 = tpu.memref_squeeze %dma_wait3A_726 : memref<1x64x128xf32, #tpu.memory_space<vmem_shared>> -> memref<64x128xf32, #tpu.memory_space<vmem_shared>>
        %dma_wait3A_728 = tpu.memref_slice %arg9[%dma_wait3A_719] : memref<8x!tpu.dma_semaphore, #tpu.memory_space<semaphore_mem>> -> memref<1x!tpu.dma_semaphore, #tpu.memory_space<semaphore_mem>>
        %dma_wait3A_729 = tpu.memref_squeeze %dma_wait3A_728 : memref<1x!tpu.dma_semaphore, #tpu.memory_space<semaphore_mem>> -> memref<!tpu.dma_semaphore, #tpu.memory_space<semaphore_mem>>
        %dma_wait3A_730 = arith.constant 0 : i32
        %dma_wait3A_731 = arith.constant 0 : i32
        %dma_wait3A_732 = tpu.memref_slice %arg7[%dma_wait3A_718, %dma_wait3A_730, %dma_wait3A_731] : memref<8x64x128xf32, #tpu.memory_space<vmem>> -> memref<1x64x128xf32, #tpu.memory_space<vmem>>
        %dma_wait3A_733 = tpu.memref_squeeze %dma_wait3A_732 : memref<1x64x128xf32, #tpu.memory_space<vmem>> -> memref<64x128xf32, #tpu.memory_space<vmem>>
        %dma_wait3A_734 = arith.constant 0 : i32
        %dma_wait3A_735 = arith.constant 0 : i32
        %dma_wait3A_736 = tpu.memref_slice %arg8[%rem3A_717, %dma_wait3A_734, %dma_wait3A_735] : memref<25x64x128xf32, #tpu.memory_space<vmem_shared>> -> memref<1x64x128xf32, #tpu.memory_space<vmem_shared>>
        %dma_wait3A_737 = tpu.memref_squeeze %dma_wait3A_736 : memref<1x64x128xf32, #tpu.memory_space<vmem_shared>> -> memref<64x128xf32, #tpu.memory_space<vmem_shared>>
        tpu.wait_dma2 semaphore(%dma_wait3A_729 : memref<!tpu.dma_semaphore, #tpu.memory_space<semaphore_mem>>) src(%dma_wait3A_737 : memref<64x128xf32, #tpu.memory_space<vmem_shared>>) dst(%dma_wait3A_733 : memref<64x128xf32, #tpu.memory_space<vmem>>)
        %add3A_738 = arith.constant 2 : i32
        %add3A_739 = arith.addi %add3A_324, %add3A_738 : i32
        %dma_start3A_740 = arith.constant 2 : i32
        %dma_start3A_741 = arith.constant 2 : i32
        %dma_start3A_742 = arith.constant 0 : i32
        %dma_start3A_743 = arith.constant 0 : i32
        %dma_start3A_744 = tpu.memref_slice %arg7[%dma_start3A_740, %dma_start3A_742, %dma_start3A_743] : memref<8x64x128xf32, #tpu.memory_space<vmem>> -> memref<1x64x128xf32, #tpu.memory_space<vmem>>
        %dma_start3A_745 = tpu.memref_squeeze %dma_start3A_744 : memref<1x64x128xf32, #tpu.memory_space<vmem>> -> memref<64x128xf32, #tpu.memory_space<vmem>>
        %dma_start3A_746 = arith.constant 0 : i32
        %dma_start3A_747 = tpu.memref_slice %arg6[%add3A_739, %dma_start3A_746] : memref<400x64xi32, #tpu.memory_space<vmem>> -> memref<1x64xi32, #tpu.memory_space<vmem>>
        %dma_start3A_748 = tpu.memref_squeeze %dma_start3A_747 : memref<1x64xi32, #tpu.memory_space<vmem>> -> memref<64xi32, #tpu.memory_space<vmem>>
        %dma_start3A_749 = arith.constant 0 : i32
        %dma_start3A_750 = arith.constant 0 : i32
        %dma_start3A_751 = tpu.memref_slice %arg3[%dma_start3A_749, %dma_start3A_750] : memref<100000x128xf32, #tpu.memory_space<hbm>> -> memref<100000x128xf32, #tpu.memory_space<hbm>>
        %dma_start3A_752 = tpu.memref_slice %arg10[%dma_start3A_741] : memref<8x!tpu.dma_semaphore, #tpu.memory_space<semaphore_mem>> -> memref<1x!tpu.dma_semaphore, #tpu.memory_space<semaphore_mem>>
        %dma_start3A_753 = tpu.memref_squeeze %dma_start3A_752 : memref<1x!tpu.dma_semaphore, #tpu.memory_space<semaphore_mem>> -> memref<!tpu.dma_semaphore, #tpu.memory_space<semaphore_mem>>
        tpu.enqueue_indirect_dma source(%dma_start3A_751 : memref<100000x128xf32, #tpu.memory_space<hbm>>) target(%dma_start3A_745 : memref<64x128xf32, #tpu.memory_space<vmem>>) offsets(%dma_start3A_748 : memref<64xi32, #tpu.memory_space<vmem>>) semaphore(%dma_start3A_753 : memref<!tpu.dma_semaphore, #tpu.memory_space<semaphore_mem>>) {add = true}
      } else {
      }
      %dma_wait3A_338 = arith.constant 0 : i32
      %dma_wait3A_339 = arith.constant 0 : i32
      %dma_wait3A_340 = arith.constant 0 : i32
      %dma_wait3A_341 = arith.constant 0 : i32
      %dma_wait3A_342 = tpu.memref_slice %arg7[%dma_wait3A_338, %dma_wait3A_340, %dma_wait3A_341] : memref<8x64x128xf32, #tpu.memory_space<vmem>> -> memref<1x64x128xf32, #tpu.memory_space<vmem>>
      %dma_wait3A_343 = tpu.memref_squeeze %dma_wait3A_342 : memref<1x64x128xf32, #tpu.memory_space<vmem>> -> memref<64x128xf32, #tpu.memory_space<vmem>>
      %dma_wait3A_344 = arith.constant 0 : i32
      %dma_wait3A_345 = tpu.memref_slice %arg6[%add3A_324, %dma_wait3A_344] : memref<400x64xi32, #tpu.memory_space<vmem>> -> memref<1x64xi32, #tpu.memory_space<vmem>>
      %dma_wait3A_346 = tpu.memref_squeeze %dma_wait3A_345 : memref<1x64xi32, #tpu.memory_space<vmem>> -> memref<64xi32, #tpu.memory_space<vmem>>
      %dma_wait3A_347 = arith.constant 0 : i32
      %dma_wait3A_348 = arith.constant 0 : i32
      %dma_wait3A_349 = tpu.memref_slice %arg3[%dma_wait3A_347, %dma_wait3A_348] : memref<100000x128xf32, #tpu.memory_space<hbm>> -> memref<100000x128xf32, #tpu.memory_space<hbm>>
      %dma_wait3A_350 = tpu.memref_slice %arg10[%dma_wait3A_339] : memref<8x!tpu.dma_semaphore, #tpu.memory_space<semaphore_mem>> -> memref<1x!tpu.dma_semaphore, #tpu.memory_space<semaphore_mem>>
      %dma_wait3A_351 = tpu.memref_squeeze %dma_wait3A_350 : memref<1x!tpu.dma_semaphore, #tpu.memory_space<semaphore_mem>> -> memref<!tpu.dma_semaphore, #tpu.memory_space<semaphore_mem>>
      tpu.wait_indirect_dma semaphore(%dma_wait3A_351 : memref<!tpu.dma_semaphore, #tpu.memory_space<semaphore_mem>>) src(%dma_wait3A_349 : memref<100000x128xf32, #tpu.memory_space<hbm>>) dst(%dma_wait3A_343 : memref<64x128xf32, #tpu.memory_space<vmem>>)
      %mul3A_352 = arith.constant 64 : i32
      %mul3A_353 = arith.muli %add3A_324, %mul3A_352 : i32
      %add3A_354 = arith.addi %mul3A_4, %mul3A_353 : i32
      %dma_start3A_355 = arith.constant 0 : i32
      %dma_start3A_356 = arith.constant 0 : i32
      %dma_start3A_357 = arith.constant 0 : i32
      %dma_start3A_358 = arith.constant 0 : i32
      %dma_start3A_359 = tpu.memref_slice %arg7[%dma_start3A_355, %dma_start3A_357, %dma_start3A_358] : memref<8x64x128xf32, #tpu.memory_space<vmem>> -> memref<1x64x128xf32, #tpu.memory_space<vmem>>
      %dma_start3A_360 = tpu.memref_squeeze %dma_start3A_359 : memref<1x64x128xf32, #tpu.memory_space<vmem>> -> memref<64x128xf32, #tpu.memory_space<vmem>>
      %dma_start3A_361 = arith.constant 0 : i32
      %dma_start3A_362 = tpu.memref_slice %arg5[%add3A_354, %dma_start3A_361] : memref<819200x128xf32, #tpu.memory_space<hbm>> -> memref<64x128xf32, #tpu.memory_space<hbm>>
      %dma_start3A_363 = tpu.memref_slice %arg11[%dma_start3A_356] : memref<8x!tpu.dma_semaphore, #tpu.memory_space<semaphore_mem>> -> memref<1x!tpu.dma_semaphore, #tpu.memory_space<semaphore_mem>>
      %dma_start3A_364 = tpu.memref_squeeze %dma_start3A_363 : memref<1x!tpu.dma_semaphore, #tpu.memory_space<semaphore_mem>> -> memref<!tpu.dma_semaphore, #tpu.memory_space<semaphore_mem>>
      %dma_start3A_365 = arith.constant 0 : i32
      %dma_start3A_366 = tpu.memref_slice %arg5[%add3A_354, %dma_start3A_365] : memref<819200x128xf32, #tpu.memory_space<hbm>> -> memref<64x128xf32, #tpu.memory_space<hbm>>
      %dma_start3A_367 = arith.constant 0 : i32
      %dma_start3A_368 = arith.constant 0 : i32
      %dma_start3A_369 = tpu.memref_slice %arg7[%dma_start3A_355, %dma_start3A_367, %dma_start3A_368] : memref<8x64x128xf32, #tpu.memory_space<vmem>> -> memref<1x64x128xf32, #tpu.memory_space<vmem>>
      %dma_start3A_370 = tpu.memref_squeeze %dma_start3A_369 : memref<1x64x128xf32, #tpu.memory_space<vmem>> -> memref<64x128xf32, #tpu.memory_space<vmem>>
      tpu.enqueue_dma source(%dma_start3A_370 : memref<64x128xf32, #tpu.memory_space<vmem>>) target(%dma_start3A_366 : memref<64x128xf32, #tpu.memory_space<hbm>>) target_semaphore(%dma_start3A_364 : memref<!tpu.dma_semaphore, #tpu.memory_space<semaphore_mem>>)
      %add3A_371 = arith.constant 1 : i32
      %add3A_372 = arith.addi %add3A_322, %add3A_371 : i32
      %add3A_373 = arith.constant 4 : i32
      %add3A_374 = arith.addi %add3A_372, %add3A_373 : i32
      %lt3A_375 = arith.constant 400 : i32
      %lt3A_376 = arith.cmpi slt, %add3A_374, %lt3A_375 : i32
      %convert_element_type3A_377 = arith.extui %lt3A_376 : i1 to i32
      %cond3A_378 = arith.constant 0 : i32
      %cond3A_379 = arith.cmpi ne, %convert_element_type3A_377, %cond3A_378 : i32
      scf.if %cond3A_379 {
        %ge3A = arith.constant 4 : i32
        %ge3A_714 = arith.cmpi sge, %add3A_372, %ge3A : i32
        %convert_element_type3A_715 = arith.extui %ge3A_714 : i1 to i32
        %cond3A_716 = arith.constant 0 : i32
        %cond3A_717 = arith.cmpi ne, %convert_element_type3A_715, %cond3A_716 : i32
        scf.if %cond3A_717 {
          %add3A_742 = arith.constant 4 : i32
          %add3A_743 = arith.addi %add3A_372, %add3A_742 : i32
          %sub3A = arith.constant 8 : i32
          %sub3A_744 = arith.subi %add3A_743, %sub3A : i32
          %mul3A_745 = arith.constant 64 : i32
          %mul3A_746 = arith.muli %sub3A_744, %mul3A_745 : i32
          %add3A_747 = arith.addi %mul3A_4, %mul3A_746 : i32
          %dma_wait3A_748 = arith.constant 5 : i32
          %dma_wait3A_749 = arith.constant 5 : i32
          %dma_wait3A_750 = arith.constant 0 : i32
          %dma_wait3A_751 = arith.constant 0 : i32
          %dma_wait3A_752 = tpu.memref_slice %arg7[%dma_wait3A_748, %dma_wait3A_750, %dma_wait3A_751] : memref<8x64x128xf32, #tpu.memory_space<vmem>> -> memref<1x64x128xf32, #tpu.memory_space<vmem>>
          %dma_wait3A_753 = tpu.memref_squeeze %dma_wait3A_752 : memref<1x64x128xf32, #tpu.memory_space<vmem>> -> memref<64x128xf32, #tpu.memory_space<vmem>>
          %dma_wait3A_754 = arith.constant 0 : i32
          %dma_wait3A_755 = tpu.memref_slice %arg5[%add3A_747, %dma_wait3A_754] : memref<819200x128xf32, #tpu.memory_space<hbm>> -> memref<64x128xf32, #tpu.memory_space<hbm>>
          %dma_wait3A_756 = tpu.memref_slice %arg11[%dma_wait3A_749] : memref<8x!tpu.dma_semaphore, #tpu.memory_space<semaphore_mem>> -> memref<1x!tpu.dma_semaphore, #tpu.memory_space<semaphore_mem>>
          %dma_wait3A_757 = tpu.memref_squeeze %dma_wait3A_756 : memref<1x!tpu.dma_semaphore, #tpu.memory_space<semaphore_mem>> -> memref<!tpu.dma_semaphore, #tpu.memory_space<semaphore_mem>>
          %dma_wait3A_758 = arith.constant 0 : i32
          %dma_wait3A_759 = tpu.memref_slice %arg5[%add3A_747, %dma_wait3A_758] : memref<819200x128xf32, #tpu.memory_space<hbm>> -> memref<64x128xf32, #tpu.memory_space<hbm>>
          %dma_wait3A_760 = arith.constant 0 : i32
          %dma_wait3A_761 = arith.constant 0 : i32
          %dma_wait3A_762 = tpu.memref_slice %arg7[%dma_wait3A_748, %dma_wait3A_760, %dma_wait3A_761] : memref<8x64x128xf32, #tpu.memory_space<vmem>> -> memref<1x64x128xf32, #tpu.memory_space<vmem>>
          %dma_wait3A_763 = tpu.memref_squeeze %dma_wait3A_762 : memref<1x64x128xf32, #tpu.memory_space<vmem>> -> memref<64x128xf32, #tpu.memory_space<vmem>>
          tpu.wait_dma2 semaphore(%dma_wait3A_757 : memref<!tpu.dma_semaphore, #tpu.memory_space<semaphore_mem>>) src(%dma_wait3A_763 : memref<64x128xf32, #tpu.memory_space<vmem>>) dst(%dma_wait3A_759 : memref<64x128xf32, #tpu.memory_space<hbm>>)
        } else {
        }
        %add3A_718 = arith.constant 4 : i32
        %add3A_719 = arith.addi %add3A_372, %add3A_718 : i32
        %rem3A_720 = arith.constant 25 : i32
        %rem3A_721 = arith.remsi %add3A_719, %rem3A_720 : i32
        %dma_start3A_722 = arith.constant 5 : i32
        %dma_start3A_723 = arith.constant 5 : i32
        %dma_start3A_724 = arith.constant 0 : i32
        %dma_start3A_725 = arith.constant 0 : i32
        %dma_start3A_726 = tpu.memref_slice %arg7[%dma_start3A_722, %dma_start3A_724, %dma_start3A_725] : memref<8x64x128xf32, #tpu.memory_space<vmem>> -> memref<1x64x128xf32, #tpu.memory_space<vmem>>
        %dma_start3A_727 = tpu.memref_squeeze %dma_start3A_726 : memref<1x64x128xf32, #tpu.memory_space<vmem>> -> memref<64x128xf32, #tpu.memory_space<vmem>>
        %dma_start3A_728 = arith.constant 0 : i32
        %dma_start3A_729 = arith.constant 0 : i32
        %dma_start3A_730 = tpu.memref_slice %arg8[%rem3A_721, %dma_start3A_728, %dma_start3A_729] : memref<25x64x128xf32, #tpu.memory_space<vmem_shared>> -> memref<1x64x128xf32, #tpu.memory_space<vmem_shared>>
        %dma_start3A_731 = tpu.memref_squeeze %dma_start3A_730 : memref<1x64x128xf32, #tpu.memory_space<vmem_shared>> -> memref<64x128xf32, #tpu.memory_space<vmem_shared>>
        %dma_start3A_732 = tpu.memref_slice %arg9[%dma_start3A_723] : memref<8x!tpu.dma_semaphore, #tpu.memory_space<semaphore_mem>> -> memref<1x!tpu.dma_semaphore, #tpu.memory_space<semaphore_mem>>
        %dma_start3A_733 = tpu.memref_squeeze %dma_start3A_732 : memref<1x!tpu.dma_semaphore, #tpu.memory_space<semaphore_mem>> -> memref<!tpu.dma_semaphore, #tpu.memory_space<semaphore_mem>>
        %dma_start3A_734 = arith.constant 0 : i32
        %dma_start3A_735 = arith.constant 0 : i32
        %dma_start3A_736 = tpu.memref_slice %arg7[%dma_start3A_722, %dma_start3A_734, %dma_start3A_735] : memref<8x64x128xf32, #tpu.memory_space<vmem>> -> memref<1x64x128xf32, #tpu.memory_space<vmem>>
        %dma_start3A_737 = tpu.memref_squeeze %dma_start3A_736 : memref<1x64x128xf32, #tpu.memory_space<vmem>> -> memref<64x128xf32, #tpu.memory_space<vmem>>
        %dma_start3A_738 = arith.constant 0 : i32
        %dma_start3A_739 = arith.constant 0 : i32
        %dma_start3A_740 = tpu.memref_slice %arg8[%rem3A_721, %dma_start3A_738, %dma_start3A_739] : memref<25x64x128xf32, #tpu.memory_space<vmem_shared>> -> memref<1x64x128xf32, #tpu.memory_space<vmem_shared>>
        %dma_start3A_741 = tpu.memref_squeeze %dma_start3A_740 : memref<1x64x128xf32, #tpu.memory_space<vmem_shared>> -> memref<64x128xf32, #tpu.memory_space<vmem_shared>>
        tpu.enqueue_dma source(%dma_start3A_741 : memref<64x128xf32, #tpu.memory_space<vmem_shared>>) target(%dma_start3A_737 : memref<64x128xf32, #tpu.memory_space<vmem>>) target_semaphore(%dma_start3A_733 : memref<!tpu.dma_semaphore, #tpu.memory_space<semaphore_mem>>)
      } else {
      }
      %add3A_380 = arith.constant 2 : i32
      %add3A_381 = arith.addi %add3A_372, %add3A_380 : i32
      %lt3A_382 = arith.constant 400 : i32
      %lt3A_383 = arith.cmpi slt, %add3A_381, %lt3A_382 : i32
      %convert_element_type3A_384 = arith.extui %lt3A_383 : i1 to i32
      %cond3A_385 = arith.constant 0 : i32
      %cond3A_386 = arith.cmpi ne, %convert_element_type3A_384, %cond3A_385 : i32
      scf.if %cond3A_386 {
        %add3A_714 = arith.constant 2 : i32
        %add3A_715 = arith.addi %add3A_372, %add3A_714 : i32
        %rem3A_716 = arith.constant 25 : i32
        %rem3A_717 = arith.remsi %add3A_715, %rem3A_716 : i32
        %dma_wait3A_718 = arith.constant 3 : i32
        %dma_wait3A_719 = arith.constant 3 : i32
        %dma_wait3A_720 = arith.constant 0 : i32
        %dma_wait3A_721 = arith.constant 0 : i32
        %dma_wait3A_722 = tpu.memref_slice %arg7[%dma_wait3A_718, %dma_wait3A_720, %dma_wait3A_721] : memref<8x64x128xf32, #tpu.memory_space<vmem>> -> memref<1x64x128xf32, #tpu.memory_space<vmem>>
        %dma_wait3A_723 = tpu.memref_squeeze %dma_wait3A_722 : memref<1x64x128xf32, #tpu.memory_space<vmem>> -> memref<64x128xf32, #tpu.memory_space<vmem>>
        %dma_wait3A_724 = arith.constant 0 : i32
        %dma_wait3A_725 = arith.constant 0 : i32
        %dma_wait3A_726 = tpu.memref_slice %arg8[%rem3A_717, %dma_wait3A_724, %dma_wait3A_725] : memref<25x64x128xf32, #tpu.memory_space<vmem_shared>> -> memref<1x64x128xf32, #tpu.memory_space<vmem_shared>>
        %dma_wait3A_727 = tpu.memref_squeeze %dma_wait3A_726 : memref<1x64x128xf32, #tpu.memory_space<vmem_shared>> -> memref<64x128xf32, #tpu.memory_space<vmem_shared>>
        %dma_wait3A_728 = tpu.memref_slice %arg9[%dma_wait3A_719] : memref<8x!tpu.dma_semaphore, #tpu.memory_space<semaphore_mem>> -> memref<1x!tpu.dma_semaphore, #tpu.memory_space<semaphore_mem>>
        %dma_wait3A_729 = tpu.memref_squeeze %dma_wait3A_728 : memref<1x!tpu.dma_semaphore, #tpu.memory_space<semaphore_mem>> -> memref<!tpu.dma_semaphore, #tpu.memory_space<semaphore_mem>>
        %dma_wait3A_730 = arith.constant 0 : i32
        %dma_wait3A_731 = arith.constant 0 : i32
        %dma_wait3A_732 = tpu.memref_slice %arg7[%dma_wait3A_718, %dma_wait3A_730, %dma_wait3A_731] : memref<8x64x128xf32, #tpu.memory_space<vmem>> -> memref<1x64x128xf32, #tpu.memory_space<vmem>>
        %dma_wait3A_733 = tpu.memref_squeeze %dma_wait3A_732 : memref<1x64x128xf32, #tpu.memory_space<vmem>> -> memref<64x128xf32, #tpu.memory_space<vmem>>
        %dma_wait3A_734 = arith.constant 0 : i32
        %dma_wait3A_735 = arith.constant 0 : i32
        %dma_wait3A_736 = tpu.memref_slice %arg8[%rem3A_717, %dma_wait3A_734, %dma_wait3A_735] : memref<25x64x128xf32, #tpu.memory_space<vmem_shared>> -> memref<1x64x128xf32, #tpu.memory_space<vmem_shared>>
        %dma_wait3A_737 = tpu.memref_squeeze %dma_wait3A_736 : memref<1x64x128xf32, #tpu.memory_space<vmem_shared>> -> memref<64x128xf32, #tpu.memory_space<vmem_shared>>
        tpu.wait_dma2 semaphore(%dma_wait3A_729 : memref<!tpu.dma_semaphore, #tpu.memory_space<semaphore_mem>>) src(%dma_wait3A_737 : memref<64x128xf32, #tpu.memory_space<vmem_shared>>) dst(%dma_wait3A_733 : memref<64x128xf32, #tpu.memory_space<vmem>>)
        %add3A_738 = arith.constant 2 : i32
        %add3A_739 = arith.addi %add3A_372, %add3A_738 : i32
        %dma_start3A_740 = arith.constant 3 : i32
        %dma_start3A_741 = arith.constant 3 : i32
        %dma_start3A_742 = arith.constant 0 : i32
        %dma_start3A_743 = arith.constant 0 : i32
        %dma_start3A_744 = tpu.memref_slice %arg7[%dma_start3A_740, %dma_start3A_742, %dma_start3A_743] : memref<8x64x128xf32, #tpu.memory_space<vmem>> -> memref<1x64x128xf32, #tpu.memory_space<vmem>>
        %dma_start3A_745 = tpu.memref_squeeze %dma_start3A_744 : memref<1x64x128xf32, #tpu.memory_space<vmem>> -> memref<64x128xf32, #tpu.memory_space<vmem>>
        %dma_start3A_746 = arith.constant 0 : i32
        %dma_start3A_747 = tpu.memref_slice %arg6[%add3A_739, %dma_start3A_746] : memref<400x64xi32, #tpu.memory_space<vmem>> -> memref<1x64xi32, #tpu.memory_space<vmem>>
        %dma_start3A_748 = tpu.memref_squeeze %dma_start3A_747 : memref<1x64xi32, #tpu.memory_space<vmem>> -> memref<64xi32, #tpu.memory_space<vmem>>
        %dma_start3A_749 = arith.constant 0 : i32
        %dma_start3A_750 = arith.constant 0 : i32
        %dma_start3A_751 = tpu.memref_slice %arg3[%dma_start3A_749, %dma_start3A_750] : memref<100000x128xf32, #tpu.memory_space<hbm>> -> memref<100000x128xf32, #tpu.memory_space<hbm>>
        %dma_start3A_752 = tpu.memref_slice %arg10[%dma_start3A_741] : memref<8x!tpu.dma_semaphore, #tpu.memory_space<semaphore_mem>> -> memref<1x!tpu.dma_semaphore, #tpu.memory_space<semaphore_mem>>
        %dma_start3A_753 = tpu.memref_squeeze %dma_start3A_752 : memref<1x!tpu.dma_semaphore, #tpu.memory_space<semaphore_mem>> -> memref<!tpu.dma_semaphore, #tpu.memory_space<semaphore_mem>>
        tpu.enqueue_indirect_dma source(%dma_start3A_751 : memref<100000x128xf32, #tpu.memory_space<hbm>>) target(%dma_start3A_745 : memref<64x128xf32, #tpu.memory_space<vmem>>) offsets(%dma_start3A_748 : memref<64xi32, #tpu.memory_space<vmem>>) semaphore(%dma_start3A_753 : memref<!tpu.dma_semaphore, #tpu.memory_space<semaphore_mem>>) {add = true}
      } else {
      }
      %dma_wait3A_387 = arith.constant 1 : i32
      %dma_wait3A_388 = arith.constant 1 : i32
      %dma_wait3A_389 = arith.constant 0 : i32
      %dma_wait3A_390 = arith.constant 0 : i32
      %dma_wait3A_391 = tpu.memref_slice %arg7[%dma_wait3A_387, %dma_wait3A_389, %dma_wait3A_390] : memref<8x64x128xf32, #tpu.memory_space<vmem>> -> memref<1x64x128xf32, #tpu.memory_space<vmem>>
      %dma_wait3A_392 = tpu.memref_squeeze %dma_wait3A_391 : memref<1x64x128xf32, #tpu.memory_space<vmem>> -> memref<64x128xf32, #tpu.memory_space<vmem>>
      %dma_wait3A_393 = arith.constant 0 : i32
      %dma_wait3A_394 = tpu.memref_slice %arg6[%add3A_372, %dma_wait3A_393] : memref<400x64xi32, #tpu.memory_space<vmem>> -> memref<1x64xi32, #tpu.memory_space<vmem>>
      %dma_wait3A_395 = tpu.memref_squeeze %dma_wait3A_394 : memref<1x64xi32, #tpu.memory_space<vmem>> -> memref<64xi32, #tpu.memory_space<vmem>>
      %dma_wait3A_396 = arith.constant 0 : i32
      %dma_wait3A_397 = arith.constant 0 : i32
      %dma_wait3A_398 = tpu.memref_slice %arg3[%dma_wait3A_396, %dma_wait3A_397] : memref<100000x128xf32, #tpu.memory_space<hbm>> -> memref<100000x128xf32, #tpu.memory_space<hbm>>
      %dma_wait3A_399 = tpu.memref_slice %arg10[%dma_wait3A_388] : memref<8x!tpu.dma_semaphore, #tpu.memory_space<semaphore_mem>> -> memref<1x!tpu.dma_semaphore, #tpu.memory_space<semaphore_mem>>
      %dma_wait3A_400 = tpu.memref_squeeze %dma_wait3A_399 : memref<1x!tpu.dma_semaphore, #tpu.memory_space<semaphore_mem>> -> memref<!tpu.dma_semaphore, #tpu.memory_space<semaphore_mem>>
      tpu.wait_indirect_dma semaphore(%dma_wait3A_400 : memref<!tpu.dma_semaphore, #tpu.memory_space<semaphore_mem>>) src(%dma_wait3A_398 : memref<100000x128xf32, #tpu.memory_space<hbm>>) dst(%dma_wait3A_392 : memref<64x128xf32, #tpu.memory_space<vmem>>)
      %mul3A_401 = arith.constant 64 : i32
      %mul3A_402 = arith.muli %add3A_372, %mul3A_401 : i32
      %add3A_403 = arith.addi %mul3A_4, %mul3A_402 : i32
      %dma_start3A_404 = arith.constant 1 : i32
      %dma_start3A_405 = arith.constant 1 : i32
      %dma_start3A_406 = arith.constant 0 : i32
      %dma_start3A_407 = arith.constant 0 : i32
      %dma_start3A_408 = tpu.memref_slice %arg7[%dma_start3A_404, %dma_start3A_406, %dma_start3A_407] : memref<8x64x128xf32, #tpu.memory_space<vmem>> -> memref<1x64x128xf32, #tpu.memory_space<vmem>>
      %dma_start3A_409 = tpu.memref_squeeze %dma_start3A_408 : memref<1x64x128xf32, #tpu.memory_space<vmem>> -> memref<64x128xf32, #tpu.memory_space<vmem>>
      %dma_start3A_410 = arith.constant 0 : i32
      %dma_start3A_411 = tpu.memref_slice %arg5[%add3A_403, %dma_start3A_410] : memref<819200x128xf32, #tpu.memory_space<hbm>> -> memref<64x128xf32, #tpu.memory_space<hbm>>
      %dma_start3A_412 = tpu.memref_slice %arg11[%dma_start3A_405] : memref<8x!tpu.dma_semaphore, #tpu.memory_space<semaphore_mem>> -> memref<1x!tpu.dma_semaphore, #tpu.memory_space<semaphore_mem>>
      %dma_start3A_413 = tpu.memref_squeeze %dma_start3A_412 : memref<1x!tpu.dma_semaphore, #tpu.memory_space<semaphore_mem>> -> memref<!tpu.dma_semaphore, #tpu.memory_space<semaphore_mem>>
      %dma_start3A_414 = arith.constant 0 : i32
      %dma_start3A_415 = tpu.memref_slice %arg5[%add3A_403, %dma_start3A_414] : memref<819200x128xf32, #tpu.memory_space<hbm>> -> memref<64x128xf32, #tpu.memory_space<hbm>>
      %dma_start3A_416 = arith.constant 0 : i32
      %dma_start3A_417 = arith.constant 0 : i32
      %dma_start3A_418 = tpu.memref_slice %arg7[%dma_start3A_404, %dma_start3A_416, %dma_start3A_417] : memref<8x64x128xf32, #tpu.memory_space<vmem>> -> memref<1x64x128xf32, #tpu.memory_space<vmem>>
      %dma_start3A_419 = tpu.memref_squeeze %dma_start3A_418 : memref<1x64x128xf32, #tpu.memory_space<vmem>> -> memref<64x128xf32, #tpu.memory_space<vmem>>
      tpu.enqueue_dma source(%dma_start3A_419 : memref<64x128xf32, #tpu.memory_space<vmem>>) target(%dma_start3A_415 : memref<64x128xf32, #tpu.memory_space<hbm>>) target_semaphore(%dma_start3A_413 : memref<!tpu.dma_semaphore, #tpu.memory_space<semaphore_mem>>)
      %add3A_420 = arith.constant 2 : i32
      %add3A_421 = arith.addi %add3A_322, %add3A_420 : i32
      %add3A_422 = arith.constant 4 : i32
      %add3A_423 = arith.addi %add3A_421, %add3A_422 : i32
      %lt3A_424 = arith.constant 400 : i32
      %lt3A_425 = arith.cmpi slt, %add3A_423, %lt3A_424 : i32
      %convert_element_type3A_426 = arith.extui %lt3A_425 : i1 to i32
      %cond3A_427 = arith.constant 0 : i32
      %cond3A_428 = arith.cmpi ne, %convert_element_type3A_426, %cond3A_427 : i32
      scf.if %cond3A_428 {
        %ge3A = arith.constant 4 : i32
        %ge3A_714 = arith.cmpi sge, %add3A_421, %ge3A : i32
        %convert_element_type3A_715 = arith.extui %ge3A_714 : i1 to i32
        %cond3A_716 = arith.constant 0 : i32
        %cond3A_717 = arith.cmpi ne, %convert_element_type3A_715, %cond3A_716 : i32
        scf.if %cond3A_717 {
          %add3A_742 = arith.constant 4 : i32
          %add3A_743 = arith.addi %add3A_421, %add3A_742 : i32
          %sub3A = arith.constant 8 : i32
          %sub3A_744 = arith.subi %add3A_743, %sub3A : i32
          %mul3A_745 = arith.constant 64 : i32
          %mul3A_746 = arith.muli %sub3A_744, %mul3A_745 : i32
          %add3A_747 = arith.addi %mul3A_4, %mul3A_746 : i32
          %dma_wait3A_748 = arith.constant 6 : i32
          %dma_wait3A_749 = arith.constant 6 : i32
          %dma_wait3A_750 = arith.constant 0 : i32
          %dma_wait3A_751 = arith.constant 0 : i32
          %dma_wait3A_752 = tpu.memref_slice %arg7[%dma_wait3A_748, %dma_wait3A_750, %dma_wait3A_751] : memref<8x64x128xf32, #tpu.memory_space<vmem>> -> memref<1x64x128xf32, #tpu.memory_space<vmem>>
          %dma_wait3A_753 = tpu.memref_squeeze %dma_wait3A_752 : memref<1x64x128xf32, #tpu.memory_space<vmem>> -> memref<64x128xf32, #tpu.memory_space<vmem>>
          %dma_wait3A_754 = arith.constant 0 : i32
          %dma_wait3A_755 = tpu.memref_slice %arg5[%add3A_747, %dma_wait3A_754] : memref<819200x128xf32, #tpu.memory_space<hbm>> -> memref<64x128xf32, #tpu.memory_space<hbm>>
          %dma_wait3A_756 = tpu.memref_slice %arg11[%dma_wait3A_749] : memref<8x!tpu.dma_semaphore, #tpu.memory_space<semaphore_mem>> -> memref<1x!tpu.dma_semaphore, #tpu.memory_space<semaphore_mem>>
          %dma_wait3A_757 = tpu.memref_squeeze %dma_wait3A_756 : memref<1x!tpu.dma_semaphore, #tpu.memory_space<semaphore_mem>> -> memref<!tpu.dma_semaphore, #tpu.memory_space<semaphore_mem>>
          %dma_wait3A_758 = arith.constant 0 : i32
          %dma_wait3A_759 = tpu.memref_slice %arg5[%add3A_747, %dma_wait3A_758] : memref<819200x128xf32, #tpu.memory_space<hbm>> -> memref<64x128xf32, #tpu.memory_space<hbm>>
          %dma_wait3A_760 = arith.constant 0 : i32
          %dma_wait3A_761 = arith.constant 0 : i32
          %dma_wait3A_762 = tpu.memref_slice %arg7[%dma_wait3A_748, %dma_wait3A_760, %dma_wait3A_761] : memref<8x64x128xf32, #tpu.memory_space<vmem>> -> memref<1x64x128xf32, #tpu.memory_space<vmem>>
          %dma_wait3A_763 = tpu.memref_squeeze %dma_wait3A_762 : memref<1x64x128xf32, #tpu.memory_space<vmem>> -> memref<64x128xf32, #tpu.memory_space<vmem>>
          tpu.wait_dma2 semaphore(%dma_wait3A_757 : memref<!tpu.dma_semaphore, #tpu.memory_space<semaphore_mem>>) src(%dma_wait3A_763 : memref<64x128xf32, #tpu.memory_space<vmem>>) dst(%dma_wait3A_759 : memref<64x128xf32, #tpu.memory_space<hbm>>)
        } else {
        }
        %add3A_718 = arith.constant 4 : i32
        %add3A_719 = arith.addi %add3A_421, %add3A_718 : i32
        %rem3A_720 = arith.constant 25 : i32
        %rem3A_721 = arith.remsi %add3A_719, %rem3A_720 : i32
        %dma_start3A_722 = arith.constant 6 : i32
        %dma_start3A_723 = arith.constant 6 : i32
        %dma_start3A_724 = arith.constant 0 : i32
        %dma_start3A_725 = arith.constant 0 : i32
        %dma_start3A_726 = tpu.memref_slice %arg7[%dma_start3A_722, %dma_start3A_724, %dma_start3A_725] : memref<8x64x128xf32, #tpu.memory_space<vmem>> -> memref<1x64x128xf32, #tpu.memory_space<vmem>>
        %dma_start3A_727 = tpu.memref_squeeze %dma_start3A_726 : memref<1x64x128xf32, #tpu.memory_space<vmem>> -> memref<64x128xf32, #tpu.memory_space<vmem>>
        %dma_start3A_728 = arith.constant 0 : i32
        %dma_start3A_729 = arith.constant 0 : i32
        %dma_start3A_730 = tpu.memref_slice %arg8[%rem3A_721, %dma_start3A_728, %dma_start3A_729] : memref<25x64x128xf32, #tpu.memory_space<vmem_shared>> -> memref<1x64x128xf32, #tpu.memory_space<vmem_shared>>
        %dma_start3A_731 = tpu.memref_squeeze %dma_start3A_730 : memref<1x64x128xf32, #tpu.memory_space<vmem_shared>> -> memref<64x128xf32, #tpu.memory_space<vmem_shared>>
        %dma_start3A_732 = tpu.memref_slice %arg9[%dma_start3A_723] : memref<8x!tpu.dma_semaphore, #tpu.memory_space<semaphore_mem>> -> memref<1x!tpu.dma_semaphore, #tpu.memory_space<semaphore_mem>>
        %dma_start3A_733 = tpu.memref_squeeze %dma_start3A_732 : memref<1x!tpu.dma_semaphore, #tpu.memory_space<semaphore_mem>> -> memref<!tpu.dma_semaphore, #tpu.memory_space<semaphore_mem>>
        %dma_start3A_734 = arith.constant 0 : i32
        %dma_start3A_735 = arith.constant 0 : i32
        %dma_start3A_736 = tpu.memref_slice %arg7[%dma_start3A_722, %dma_start3A_734, %dma_start3A_735] : memref<8x64x128xf32, #tpu.memory_space<vmem>> -> memref<1x64x128xf32, #tpu.memory_space<vmem>>
        %dma_start3A_737 = tpu.memref_squeeze %dma_start3A_736 : memref<1x64x128xf32, #tpu.memory_space<vmem>> -> memref<64x128xf32, #tpu.memory_space<vmem>>
        %dma_start3A_738 = arith.constant 0 : i32
        %dma_start3A_739 = arith.constant 0 : i32
        %dma_start3A_740 = tpu.memref_slice %arg8[%rem3A_721, %dma_start3A_738, %dma_start3A_739] : memref<25x64x128xf32, #tpu.memory_space<vmem_shared>> -> memref<1x64x128xf32, #tpu.memory_space<vmem_shared>>
        %dma_start3A_741 = tpu.memref_squeeze %dma_start3A_740 : memref<1x64x128xf32, #tpu.memory_space<vmem_shared>> -> memref<64x128xf32, #tpu.memory_space<vmem_shared>>
        tpu.enqueue_dma source(%dma_start3A_741 : memref<64x128xf32, #tpu.memory_space<vmem_shared>>) target(%dma_start3A_737 : memref<64x128xf32, #tpu.memory_space<vmem>>) target_semaphore(%dma_start3A_733 : memref<!tpu.dma_semaphore, #tpu.memory_space<semaphore_mem>>)
      } else {
      }
      %add3A_429 = arith.constant 2 : i32
      %add3A_430 = arith.addi %add3A_421, %add3A_429 : i32
      %lt3A_431 = arith.constant 400 : i32
      %lt3A_432 = arith.cmpi slt, %add3A_430, %lt3A_431 : i32
      %convert_element_type3A_433 = arith.extui %lt3A_432 : i1 to i32
      %cond3A_434 = arith.constant 0 : i32
      %cond3A_435 = arith.cmpi ne, %convert_element_type3A_433, %cond3A_434 : i32
      scf.if %cond3A_435 {
        %add3A_714 = arith.constant 2 : i32
        %add3A_715 = arith.addi %add3A_421, %add3A_714 : i32
        %rem3A_716 = arith.constant 25 : i32
        %rem3A_717 = arith.remsi %add3A_715, %rem3A_716 : i32
        %dma_wait3A_718 = arith.constant 4 : i32
        %dma_wait3A_719 = arith.constant 4 : i32
        %dma_wait3A_720 = arith.constant 0 : i32
        %dma_wait3A_721 = arith.constant 0 : i32
        %dma_wait3A_722 = tpu.memref_slice %arg7[%dma_wait3A_718, %dma_wait3A_720, %dma_wait3A_721] : memref<8x64x128xf32, #tpu.memory_space<vmem>> -> memref<1x64x128xf32, #tpu.memory_space<vmem>>
        %dma_wait3A_723 = tpu.memref_squeeze %dma_wait3A_722 : memref<1x64x128xf32, #tpu.memory_space<vmem>> -> memref<64x128xf32, #tpu.memory_space<vmem>>
        %dma_wait3A_724 = arith.constant 0 : i32
        %dma_wait3A_725 = arith.constant 0 : i32
        %dma_wait3A_726 = tpu.memref_slice %arg8[%rem3A_717, %dma_wait3A_724, %dma_wait3A_725] : memref<25x64x128xf32, #tpu.memory_space<vmem_shared>> -> memref<1x64x128xf32, #tpu.memory_space<vmem_shared>>
        %dma_wait3A_727 = tpu.memref_squeeze %dma_wait3A_726 : memref<1x64x128xf32, #tpu.memory_space<vmem_shared>> -> memref<64x128xf32, #tpu.memory_space<vmem_shared>>
        %dma_wait3A_728 = tpu.memref_slice %arg9[%dma_wait3A_719] : memref<8x!tpu.dma_semaphore, #tpu.memory_space<semaphore_mem>> -> memref<1x!tpu.dma_semaphore, #tpu.memory_space<semaphore_mem>>
        %dma_wait3A_729 = tpu.memref_squeeze %dma_wait3A_728 : memref<1x!tpu.dma_semaphore, #tpu.memory_space<semaphore_mem>> -> memref<!tpu.dma_semaphore, #tpu.memory_space<semaphore_mem>>
        %dma_wait3A_730 = arith.constant 0 : i32
        %dma_wait3A_731 = arith.constant 0 : i32
        %dma_wait3A_732 = tpu.memref_slice %arg7[%dma_wait3A_718, %dma_wait3A_730, %dma_wait3A_731] : memref<8x64x128xf32, #tpu.memory_space<vmem>> -> memref<1x64x128xf32, #tpu.memory_space<vmem>>
        %dma_wait3A_733 = tpu.memref_squeeze %dma_wait3A_732 : memref<1x64x128xf32, #tpu.memory_space<vmem>> -> memref<64x128xf32, #tpu.memory_space<vmem>>
        %dma_wait3A_734 = arith.constant 0 : i32
        %dma_wait3A_735 = arith.constant 0 : i32
        %dma_wait3A_736 = tpu.memref_slice %arg8[%rem3A_717, %dma_wait3A_734, %dma_wait3A_735] : memref<25x64x128xf32, #tpu.memory_space<vmem_shared>> -> memref<1x64x128xf32, #tpu.memory_space<vmem_shared>>
        %dma_wait3A_737 = tpu.memref_squeeze %dma_wait3A_736 : memref<1x64x128xf32, #tpu.memory_space<vmem_shared>> -> memref<64x128xf32, #tpu.memory_space<vmem_shared>>
        tpu.wait_dma2 semaphore(%dma_wait3A_729 : memref<!tpu.dma_semaphore, #tpu.memory_space<semaphore_mem>>) src(%dma_wait3A_737 : memref<64x128xf32, #tpu.memory_space<vmem_shared>>) dst(%dma_wait3A_733 : memref<64x128xf32, #tpu.memory_space<vmem>>)
        %add3A_738 = arith.constant 2 : i32
        %add3A_739 = arith.addi %add3A_421, %add3A_738 : i32
        %dma_start3A_740 = arith.constant 4 : i32
        %dma_start3A_741 = arith.constant 4 : i32
        %dma_start3A_742 = arith.constant 0 : i32
        %dma_start3A_743 = arith.constant 0 : i32
        %dma_start3A_744 = tpu.memref_slice %arg7[%dma_start3A_740, %dma_start3A_742, %dma_start3A_743] : memref<8x64x128xf32, #tpu.memory_space<vmem>> -> memref<1x64x128xf32, #tpu.memory_space<vmem>>
        %dma_start3A_745 = tpu.memref_squeeze %dma_start3A_744 : memref<1x64x128xf32, #tpu.memory_space<vmem>> -> memref<64x128xf32, #tpu.memory_space<vmem>>
        %dma_start3A_746 = arith.constant 0 : i32
        %dma_start3A_747 = tpu.memref_slice %arg6[%add3A_739, %dma_start3A_746] : memref<400x64xi32, #tpu.memory_space<vmem>> -> memref<1x64xi32, #tpu.memory_space<vmem>>
        %dma_start3A_748 = tpu.memref_squeeze %dma_start3A_747 : memref<1x64xi32, #tpu.memory_space<vmem>> -> memref<64xi32, #tpu.memory_space<vmem>>
        %dma_start3A_749 = arith.constant 0 : i32
        %dma_start3A_750 = arith.constant 0 : i32
        %dma_start3A_751 = tpu.memref_slice %arg3[%dma_start3A_749, %dma_start3A_750] : memref<100000x128xf32, #tpu.memory_space<hbm>> -> memref<100000x128xf32, #tpu.memory_space<hbm>>
        %dma_start3A_752 = tpu.memref_slice %arg10[%dma_start3A_741] : memref<8x!tpu.dma_semaphore, #tpu.memory_space<semaphore_mem>> -> memref<1x!tpu.dma_semaphore, #tpu.memory_space<semaphore_mem>>
        %dma_start3A_753 = tpu.memref_squeeze %dma_start3A_752 : memref<1x!tpu.dma_semaphore, #tpu.memory_space<semaphore_mem>> -> memref<!tpu.dma_semaphore, #tpu.memory_space<semaphore_mem>>
        tpu.enqueue_indirect_dma source(%dma_start3A_751 : memref<100000x128xf32, #tpu.memory_space<hbm>>) target(%dma_start3A_745 : memref<64x128xf32, #tpu.memory_space<vmem>>) offsets(%dma_start3A_748 : memref<64xi32, #tpu.memory_space<vmem>>) semaphore(%dma_start3A_753 : memref<!tpu.dma_semaphore, #tpu.memory_space<semaphore_mem>>) {add = true}
      } else {
      }
      %dma_wait3A_436 = arith.constant 2 : i32
      %dma_wait3A_437 = arith.constant 2 : i32
      %dma_wait3A_438 = arith.constant 0 : i32
      %dma_wait3A_439 = arith.constant 0 : i32
      %dma_wait3A_440 = tpu.memref_slice %arg7[%dma_wait3A_436, %dma_wait3A_438, %dma_wait3A_439] : memref<8x64x128xf32, #tpu.memory_space<vmem>> -> memref<1x64x128xf32, #tpu.memory_space<vmem>>
      %dma_wait3A_441 = tpu.memref_squeeze %dma_wait3A_440 : memref<1x64x128xf32, #tpu.memory_space<vmem>> -> memref<64x128xf32, #tpu.memory_space<vmem>>
      %dma_wait3A_442 = arith.constant 0 : i32
      %dma_wait3A_443 = tpu.memref_slice %arg6[%add3A_421, %dma_wait3A_442] : memref<400x64xi32, #tpu.memory_space<vmem>> -> memref<1x64xi32, #tpu.memory_space<vmem>>
      %dma_wait3A_444 = tpu.memref_squeeze %dma_wait3A_443 : memref<1x64xi32, #tpu.memory_space<vmem>> -> memref<64xi32, #tpu.memory_space<vmem>>
      %dma_wait3A_445 = arith.constant 0 : i32
      %dma_wait3A_446 = arith.constant 0 : i32
      %dma_wait3A_447 = tpu.memref_slice %arg3[%dma_wait3A_445, %dma_wait3A_446] : memref<100000x128xf32, #tpu.memory_space<hbm>> -> memref<100000x128xf32, #tpu.memory_space<hbm>>
      %dma_wait3A_448 = tpu.memref_slice %arg10[%dma_wait3A_437] : memref<8x!tpu.dma_semaphore, #tpu.memory_space<semaphore_mem>> -> memref<1x!tpu.dma_semaphore, #tpu.memory_space<semaphore_mem>>
      %dma_wait3A_449 = tpu.memref_squeeze %dma_wait3A_448 : memref<1x!tpu.dma_semaphore, #tpu.memory_space<semaphore_mem>> -> memref<!tpu.dma_semaphore, #tpu.memory_space<semaphore_mem>>
      tpu.wait_indirect_dma semaphore(%dma_wait3A_449 : memref<!tpu.dma_semaphore, #tpu.memory_space<semaphore_mem>>) src(%dma_wait3A_447 : memref<100000x128xf32, #tpu.memory_space<hbm>>) dst(%dma_wait3A_441 : memref<64x128xf32, #tpu.memory_space<vmem>>)
      %mul3A_450 = arith.constant 64 : i32
      %mul3A_451 = arith.muli %add3A_421, %mul3A_450 : i32
      %add3A_452 = arith.addi %mul3A_4, %mul3A_451 : i32
      %dma_start3A_453 = arith.constant 2 : i32
      %dma_start3A_454 = arith.constant 2 : i32
      %dma_start3A_455 = arith.constant 0 : i32
      %dma_start3A_456 = arith.constant 0 : i32
      %dma_start3A_457 = tpu.memref_slice %arg7[%dma_start3A_453, %dma_start3A_455, %dma_start3A_456] : memref<8x64x128xf32, #tpu.memory_space<vmem>> -> memref<1x64x128xf32, #tpu.memory_space<vmem>>
      %dma_start3A_458 = tpu.memref_squeeze %dma_start3A_457 : memref<1x64x128xf32, #tpu.memory_space<vmem>> -> memref<64x128xf32, #tpu.memory_space<vmem>>
      %dma_start3A_459 = arith.constant 0 : i32
      %dma_start3A_460 = tpu.memref_slice %arg5[%add3A_452, %dma_start3A_459] : memref<819200x128xf32, #tpu.memory_space<hbm>> -> memref<64x128xf32, #tpu.memory_space<hbm>>
      %dma_start3A_461 = tpu.memref_slice %arg11[%dma_start3A_454] : memref<8x!tpu.dma_semaphore, #tpu.memory_space<semaphore_mem>> -> memref<1x!tpu.dma_semaphore, #tpu.memory_space<semaphore_mem>>
      %dma_start3A_462 = tpu.memref_squeeze %dma_start3A_461 : memref<1x!tpu.dma_semaphore, #tpu.memory_space<semaphore_mem>> -> memref<!tpu.dma_semaphore, #tpu.memory_space<semaphore_mem>>
      %dma_start3A_463 = arith.constant 0 : i32
      %dma_start3A_464 = tpu.memref_slice %arg5[%add3A_452, %dma_start3A_463] : memref<819200x128xf32, #tpu.memory_space<hbm>> -> memref<64x128xf32, #tpu.memory_space<hbm>>
      %dma_start3A_465 = arith.constant 0 : i32
      %dma_start3A_466 = arith.constant 0 : i32
      %dma_start3A_467 = tpu.memref_slice %arg7[%dma_start3A_453, %dma_start3A_465, %dma_start3A_466] : memref<8x64x128xf32, #tpu.memory_space<vmem>> -> memref<1x64x128xf32, #tpu.memory_space<vmem>>
      %dma_start3A_468 = tpu.memref_squeeze %dma_start3A_467 : memref<1x64x128xf32, #tpu.memory_space<vmem>> -> memref<64x128xf32, #tpu.memory_space<vmem>>
      tpu.enqueue_dma source(%dma_start3A_468 : memref<64x128xf32, #tpu.memory_space<vmem>>) target(%dma_start3A_464 : memref<64x128xf32, #tpu.memory_space<hbm>>) target_semaphore(%dma_start3A_462 : memref<!tpu.dma_semaphore, #tpu.memory_space<semaphore_mem>>)
      %add3A_469 = arith.constant 3 : i32
      %add3A_470 = arith.addi %add3A_322, %add3A_469 : i32
      %add3A_471 = arith.constant 4 : i32
      %add3A_472 = arith.addi %add3A_470, %add3A_471 : i32
      %lt3A_473 = arith.constant 400 : i32
      %lt3A_474 = arith.cmpi slt, %add3A_472, %lt3A_473 : i32
      %convert_element_type3A_475 = arith.extui %lt3A_474 : i1 to i32
      %cond3A_476 = arith.constant 0 : i32
      %cond3A_477 = arith.cmpi ne, %convert_element_type3A_475, %cond3A_476 : i32
      scf.if %cond3A_477 {
        %ge3A = arith.constant 4 : i32
        %ge3A_714 = arith.cmpi sge, %add3A_470, %ge3A : i32
        %convert_element_type3A_715 = arith.extui %ge3A_714 : i1 to i32
        %cond3A_716 = arith.constant 0 : i32
        %cond3A_717 = arith.cmpi ne, %convert_element_type3A_715, %cond3A_716 : i32
        scf.if %cond3A_717 {
          %add3A_742 = arith.constant 4 : i32
          %add3A_743 = arith.addi %add3A_470, %add3A_742 : i32
          %sub3A = arith.constant 8 : i32
          %sub3A_744 = arith.subi %add3A_743, %sub3A : i32
          %mul3A_745 = arith.constant 64 : i32
          %mul3A_746 = arith.muli %sub3A_744, %mul3A_745 : i32
          %add3A_747 = arith.addi %mul3A_4, %mul3A_746 : i32
          %dma_wait3A_748 = arith.constant 7 : i32
          %dma_wait3A_749 = arith.constant 7 : i32
          %dma_wait3A_750 = arith.constant 0 : i32
          %dma_wait3A_751 = arith.constant 0 : i32
          %dma_wait3A_752 = tpu.memref_slice %arg7[%dma_wait3A_748, %dma_wait3A_750, %dma_wait3A_751] : memref<8x64x128xf32, #tpu.memory_space<vmem>> -> memref<1x64x128xf32, #tpu.memory_space<vmem>>
          %dma_wait3A_753 = tpu.memref_squeeze %dma_wait3A_752 : memref<1x64x128xf32, #tpu.memory_space<vmem>> -> memref<64x128xf32, #tpu.memory_space<vmem>>
          %dma_wait3A_754 = arith.constant 0 : i32
          %dma_wait3A_755 = tpu.memref_slice %arg5[%add3A_747, %dma_wait3A_754] : memref<819200x128xf32, #tpu.memory_space<hbm>> -> memref<64x128xf32, #tpu.memory_space<hbm>>
          %dma_wait3A_756 = tpu.memref_slice %arg11[%dma_wait3A_749] : memref<8x!tpu.dma_semaphore, #tpu.memory_space<semaphore_mem>> -> memref<1x!tpu.dma_semaphore, #tpu.memory_space<semaphore_mem>>
          %dma_wait3A_757 = tpu.memref_squeeze %dma_wait3A_756 : memref<1x!tpu.dma_semaphore, #tpu.memory_space<semaphore_mem>> -> memref<!tpu.dma_semaphore, #tpu.memory_space<semaphore_mem>>
          %dma_wait3A_758 = arith.constant 0 : i32
          %dma_wait3A_759 = tpu.memref_slice %arg5[%add3A_747, %dma_wait3A_758] : memref<819200x128xf32, #tpu.memory_space<hbm>> -> memref<64x128xf32, #tpu.memory_space<hbm>>
          %dma_wait3A_760 = arith.constant 0 : i32
          %dma_wait3A_761 = arith.constant 0 : i32
          %dma_wait3A_762 = tpu.memref_slice %arg7[%dma_wait3A_748, %dma_wait3A_760, %dma_wait3A_761] : memref<8x64x128xf32, #tpu.memory_space<vmem>> -> memref<1x64x128xf32, #tpu.memory_space<vmem>>
          %dma_wait3A_763 = tpu.memref_squeeze %dma_wait3A_762 : memref<1x64x128xf32, #tpu.memory_space<vmem>> -> memref<64x128xf32, #tpu.memory_space<vmem>>
          tpu.wait_dma2 semaphore(%dma_wait3A_757 : memref<!tpu.dma_semaphore, #tpu.memory_space<semaphore_mem>>) src(%dma_wait3A_763 : memref<64x128xf32, #tpu.memory_space<vmem>>) dst(%dma_wait3A_759 : memref<64x128xf32, #tpu.memory_space<hbm>>)
        } else {
        }
        %add3A_718 = arith.constant 4 : i32
        %add3A_719 = arith.addi %add3A_470, %add3A_718 : i32
        %rem3A_720 = arith.constant 25 : i32
        %rem3A_721 = arith.remsi %add3A_719, %rem3A_720 : i32
        %dma_start3A_722 = arith.constant 7 : i32
        %dma_start3A_723 = arith.constant 7 : i32
        %dma_start3A_724 = arith.constant 0 : i32
        %dma_start3A_725 = arith.constant 0 : i32
        %dma_start3A_726 = tpu.memref_slice %arg7[%dma_start3A_722, %dma_start3A_724, %dma_start3A_725] : memref<8x64x128xf32, #tpu.memory_space<vmem>> -> memref<1x64x128xf32, #tpu.memory_space<vmem>>
        %dma_start3A_727 = tpu.memref_squeeze %dma_start3A_726 : memref<1x64x128xf32, #tpu.memory_space<vmem>> -> memref<64x128xf32, #tpu.memory_space<vmem>>
        %dma_start3A_728 = arith.constant 0 : i32
        %dma_start3A_729 = arith.constant 0 : i32
        %dma_start3A_730 = tpu.memref_slice %arg8[%rem3A_721, %dma_start3A_728, %dma_start3A_729] : memref<25x64x128xf32, #tpu.memory_space<vmem_shared>> -> memref<1x64x128xf32, #tpu.memory_space<vmem_shared>>
        %dma_start3A_731 = tpu.memref_squeeze %dma_start3A_730 : memref<1x64x128xf32, #tpu.memory_space<vmem_shared>> -> memref<64x128xf32, #tpu.memory_space<vmem_shared>>
        %dma_start3A_732 = tpu.memref_slice %arg9[%dma_start3A_723] : memref<8x!tpu.dma_semaphore, #tpu.memory_space<semaphore_mem>> -> memref<1x!tpu.dma_semaphore, #tpu.memory_space<semaphore_mem>>
        %dma_start3A_733 = tpu.memref_squeeze %dma_start3A_732 : memref<1x!tpu.dma_semaphore, #tpu.memory_space<semaphore_mem>> -> memref<!tpu.dma_semaphore, #tpu.memory_space<semaphore_mem>>
        %dma_start3A_734 = arith.constant 0 : i32
        %dma_start3A_735 = arith.constant 0 : i32
        %dma_start3A_736 = tpu.memref_slice %arg7[%dma_start3A_722, %dma_start3A_734, %dma_start3A_735] : memref<8x64x128xf32, #tpu.memory_space<vmem>> -> memref<1x64x128xf32, #tpu.memory_space<vmem>>
        %dma_start3A_737 = tpu.memref_squeeze %dma_start3A_736 : memref<1x64x128xf32, #tpu.memory_space<vmem>> -> memref<64x128xf32, #tpu.memory_space<vmem>>
        %dma_start3A_738 = arith.constant 0 : i32
        %dma_start3A_739 = arith.constant 0 : i32
        %dma_start3A_740 = tpu.memref_slice %arg8[%rem3A_721, %dma_start3A_738, %dma_start3A_739] : memref<25x64x128xf32, #tpu.memory_space<vmem_shared>> -> memref<1x64x128xf32, #tpu.memory_space<vmem_shared>>
        %dma_start3A_741 = tpu.memref_squeeze %dma_start3A_740 : memref<1x64x128xf32, #tpu.memory_space<vmem_shared>> -> memref<64x128xf32, #tpu.memory_space<vmem_shared>>
        tpu.enqueue_dma source(%dma_start3A_741 : memref<64x128xf32, #tpu.memory_space<vmem_shared>>) target(%dma_start3A_737 : memref<64x128xf32, #tpu.memory_space<vmem>>) target_semaphore(%dma_start3A_733 : memref<!tpu.dma_semaphore, #tpu.memory_space<semaphore_mem>>)
      } else {
      }
      %add3A_478 = arith.constant 2 : i32
      %add3A_479 = arith.addi %add3A_470, %add3A_478 : i32
      %lt3A_480 = arith.constant 400 : i32
      %lt3A_481 = arith.cmpi slt, %add3A_479, %lt3A_480 : i32
      %convert_element_type3A_482 = arith.extui %lt3A_481 : i1 to i32
      %cond3A_483 = arith.constant 0 : i32
      %cond3A_484 = arith.cmpi ne, %convert_element_type3A_482, %cond3A_483 : i32
      scf.if %cond3A_484 {
        %add3A_714 = arith.constant 2 : i32
        %add3A_715 = arith.addi %add3A_470, %add3A_714 : i32
        %rem3A_716 = arith.constant 25 : i32
        %rem3A_717 = arith.remsi %add3A_715, %rem3A_716 : i32
        %dma_wait3A_718 = arith.constant 5 : i32
        %dma_wait3A_719 = arith.constant 5 : i32
        %dma_wait3A_720 = arith.constant 0 : i32
        %dma_wait3A_721 = arith.constant 0 : i32
        %dma_wait3A_722 = tpu.memref_slice %arg7[%dma_wait3A_718, %dma_wait3A_720, %dma_wait3A_721] : memref<8x64x128xf32, #tpu.memory_space<vmem>> -> memref<1x64x128xf32, #tpu.memory_space<vmem>>
        %dma_wait3A_723 = tpu.memref_squeeze %dma_wait3A_722 : memref<1x64x128xf32, #tpu.memory_space<vmem>> -> memref<64x128xf32, #tpu.memory_space<vmem>>
        %dma_wait3A_724 = arith.constant 0 : i32
        %dma_wait3A_725 = arith.constant 0 : i32
        %dma_wait3A_726 = tpu.memref_slice %arg8[%rem3A_717, %dma_wait3A_724, %dma_wait3A_725] : memref<25x64x128xf32, #tpu.memory_space<vmem_shared>> -> memref<1x64x128xf32, #tpu.memory_space<vmem_shared>>
        %dma_wait3A_727 = tpu.memref_squeeze %dma_wait3A_726 : memref<1x64x128xf32, #tpu.memory_space<vmem_shared>> -> memref<64x128xf32, #tpu.memory_space<vmem_shared>>
        %dma_wait3A_728 = tpu.memref_slice %arg9[%dma_wait3A_719] : memref<8x!tpu.dma_semaphore, #tpu.memory_space<semaphore_mem>> -> memref<1x!tpu.dma_semaphore, #tpu.memory_space<semaphore_mem>>
        %dma_wait3A_729 = tpu.memref_squeeze %dma_wait3A_728 : memref<1x!tpu.dma_semaphore, #tpu.memory_space<semaphore_mem>> -> memref<!tpu.dma_semaphore, #tpu.memory_space<semaphore_mem>>
        %dma_wait3A_730 = arith.constant 0 : i32
        %dma_wait3A_731 = arith.constant 0 : i32
        %dma_wait3A_732 = tpu.memref_slice %arg7[%dma_wait3A_718, %dma_wait3A_730, %dma_wait3A_731] : memref<8x64x128xf32, #tpu.memory_space<vmem>> -> memref<1x64x128xf32, #tpu.memory_space<vmem>>
        %dma_wait3A_733 = tpu.memref_squeeze %dma_wait3A_732 : memref<1x64x128xf32, #tpu.memory_space<vmem>> -> memref<64x128xf32, #tpu.memory_space<vmem>>
        %dma_wait3A_734 = arith.constant 0 : i32
        %dma_wait3A_735 = arith.constant 0 : i32
        %dma_wait3A_736 = tpu.memref_slice %arg8[%rem3A_717, %dma_wait3A_734, %dma_wait3A_735] : memref<25x64x128xf32, #tpu.memory_space<vmem_shared>> -> memref<1x64x128xf32, #tpu.memory_space<vmem_shared>>
        %dma_wait3A_737 = tpu.memref_squeeze %dma_wait3A_736 : memref<1x64x128xf32, #tpu.memory_space<vmem_shared>> -> memref<64x128xf32, #tpu.memory_space<vmem_shared>>
        tpu.wait_dma2 semaphore(%dma_wait3A_729 : memref<!tpu.dma_semaphore, #tpu.memory_space<semaphore_mem>>) src(%dma_wait3A_737 : memref<64x128xf32, #tpu.memory_space<vmem_shared>>) dst(%dma_wait3A_733 : memref<64x128xf32, #tpu.memory_space<vmem>>)
        %add3A_738 = arith.constant 2 : i32
        %add3A_739 = arith.addi %add3A_470, %add3A_738 : i32
        %dma_start3A_740 = arith.constant 5 : i32
        %dma_start3A_741 = arith.constant 5 : i32
        %dma_start3A_742 = arith.constant 0 : i32
        %dma_start3A_743 = arith.constant 0 : i32
        %dma_start3A_744 = tpu.memref_slice %arg7[%dma_start3A_740, %dma_start3A_742, %dma_start3A_743] : memref<8x64x128xf32, #tpu.memory_space<vmem>> -> memref<1x64x128xf32, #tpu.memory_space<vmem>>
        %dma_start3A_745 = tpu.memref_squeeze %dma_start3A_744 : memref<1x64x128xf32, #tpu.memory_space<vmem>> -> memref<64x128xf32, #tpu.memory_space<vmem>>
        %dma_start3A_746 = arith.constant 0 : i32
        %dma_start3A_747 = tpu.memref_slice %arg6[%add3A_739, %dma_start3A_746] : memref<400x64xi32, #tpu.memory_space<vmem>> -> memref<1x64xi32, #tpu.memory_space<vmem>>
        %dma_start3A_748 = tpu.memref_squeeze %dma_start3A_747 : memref<1x64xi32, #tpu.memory_space<vmem>> -> memref<64xi32, #tpu.memory_space<vmem>>
        %dma_start3A_749 = arith.constant 0 : i32
        %dma_start3A_750 = arith.constant 0 : i32
        %dma_start3A_751 = tpu.memref_slice %arg3[%dma_start3A_749, %dma_start3A_750] : memref<100000x128xf32, #tpu.memory_space<hbm>> -> memref<100000x128xf32, #tpu.memory_space<hbm>>
        %dma_start3A_752 = tpu.memref_slice %arg10[%dma_start3A_741] : memref<8x!tpu.dma_semaphore, #tpu.memory_space<semaphore_mem>> -> memref<1x!tpu.dma_semaphore, #tpu.memory_space<semaphore_mem>>
        %dma_start3A_753 = tpu.memref_squeeze %dma_start3A_752 : memref<1x!tpu.dma_semaphore, #tpu.memory_space<semaphore_mem>> -> memref<!tpu.dma_semaphore, #tpu.memory_space<semaphore_mem>>
        tpu.enqueue_indirect_dma source(%dma_start3A_751 : memref<100000x128xf32, #tpu.memory_space<hbm>>) target(%dma_start3A_745 : memref<64x128xf32, #tpu.memory_space<vmem>>) offsets(%dma_start3A_748 : memref<64xi32, #tpu.memory_space<vmem>>) semaphore(%dma_start3A_753 : memref<!tpu.dma_semaphore, #tpu.memory_space<semaphore_mem>>) {add = true}
      } else {
      }
      %dma_wait3A_485 = arith.constant 3 : i32
      %dma_wait3A_486 = arith.constant 3 : i32
      %dma_wait3A_487 = arith.constant 0 : i32
      %dma_wait3A_488 = arith.constant 0 : i32
      %dma_wait3A_489 = tpu.memref_slice %arg7[%dma_wait3A_485, %dma_wait3A_487, %dma_wait3A_488] : memref<8x64x128xf32, #tpu.memory_space<vmem>> -> memref<1x64x128xf32, #tpu.memory_space<vmem>>
      %dma_wait3A_490 = tpu.memref_squeeze %dma_wait3A_489 : memref<1x64x128xf32, #tpu.memory_space<vmem>> -> memref<64x128xf32, #tpu.memory_space<vmem>>
      %dma_wait3A_491 = arith.constant 0 : i32
      %dma_wait3A_492 = tpu.memref_slice %arg6[%add3A_470, %dma_wait3A_491] : memref<400x64xi32, #tpu.memory_space<vmem>> -> memref<1x64xi32, #tpu.memory_space<vmem>>
      %dma_wait3A_493 = tpu.memref_squeeze %dma_wait3A_492 : memref<1x64xi32, #tpu.memory_space<vmem>> -> memref<64xi32, #tpu.memory_space<vmem>>
      %dma_wait3A_494 = arith.constant 0 : i32
      %dma_wait3A_495 = arith.constant 0 : i32
      %dma_wait3A_496 = tpu.memref_slice %arg3[%dma_wait3A_494, %dma_wait3A_495] : memref<100000x128xf32, #tpu.memory_space<hbm>> -> memref<100000x128xf32, #tpu.memory_space<hbm>>
      %dma_wait3A_497 = tpu.memref_slice %arg10[%dma_wait3A_486] : memref<8x!tpu.dma_semaphore, #tpu.memory_space<semaphore_mem>> -> memref<1x!tpu.dma_semaphore, #tpu.memory_space<semaphore_mem>>
      %dma_wait3A_498 = tpu.memref_squeeze %dma_wait3A_497 : memref<1x!tpu.dma_semaphore, #tpu.memory_space<semaphore_mem>> -> memref<!tpu.dma_semaphore, #tpu.memory_space<semaphore_mem>>
      tpu.wait_indirect_dma semaphore(%dma_wait3A_498 : memref<!tpu.dma_semaphore, #tpu.memory_space<semaphore_mem>>) src(%dma_wait3A_496 : memref<100000x128xf32, #tpu.memory_space<hbm>>) dst(%dma_wait3A_490 : memref<64x128xf32, #tpu.memory_space<vmem>>)
      %mul3A_499 = arith.constant 64 : i32
      %mul3A_500 = arith.muli %add3A_470, %mul3A_499 : i32
      %add3A_501 = arith.addi %mul3A_4, %mul3A_500 : i32
      %dma_start3A_502 = arith.constant 3 : i32
      %dma_start3A_503 = arith.constant 3 : i32
      %dma_start3A_504 = arith.constant 0 : i32
      %dma_start3A_505 = arith.constant 0 : i32
      %dma_start3A_506 = tpu.memref_slice %arg7[%dma_start3A_502, %dma_start3A_504, %dma_start3A_505] : memref<8x64x128xf32, #tpu.memory_space<vmem>> -> memref<1x64x128xf32, #tpu.memory_space<vmem>>
      %dma_start3A_507 = tpu.memref_squeeze %dma_start3A_506 : memref<1x64x128xf32, #tpu.memory_space<vmem>> -> memref<64x128xf32, #tpu.memory_space<vmem>>
      %dma_start3A_508 = arith.constant 0 : i32
      %dma_start3A_509 = tpu.memref_slice %arg5[%add3A_501, %dma_start3A_508] : memref<819200x128xf32, #tpu.memory_space<hbm>> -> memref<64x128xf32, #tpu.memory_space<hbm>>
      %dma_start3A_510 = tpu.memref_slice %arg11[%dma_start3A_503] : memref<8x!tpu.dma_semaphore, #tpu.memory_space<semaphore_mem>> -> memref<1x!tpu.dma_semaphore, #tpu.memory_space<semaphore_mem>>
      %dma_start3A_511 = tpu.memref_squeeze %dma_start3A_510 : memref<1x!tpu.dma_semaphore, #tpu.memory_space<semaphore_mem>> -> memref<!tpu.dma_semaphore, #tpu.memory_space<semaphore_mem>>
      %dma_start3A_512 = arith.constant 0 : i32
      %dma_start3A_513 = tpu.memref_slice %arg5[%add3A_501, %dma_start3A_512] : memref<819200x128xf32, #tpu.memory_space<hbm>> -> memref<64x128xf32, #tpu.memory_space<hbm>>
      %dma_start3A_514 = arith.constant 0 : i32
      %dma_start3A_515 = arith.constant 0 : i32
      %dma_start3A_516 = tpu.memref_slice %arg7[%dma_start3A_502, %dma_start3A_514, %dma_start3A_515] : memref<8x64x128xf32, #tpu.memory_space<vmem>> -> memref<1x64x128xf32, #tpu.memory_space<vmem>>
      %dma_start3A_517 = tpu.memref_squeeze %dma_start3A_516 : memref<1x64x128xf32, #tpu.memory_space<vmem>> -> memref<64x128xf32, #tpu.memory_space<vmem>>
      tpu.enqueue_dma source(%dma_start3A_517 : memref<64x128xf32, #tpu.memory_space<vmem>>) target(%dma_start3A_513 : memref<64x128xf32, #tpu.memory_space<hbm>>) target_semaphore(%dma_start3A_511 : memref<!tpu.dma_semaphore, #tpu.memory_space<semaphore_mem>>)
      %add3A_518 = arith.constant 4 : i32
      %add3A_519 = arith.addi %add3A_322, %add3A_518 : i32
      %add3A_520 = arith.constant 4 : i32
      %add3A_521 = arith.addi %add3A_519, %add3A_520 : i32
      %lt3A_522 = arith.constant 400 : i32
      %lt3A_523 = arith.cmpi slt, %add3A_521, %lt3A_522 : i32
      %convert_element_type3A_524 = arith.extui %lt3A_523 : i1 to i32
      %cond3A_525 = arith.constant 0 : i32
      %cond3A_526 = arith.cmpi ne, %convert_element_type3A_524, %cond3A_525 : i32
      scf.if %cond3A_526 {
        %ge3A = arith.constant 4 : i32
        %ge3A_714 = arith.cmpi sge, %add3A_519, %ge3A : i32
        %convert_element_type3A_715 = arith.extui %ge3A_714 : i1 to i32
        %cond3A_716 = arith.constant 0 : i32
        %cond3A_717 = arith.cmpi ne, %convert_element_type3A_715, %cond3A_716 : i32
        scf.if %cond3A_717 {
          %add3A_742 = arith.constant 4 : i32
          %add3A_743 = arith.addi %add3A_519, %add3A_742 : i32
          %sub3A = arith.constant 8 : i32
          %sub3A_744 = arith.subi %add3A_743, %sub3A : i32
          %mul3A_745 = arith.constant 64 : i32
          %mul3A_746 = arith.muli %sub3A_744, %mul3A_745 : i32
          %add3A_747 = arith.addi %mul3A_4, %mul3A_746 : i32
          %dma_wait3A_748 = arith.constant 0 : i32
          %dma_wait3A_749 = arith.constant 0 : i32
          %dma_wait3A_750 = arith.constant 0 : i32
          %dma_wait3A_751 = arith.constant 0 : i32
          %dma_wait3A_752 = tpu.memref_slice %arg7[%dma_wait3A_748, %dma_wait3A_750, %dma_wait3A_751] : memref<8x64x128xf32, #tpu.memory_space<vmem>> -> memref<1x64x128xf32, #tpu.memory_space<vmem>>
          %dma_wait3A_753 = tpu.memref_squeeze %dma_wait3A_752 : memref<1x64x128xf32, #tpu.memory_space<vmem>> -> memref<64x128xf32, #tpu.memory_space<vmem>>
          %dma_wait3A_754 = arith.constant 0 : i32
          %dma_wait3A_755 = tpu.memref_slice %arg5[%add3A_747, %dma_wait3A_754] : memref<819200x128xf32, #tpu.memory_space<hbm>> -> memref<64x128xf32, #tpu.memory_space<hbm>>
          %dma_wait3A_756 = tpu.memref_slice %arg11[%dma_wait3A_749] : memref<8x!tpu.dma_semaphore, #tpu.memory_space<semaphore_mem>> -> memref<1x!tpu.dma_semaphore, #tpu.memory_space<semaphore_mem>>
          %dma_wait3A_757 = tpu.memref_squeeze %dma_wait3A_756 : memref<1x!tpu.dma_semaphore, #tpu.memory_space<semaphore_mem>> -> memref<!tpu.dma_semaphore, #tpu.memory_space<semaphore_mem>>
          %dma_wait3A_758 = arith.constant 0 : i32
          %dma_wait3A_759 = tpu.memref_slice %arg5[%add3A_747, %dma_wait3A_758] : memref<819200x128xf32, #tpu.memory_space<hbm>> -> memref<64x128xf32, #tpu.memory_space<hbm>>
          %dma_wait3A_760 = arith.constant 0 : i32
          %dma_wait3A_761 = arith.constant 0 : i32
          %dma_wait3A_762 = tpu.memref_slice %arg7[%dma_wait3A_748, %dma_wait3A_760, %dma_wait3A_761] : memref<8x64x128xf32, #tpu.memory_space<vmem>> -> memref<1x64x128xf32, #tpu.memory_space<vmem>>
          %dma_wait3A_763 = tpu.memref_squeeze %dma_wait3A_762 : memref<1x64x128xf32, #tpu.memory_space<vmem>> -> memref<64x128xf32, #tpu.memory_space<vmem>>
          tpu.wait_dma2 semaphore(%dma_wait3A_757 : memref<!tpu.dma_semaphore, #tpu.memory_space<semaphore_mem>>) src(%dma_wait3A_763 : memref<64x128xf32, #tpu.memory_space<vmem>>) dst(%dma_wait3A_759 : memref<64x128xf32, #tpu.memory_space<hbm>>)
        } else {
        }
        %add3A_718 = arith.constant 4 : i32
        %add3A_719 = arith.addi %add3A_519, %add3A_718 : i32
        %rem3A_720 = arith.constant 25 : i32
        %rem3A_721 = arith.remsi %add3A_719, %rem3A_720 : i32
        %dma_start3A_722 = arith.constant 0 : i32
        %dma_start3A_723 = arith.constant 0 : i32
        %dma_start3A_724 = arith.constant 0 : i32
        %dma_start3A_725 = arith.constant 0 : i32
        %dma_start3A_726 = tpu.memref_slice %arg7[%dma_start3A_722, %dma_start3A_724, %dma_start3A_725] : memref<8x64x128xf32, #tpu.memory_space<vmem>> -> memref<1x64x128xf32, #tpu.memory_space<vmem>>
        %dma_start3A_727 = tpu.memref_squeeze %dma_start3A_726 : memref<1x64x128xf32, #tpu.memory_space<vmem>> -> memref<64x128xf32, #tpu.memory_space<vmem>>
        %dma_start3A_728 = arith.constant 0 : i32
        %dma_start3A_729 = arith.constant 0 : i32
        %dma_start3A_730 = tpu.memref_slice %arg8[%rem3A_721, %dma_start3A_728, %dma_start3A_729] : memref<25x64x128xf32, #tpu.memory_space<vmem_shared>> -> memref<1x64x128xf32, #tpu.memory_space<vmem_shared>>
        %dma_start3A_731 = tpu.memref_squeeze %dma_start3A_730 : memref<1x64x128xf32, #tpu.memory_space<vmem_shared>> -> memref<64x128xf32, #tpu.memory_space<vmem_shared>>
        %dma_start3A_732 = tpu.memref_slice %arg9[%dma_start3A_723] : memref<8x!tpu.dma_semaphore, #tpu.memory_space<semaphore_mem>> -> memref<1x!tpu.dma_semaphore, #tpu.memory_space<semaphore_mem>>
        %dma_start3A_733 = tpu.memref_squeeze %dma_start3A_732 : memref<1x!tpu.dma_semaphore, #tpu.memory_space<semaphore_mem>> -> memref<!tpu.dma_semaphore, #tpu.memory_space<semaphore_mem>>
        %dma_start3A_734 = arith.constant 0 : i32
        %dma_start3A_735 = arith.constant 0 : i32
        %dma_start3A_736 = tpu.memref_slice %arg7[%dma_start3A_722, %dma_start3A_734, %dma_start3A_735] : memref<8x64x128xf32, #tpu.memory_space<vmem>> -> memref<1x64x128xf32, #tpu.memory_space<vmem>>
        %dma_start3A_737 = tpu.memref_squeeze %dma_start3A_736 : memref<1x64x128xf32, #tpu.memory_space<vmem>> -> memref<64x128xf32, #tpu.memory_space<vmem>>
        %dma_start3A_738 = arith.constant 0 : i32
        %dma_start3A_739 = arith.constant 0 : i32
        %dma_start3A_740 = tpu.memref_slice %arg8[%rem3A_721, %dma_start3A_738, %dma_start3A_739] : memref<25x64x128xf32, #tpu.memory_space<vmem_shared>> -> memref<1x64x128xf32, #tpu.memory_space<vmem_shared>>
        %dma_start3A_741 = tpu.memref_squeeze %dma_start3A_740 : memref<1x64x128xf32, #tpu.memory_space<vmem_shared>> -> memref<64x128xf32, #tpu.memory_space<vmem_shared>>
        tpu.enqueue_dma source(%dma_start3A_741 : memref<64x128xf32, #tpu.memory_space<vmem_shared>>) target(%dma_start3A_737 : memref<64x128xf32, #tpu.memory_space<vmem>>) target_semaphore(%dma_start3A_733 : memref<!tpu.dma_semaphore, #tpu.memory_space<semaphore_mem>>)
      } else {
      }
      %add3A_527 = arith.constant 2 : i32
      %add3A_528 = arith.addi %add3A_519, %add3A_527 : i32
      %lt3A_529 = arith.constant 400 : i32
      %lt3A_530 = arith.cmpi slt, %add3A_528, %lt3A_529 : i32
      %convert_element_type3A_531 = arith.extui %lt3A_530 : i1 to i32
      %cond3A_532 = arith.constant 0 : i32
      %cond3A_533 = arith.cmpi ne, %convert_element_type3A_531, %cond3A_532 : i32
      scf.if %cond3A_533 {
        %add3A_714 = arith.constant 2 : i32
        %add3A_715 = arith.addi %add3A_519, %add3A_714 : i32
        %rem3A_716 = arith.constant 25 : i32
        %rem3A_717 = arith.remsi %add3A_715, %rem3A_716 : i32
        %dma_wait3A_718 = arith.constant 6 : i32
        %dma_wait3A_719 = arith.constant 6 : i32
        %dma_wait3A_720 = arith.constant 0 : i32
        %dma_wait3A_721 = arith.constant 0 : i32
        %dma_wait3A_722 = tpu.memref_slice %arg7[%dma_wait3A_718, %dma_wait3A_720, %dma_wait3A_721] : memref<8x64x128xf32, #tpu.memory_space<vmem>> -> memref<1x64x128xf32, #tpu.memory_space<vmem>>
        %dma_wait3A_723 = tpu.memref_squeeze %dma_wait3A_722 : memref<1x64x128xf32, #tpu.memory_space<vmem>> -> memref<64x128xf32, #tpu.memory_space<vmem>>
        %dma_wait3A_724 = arith.constant 0 : i32
        %dma_wait3A_725 = arith.constant 0 : i32
        %dma_wait3A_726 = tpu.memref_slice %arg8[%rem3A_717, %dma_wait3A_724, %dma_wait3A_725] : memref<25x64x128xf32, #tpu.memory_space<vmem_shared>> -> memref<1x64x128xf32, #tpu.memory_space<vmem_shared>>
        %dma_wait3A_727 = tpu.memref_squeeze %dma_wait3A_726 : memref<1x64x128xf32, #tpu.memory_space<vmem_shared>> -> memref<64x128xf32, #tpu.memory_space<vmem_shared>>
        %dma_wait3A_728 = tpu.memref_slice %arg9[%dma_wait3A_719] : memref<8x!tpu.dma_semaphore, #tpu.memory_space<semaphore_mem>> -> memref<1x!tpu.dma_semaphore, #tpu.memory_space<semaphore_mem>>
        %dma_wait3A_729 = tpu.memref_squeeze %dma_wait3A_728 : memref<1x!tpu.dma_semaphore, #tpu.memory_space<semaphore_mem>> -> memref<!tpu.dma_semaphore, #tpu.memory_space<semaphore_mem>>
        %dma_wait3A_730 = arith.constant 0 : i32
        %dma_wait3A_731 = arith.constant 0 : i32
        %dma_wait3A_732 = tpu.memref_slice %arg7[%dma_wait3A_718, %dma_wait3A_730, %dma_wait3A_731] : memref<8x64x128xf32, #tpu.memory_space<vmem>> -> memref<1x64x128xf32, #tpu.memory_space<vmem>>
        %dma_wait3A_733 = tpu.memref_squeeze %dma_wait3A_732 : memref<1x64x128xf32, #tpu.memory_space<vmem>> -> memref<64x128xf32, #tpu.memory_space<vmem>>
        %dma_wait3A_734 = arith.constant 0 : i32
        %dma_wait3A_735 = arith.constant 0 : i32
        %dma_wait3A_736 = tpu.memref_slice %arg8[%rem3A_717, %dma_wait3A_734, %dma_wait3A_735] : memref<25x64x128xf32, #tpu.memory_space<vmem_shared>> -> memref<1x64x128xf32, #tpu.memory_space<vmem_shared>>
        %dma_wait3A_737 = tpu.memref_squeeze %dma_wait3A_736 : memref<1x64x128xf32, #tpu.memory_space<vmem_shared>> -> memref<64x128xf32, #tpu.memory_space<vmem_shared>>
        tpu.wait_dma2 semaphore(%dma_wait3A_729 : memref<!tpu.dma_semaphore, #tpu.memory_space<semaphore_mem>>) src(%dma_wait3A_737 : memref<64x128xf32, #tpu.memory_space<vmem_shared>>) dst(%dma_wait3A_733 : memref<64x128xf32, #tpu.memory_space<vmem>>)
        %add3A_738 = arith.constant 2 : i32
        %add3A_739 = arith.addi %add3A_519, %add3A_738 : i32
        %dma_start3A_740 = arith.constant 6 : i32
        %dma_start3A_741 = arith.constant 6 : i32
        %dma_start3A_742 = arith.constant 0 : i32
        %dma_start3A_743 = arith.constant 0 : i32
        %dma_start3A_744 = tpu.memref_slice %arg7[%dma_start3A_740, %dma_start3A_742, %dma_start3A_743] : memref<8x64x128xf32, #tpu.memory_space<vmem>> -> memref<1x64x128xf32, #tpu.memory_space<vmem>>
        %dma_start3A_745 = tpu.memref_squeeze %dma_start3A_744 : memref<1x64x128xf32, #tpu.memory_space<vmem>> -> memref<64x128xf32, #tpu.memory_space<vmem>>
        %dma_start3A_746 = arith.constant 0 : i32
        %dma_start3A_747 = tpu.memref_slice %arg6[%add3A_739, %dma_start3A_746] : memref<400x64xi32, #tpu.memory_space<vmem>> -> memref<1x64xi32, #tpu.memory_space<vmem>>
        %dma_start3A_748 = tpu.memref_squeeze %dma_start3A_747 : memref<1x64xi32, #tpu.memory_space<vmem>> -> memref<64xi32, #tpu.memory_space<vmem>>
        %dma_start3A_749 = arith.constant 0 : i32
        %dma_start3A_750 = arith.constant 0 : i32
        %dma_start3A_751 = tpu.memref_slice %arg3[%dma_start3A_749, %dma_start3A_750] : memref<100000x128xf32, #tpu.memory_space<hbm>> -> memref<100000x128xf32, #tpu.memory_space<hbm>>
        %dma_start3A_752 = tpu.memref_slice %arg10[%dma_start3A_741] : memref<8x!tpu.dma_semaphore, #tpu.memory_space<semaphore_mem>> -> memref<1x!tpu.dma_semaphore, #tpu.memory_space<semaphore_mem>>
        %dma_start3A_753 = tpu.memref_squeeze %dma_start3A_752 : memref<1x!tpu.dma_semaphore, #tpu.memory_space<semaphore_mem>> -> memref<!tpu.dma_semaphore, #tpu.memory_space<semaphore_mem>>
        tpu.enqueue_indirect_dma source(%dma_start3A_751 : memref<100000x128xf32, #tpu.memory_space<hbm>>) target(%dma_start3A_745 : memref<64x128xf32, #tpu.memory_space<vmem>>) offsets(%dma_start3A_748 : memref<64xi32, #tpu.memory_space<vmem>>) semaphore(%dma_start3A_753 : memref<!tpu.dma_semaphore, #tpu.memory_space<semaphore_mem>>) {add = true}
      } else {
      }
      %dma_wait3A_534 = arith.constant 4 : i32
      %dma_wait3A_535 = arith.constant 4 : i32
      %dma_wait3A_536 = arith.constant 0 : i32
      %dma_wait3A_537 = arith.constant 0 : i32
      %dma_wait3A_538 = tpu.memref_slice %arg7[%dma_wait3A_534, %dma_wait3A_536, %dma_wait3A_537] : memref<8x64x128xf32, #tpu.memory_space<vmem>> -> memref<1x64x128xf32, #tpu.memory_space<vmem>>
      %dma_wait3A_539 = tpu.memref_squeeze %dma_wait3A_538 : memref<1x64x128xf32, #tpu.memory_space<vmem>> -> memref<64x128xf32, #tpu.memory_space<vmem>>
      %dma_wait3A_540 = arith.constant 0 : i32
      %dma_wait3A_541 = tpu.memref_slice %arg6[%add3A_519, %dma_wait3A_540] : memref<400x64xi32, #tpu.memory_space<vmem>> -> memref<1x64xi32, #tpu.memory_space<vmem>>
      %dma_wait3A_542 = tpu.memref_squeeze %dma_wait3A_541 : memref<1x64xi32, #tpu.memory_space<vmem>> -> memref<64xi32, #tpu.memory_space<vmem>>
      %dma_wait3A_543 = arith.constant 0 : i32
      %dma_wait3A_544 = arith.constant 0 : i32
      %dma_wait3A_545 = tpu.memref_slice %arg3[%dma_wait3A_543, %dma_wait3A_544] : memref<100000x128xf32, #tpu.memory_space<hbm>> -> memref<100000x128xf32, #tpu.memory_space<hbm>>
      %dma_wait3A_546 = tpu.memref_slice %arg10[%dma_wait3A_535] : memref<8x!tpu.dma_semaphore, #tpu.memory_space<semaphore_mem>> -> memref<1x!tpu.dma_semaphore, #tpu.memory_space<semaphore_mem>>
      %dma_wait3A_547 = tpu.memref_squeeze %dma_wait3A_546 : memref<1x!tpu.dma_semaphore, #tpu.memory_space<semaphore_mem>> -> memref<!tpu.dma_semaphore, #tpu.memory_space<semaphore_mem>>
      tpu.wait_indirect_dma semaphore(%dma_wait3A_547 : memref<!tpu.dma_semaphore, #tpu.memory_space<semaphore_mem>>) src(%dma_wait3A_545 : memref<100000x128xf32, #tpu.memory_space<hbm>>) dst(%dma_wait3A_539 : memref<64x128xf32, #tpu.memory_space<vmem>>)
      %mul3A_548 = arith.constant 64 : i32
      %mul3A_549 = arith.muli %add3A_519, %mul3A_548 : i32
      %add3A_550 = arith.addi %mul3A_4, %mul3A_549 : i32
      %dma_start3A_551 = arith.constant 4 : i32
      %dma_start3A_552 = arith.constant 4 : i32
      %dma_start3A_553 = arith.constant 0 : i32
      %dma_start3A_554 = arith.constant 0 : i32
      %dma_start3A_555 = tpu.memref_slice %arg7[%dma_start3A_551, %dma_start3A_553, %dma_start3A_554] : memref<8x64x128xf32, #tpu.memory_space<vmem>> -> memref<1x64x128xf32, #tpu.memory_space<vmem>>
      %dma_start3A_556 = tpu.memref_squeeze %dma_start3A_555 : memref<1x64x128xf32, #tpu.memory_space<vmem>> -> memref<64x128xf32, #tpu.memory_space<vmem>>
      %dma_start3A_557 = arith.constant 0 : i32
      %dma_start3A_558 = tpu.memref_slice %arg5[%add3A_550, %dma_start3A_557] : memref<819200x128xf32, #tpu.memory_space<hbm>> -> memref<64x128xf32, #tpu.memory_space<hbm>>
      %dma_start3A_559 = tpu.memref_slice %arg11[%dma_start3A_552] : memref<8x!tpu.dma_semaphore, #tpu.memory_space<semaphore_mem>> -> memref<1x!tpu.dma_semaphore, #tpu.memory_space<semaphore_mem>>
      %dma_start3A_560 = tpu.memref_squeeze %dma_start3A_559 : memref<1x!tpu.dma_semaphore, #tpu.memory_space<semaphore_mem>> -> memref<!tpu.dma_semaphore, #tpu.memory_space<semaphore_mem>>
      %dma_start3A_561 = arith.constant 0 : i32
      %dma_start3A_562 = tpu.memref_slice %arg5[%add3A_550, %dma_start3A_561] : memref<819200x128xf32, #tpu.memory_space<hbm>> -> memref<64x128xf32, #tpu.memory_space<hbm>>
      %dma_start3A_563 = arith.constant 0 : i32
      %dma_start3A_564 = arith.constant 0 : i32
      %dma_start3A_565 = tpu.memref_slice %arg7[%dma_start3A_551, %dma_start3A_563, %dma_start3A_564] : memref<8x64x128xf32, #tpu.memory_space<vmem>> -> memref<1x64x128xf32, #tpu.memory_space<vmem>>
      %dma_start3A_566 = tpu.memref_squeeze %dma_start3A_565 : memref<1x64x128xf32, #tpu.memory_space<vmem>> -> memref<64x128xf32, #tpu.memory_space<vmem>>
      tpu.enqueue_dma source(%dma_start3A_566 : memref<64x128xf32, #tpu.memory_space<vmem>>) target(%dma_start3A_562 : memref<64x128xf32, #tpu.memory_space<hbm>>) target_semaphore(%dma_start3A_560 : memref<!tpu.dma_semaphore, #tpu.memory_space<semaphore_mem>>)
      %add3A_567 = arith.constant 5 : i32
      %add3A_568 = arith.addi %add3A_322, %add3A_567 : i32
      %add3A_569 = arith.constant 4 : i32
      %add3A_570 = arith.addi %add3A_568, %add3A_569 : i32
      %lt3A_571 = arith.constant 400 : i32
      %lt3A_572 = arith.cmpi slt, %add3A_570, %lt3A_571 : i32
      %convert_element_type3A_573 = arith.extui %lt3A_572 : i1 to i32
      %cond3A_574 = arith.constant 0 : i32
      %cond3A_575 = arith.cmpi ne, %convert_element_type3A_573, %cond3A_574 : i32
      scf.if %cond3A_575 {
        %ge3A = arith.constant 4 : i32
        %ge3A_714 = arith.cmpi sge, %add3A_568, %ge3A : i32
        %convert_element_type3A_715 = arith.extui %ge3A_714 : i1 to i32
        %cond3A_716 = arith.constant 0 : i32
        %cond3A_717 = arith.cmpi ne, %convert_element_type3A_715, %cond3A_716 : i32
        scf.if %cond3A_717 {
          %add3A_742 = arith.constant 4 : i32
          %add3A_743 = arith.addi %add3A_568, %add3A_742 : i32
          %sub3A = arith.constant 8 : i32
          %sub3A_744 = arith.subi %add3A_743, %sub3A : i32
          %mul3A_745 = arith.constant 64 : i32
          %mul3A_746 = arith.muli %sub3A_744, %mul3A_745 : i32
          %add3A_747 = arith.addi %mul3A_4, %mul3A_746 : i32
          %dma_wait3A_748 = arith.constant 1 : i32
          %dma_wait3A_749 = arith.constant 1 : i32
          %dma_wait3A_750 = arith.constant 0 : i32
          %dma_wait3A_751 = arith.constant 0 : i32
          %dma_wait3A_752 = tpu.memref_slice %arg7[%dma_wait3A_748, %dma_wait3A_750, %dma_wait3A_751] : memref<8x64x128xf32, #tpu.memory_space<vmem>> -> memref<1x64x128xf32, #tpu.memory_space<vmem>>
          %dma_wait3A_753 = tpu.memref_squeeze %dma_wait3A_752 : memref<1x64x128xf32, #tpu.memory_space<vmem>> -> memref<64x128xf32, #tpu.memory_space<vmem>>
          %dma_wait3A_754 = arith.constant 0 : i32
          %dma_wait3A_755 = tpu.memref_slice %arg5[%add3A_747, %dma_wait3A_754] : memref<819200x128xf32, #tpu.memory_space<hbm>> -> memref<64x128xf32, #tpu.memory_space<hbm>>
          %dma_wait3A_756 = tpu.memref_slice %arg11[%dma_wait3A_749] : memref<8x!tpu.dma_semaphore, #tpu.memory_space<semaphore_mem>> -> memref<1x!tpu.dma_semaphore, #tpu.memory_space<semaphore_mem>>
          %dma_wait3A_757 = tpu.memref_squeeze %dma_wait3A_756 : memref<1x!tpu.dma_semaphore, #tpu.memory_space<semaphore_mem>> -> memref<!tpu.dma_semaphore, #tpu.memory_space<semaphore_mem>>
          %dma_wait3A_758 = arith.constant 0 : i32
          %dma_wait3A_759 = tpu.memref_slice %arg5[%add3A_747, %dma_wait3A_758] : memref<819200x128xf32, #tpu.memory_space<hbm>> -> memref<64x128xf32, #tpu.memory_space<hbm>>
          %dma_wait3A_760 = arith.constant 0 : i32
          %dma_wait3A_761 = arith.constant 0 : i32
          %dma_wait3A_762 = tpu.memref_slice %arg7[%dma_wait3A_748, %dma_wait3A_760, %dma_wait3A_761] : memref<8x64x128xf32, #tpu.memory_space<vmem>> -> memref<1x64x128xf32, #tpu.memory_space<vmem>>
          %dma_wait3A_763 = tpu.memref_squeeze %dma_wait3A_762 : memref<1x64x128xf32, #tpu.memory_space<vmem>> -> memref<64x128xf32, #tpu.memory_space<vmem>>
          tpu.wait_dma2 semaphore(%dma_wait3A_757 : memref<!tpu.dma_semaphore, #tpu.memory_space<semaphore_mem>>) src(%dma_wait3A_763 : memref<64x128xf32, #tpu.memory_space<vmem>>) dst(%dma_wait3A_759 : memref<64x128xf32, #tpu.memory_space<hbm>>)
        } else {
        }
        %add3A_718 = arith.constant 4 : i32
        %add3A_719 = arith.addi %add3A_568, %add3A_718 : i32
        %rem3A_720 = arith.constant 25 : i32
        %rem3A_721 = arith.remsi %add3A_719, %rem3A_720 : i32
        %dma_start3A_722 = arith.constant 1 : i32
        %dma_start3A_723 = arith.constant 1 : i32
        %dma_start3A_724 = arith.constant 0 : i32
        %dma_start3A_725 = arith.constant 0 : i32
        %dma_start3A_726 = tpu.memref_slice %arg7[%dma_start3A_722, %dma_start3A_724, %dma_start3A_725] : memref<8x64x128xf32, #tpu.memory_space<vmem>> -> memref<1x64x128xf32, #tpu.memory_space<vmem>>
        %dma_start3A_727 = tpu.memref_squeeze %dma_start3A_726 : memref<1x64x128xf32, #tpu.memory_space<vmem>> -> memref<64x128xf32, #tpu.memory_space<vmem>>
        %dma_start3A_728 = arith.constant 0 : i32
        %dma_start3A_729 = arith.constant 0 : i32
        %dma_start3A_730 = tpu.memref_slice %arg8[%rem3A_721, %dma_start3A_728, %dma_start3A_729] : memref<25x64x128xf32, #tpu.memory_space<vmem_shared>> -> memref<1x64x128xf32, #tpu.memory_space<vmem_shared>>
        %dma_start3A_731 = tpu.memref_squeeze %dma_start3A_730 : memref<1x64x128xf32, #tpu.memory_space<vmem_shared>> -> memref<64x128xf32, #tpu.memory_space<vmem_shared>>
        %dma_start3A_732 = tpu.memref_slice %arg9[%dma_start3A_723] : memref<8x!tpu.dma_semaphore, #tpu.memory_space<semaphore_mem>> -> memref<1x!tpu.dma_semaphore, #tpu.memory_space<semaphore_mem>>
        %dma_start3A_733 = tpu.memref_squeeze %dma_start3A_732 : memref<1x!tpu.dma_semaphore, #tpu.memory_space<semaphore_mem>> -> memref<!tpu.dma_semaphore, #tpu.memory_space<semaphore_mem>>
        %dma_start3A_734 = arith.constant 0 : i32
        %dma_start3A_735 = arith.constant 0 : i32
        %dma_start3A_736 = tpu.memref_slice %arg7[%dma_start3A_722, %dma_start3A_734, %dma_start3A_735] : memref<8x64x128xf32, #tpu.memory_space<vmem>> -> memref<1x64x128xf32, #tpu.memory_space<vmem>>
        %dma_start3A_737 = tpu.memref_squeeze %dma_start3A_736 : memref<1x64x128xf32, #tpu.memory_space<vmem>> -> memref<64x128xf32, #tpu.memory_space<vmem>>
        %dma_start3A_738 = arith.constant 0 : i32
        %dma_start3A_739 = arith.constant 0 : i32
        %dma_start3A_740 = tpu.memref_slice %arg8[%rem3A_721, %dma_start3A_738, %dma_start3A_739] : memref<25x64x128xf32, #tpu.memory_space<vmem_shared>> -> memref<1x64x128xf32, #tpu.memory_space<vmem_shared>>
        %dma_start3A_741 = tpu.memref_squeeze %dma_start3A_740 : memref<1x64x128xf32, #tpu.memory_space<vmem_shared>> -> memref<64x128xf32, #tpu.memory_space<vmem_shared>>
        tpu.enqueue_dma source(%dma_start3A_741 : memref<64x128xf32, #tpu.memory_space<vmem_shared>>) target(%dma_start3A_737 : memref<64x128xf32, #tpu.memory_space<vmem>>) target_semaphore(%dma_start3A_733 : memref<!tpu.dma_semaphore, #tpu.memory_space<semaphore_mem>>)
      } else {
      }
      %add3A_576 = arith.constant 2 : i32
      %add3A_577 = arith.addi %add3A_568, %add3A_576 : i32
      %lt3A_578 = arith.constant 400 : i32
      %lt3A_579 = arith.cmpi slt, %add3A_577, %lt3A_578 : i32
      %convert_element_type3A_580 = arith.extui %lt3A_579 : i1 to i32
      %cond3A_581 = arith.constant 0 : i32
      %cond3A_582 = arith.cmpi ne, %convert_element_type3A_580, %cond3A_581 : i32
      scf.if %cond3A_582 {
        %add3A_714 = arith.constant 2 : i32
        %add3A_715 = arith.addi %add3A_568, %add3A_714 : i32
        %rem3A_716 = arith.constant 25 : i32
        %rem3A_717 = arith.remsi %add3A_715, %rem3A_716 : i32
        %dma_wait3A_718 = arith.constant 7 : i32
        %dma_wait3A_719 = arith.constant 7 : i32
        %dma_wait3A_720 = arith.constant 0 : i32
        %dma_wait3A_721 = arith.constant 0 : i32
        %dma_wait3A_722 = tpu.memref_slice %arg7[%dma_wait3A_718, %dma_wait3A_720, %dma_wait3A_721] : memref<8x64x128xf32, #tpu.memory_space<vmem>> -> memref<1x64x128xf32, #tpu.memory_space<vmem>>
        %dma_wait3A_723 = tpu.memref_squeeze %dma_wait3A_722 : memref<1x64x128xf32, #tpu.memory_space<vmem>> -> memref<64x128xf32, #tpu.memory_space<vmem>>
        %dma_wait3A_724 = arith.constant 0 : i32
        %dma_wait3A_725 = arith.constant 0 : i32
        %dma_wait3A_726 = tpu.memref_slice %arg8[%rem3A_717, %dma_wait3A_724, %dma_wait3A_725] : memref<25x64x128xf32, #tpu.memory_space<vmem_shared>> -> memref<1x64x128xf32, #tpu.memory_space<vmem_shared>>
        %dma_wait3A_727 = tpu.memref_squeeze %dma_wait3A_726 : memref<1x64x128xf32, #tpu.memory_space<vmem_shared>> -> memref<64x128xf32, #tpu.memory_space<vmem_shared>>
        %dma_wait3A_728 = tpu.memref_slice %arg9[%dma_wait3A_719] : memref<8x!tpu.dma_semaphore, #tpu.memory_space<semaphore_mem>> -> memref<1x!tpu.dma_semaphore, #tpu.memory_space<semaphore_mem>>
        %dma_wait3A_729 = tpu.memref_squeeze %dma_wait3A_728 : memref<1x!tpu.dma_semaphore, #tpu.memory_space<semaphore_mem>> -> memref<!tpu.dma_semaphore, #tpu.memory_space<semaphore_mem>>
        %dma_wait3A_730 = arith.constant 0 : i32
        %dma_wait3A_731 = arith.constant 0 : i32
        %dma_wait3A_732 = tpu.memref_slice %arg7[%dma_wait3A_718, %dma_wait3A_730, %dma_wait3A_731] : memref<8x64x128xf32, #tpu.memory_space<vmem>> -> memref<1x64x128xf32, #tpu.memory_space<vmem>>
        %dma_wait3A_733 = tpu.memref_squeeze %dma_wait3A_732 : memref<1x64x128xf32, #tpu.memory_space<vmem>> -> memref<64x128xf32, #tpu.memory_space<vmem>>
        %dma_wait3A_734 = arith.constant 0 : i32
        %dma_wait3A_735 = arith.constant 0 : i32
        %dma_wait3A_736 = tpu.memref_slice %arg8[%rem3A_717, %dma_wait3A_734, %dma_wait3A_735] : memref<25x64x128xf32, #tpu.memory_space<vmem_shared>> -> memref<1x64x128xf32, #tpu.memory_space<vmem_shared>>
        %dma_wait3A_737 = tpu.memref_squeeze %dma_wait3A_736 : memref<1x64x128xf32, #tpu.memory_space<vmem_shared>> -> memref<64x128xf32, #tpu.memory_space<vmem_shared>>
        tpu.wait_dma2 semaphore(%dma_wait3A_729 : memref<!tpu.dma_semaphore, #tpu.memory_space<semaphore_mem>>) src(%dma_wait3A_737 : memref<64x128xf32, #tpu.memory_space<vmem_shared>>) dst(%dma_wait3A_733 : memref<64x128xf32, #tpu.memory_space<vmem>>)
        %add3A_738 = arith.constant 2 : i32
        %add3A_739 = arith.addi %add3A_568, %add3A_738 : i32
        %dma_start3A_740 = arith.constant 7 : i32
        %dma_start3A_741 = arith.constant 7 : i32
        %dma_start3A_742 = arith.constant 0 : i32
        %dma_start3A_743 = arith.constant 0 : i32
        %dma_start3A_744 = tpu.memref_slice %arg7[%dma_start3A_740, %dma_start3A_742, %dma_start3A_743] : memref<8x64x128xf32, #tpu.memory_space<vmem>> -> memref<1x64x128xf32, #tpu.memory_space<vmem>>
        %dma_start3A_745 = tpu.memref_squeeze %dma_start3A_744 : memref<1x64x128xf32, #tpu.memory_space<vmem>> -> memref<64x128xf32, #tpu.memory_space<vmem>>
        %dma_start3A_746 = arith.constant 0 : i32
        %dma_start3A_747 = tpu.memref_slice %arg6[%add3A_739, %dma_start3A_746] : memref<400x64xi32, #tpu.memory_space<vmem>> -> memref<1x64xi32, #tpu.memory_space<vmem>>
        %dma_start3A_748 = tpu.memref_squeeze %dma_start3A_747 : memref<1x64xi32, #tpu.memory_space<vmem>> -> memref<64xi32, #tpu.memory_space<vmem>>
        %dma_start3A_749 = arith.constant 0 : i32
        %dma_start3A_750 = arith.constant 0 : i32
        %dma_start3A_751 = tpu.memref_slice %arg3[%dma_start3A_749, %dma_start3A_750] : memref<100000x128xf32, #tpu.memory_space<hbm>> -> memref<100000x128xf32, #tpu.memory_space<hbm>>
        %dma_start3A_752 = tpu.memref_slice %arg10[%dma_start3A_741] : memref<8x!tpu.dma_semaphore, #tpu.memory_space<semaphore_mem>> -> memref<1x!tpu.dma_semaphore, #tpu.memory_space<semaphore_mem>>
        %dma_start3A_753 = tpu.memref_squeeze %dma_start3A_752 : memref<1x!tpu.dma_semaphore, #tpu.memory_space<semaphore_mem>> -> memref<!tpu.dma_semaphore, #tpu.memory_space<semaphore_mem>>
        tpu.enqueue_indirect_dma source(%dma_start3A_751 : memref<100000x128xf32, #tpu.memory_space<hbm>>) target(%dma_start3A_745 : memref<64x128xf32, #tpu.memory_space<vmem>>) offsets(%dma_start3A_748 : memref<64xi32, #tpu.memory_space<vmem>>) semaphore(%dma_start3A_753 : memref<!tpu.dma_semaphore, #tpu.memory_space<semaphore_mem>>) {add = true}
      } else {
      }
      %dma_wait3A_583 = arith.constant 5 : i32
      %dma_wait3A_584 = arith.constant 5 : i32
      %dma_wait3A_585 = arith.constant 0 : i32
      %dma_wait3A_586 = arith.constant 0 : i32
      %dma_wait3A_587 = tpu.memref_slice %arg7[%dma_wait3A_583, %dma_wait3A_585, %dma_wait3A_586] : memref<8x64x128xf32, #tpu.memory_space<vmem>> -> memref<1x64x128xf32, #tpu.memory_space<vmem>>
      %dma_wait3A_588 = tpu.memref_squeeze %dma_wait3A_587 : memref<1x64x128xf32, #tpu.memory_space<vmem>> -> memref<64x128xf32, #tpu.memory_space<vmem>>
      %dma_wait3A_589 = arith.constant 0 : i32
      %dma_wait3A_590 = tpu.memref_slice %arg6[%add3A_568, %dma_wait3A_589] : memref<400x64xi32, #tpu.memory_space<vmem>> -> memref<1x64xi32, #tpu.memory_space<vmem>>
      %dma_wait3A_591 = tpu.memref_squeeze %dma_wait3A_590 : memref<1x64xi32, #tpu.memory_space<vmem>> -> memref<64xi32, #tpu.memory_space<vmem>>
      %dma_wait3A_592 = arith.constant 0 : i32
      %dma_wait3A_593 = arith.constant 0 : i32
      %dma_wait3A_594 = tpu.memref_slice %arg3[%dma_wait3A_592, %dma_wait3A_593] : memref<100000x128xf32, #tpu.memory_space<hbm>> -> memref<100000x128xf32, #tpu.memory_space<hbm>>
      %dma_wait3A_595 = tpu.memref_slice %arg10[%dma_wait3A_584] : memref<8x!tpu.dma_semaphore, #tpu.memory_space<semaphore_mem>> -> memref<1x!tpu.dma_semaphore, #tpu.memory_space<semaphore_mem>>
      %dma_wait3A_596 = tpu.memref_squeeze %dma_wait3A_595 : memref<1x!tpu.dma_semaphore, #tpu.memory_space<semaphore_mem>> -> memref<!tpu.dma_semaphore, #tpu.memory_space<semaphore_mem>>
      tpu.wait_indirect_dma semaphore(%dma_wait3A_596 : memref<!tpu.dma_semaphore, #tpu.memory_space<semaphore_mem>>) src(%dma_wait3A_594 : memref<100000x128xf32, #tpu.memory_space<hbm>>) dst(%dma_wait3A_588 : memref<64x128xf32, #tpu.memory_space<vmem>>)
      %mul3A_597 = arith.constant 64 : i32
      %mul3A_598 = arith.muli %add3A_568, %mul3A_597 : i32
      %add3A_599 = arith.addi %mul3A_4, %mul3A_598 : i32
      %dma_start3A_600 = arith.constant 5 : i32
      %dma_start3A_601 = arith.constant 5 : i32
      %dma_start3A_602 = arith.constant 0 : i32
      %dma_start3A_603 = arith.constant 0 : i32
      %dma_start3A_604 = tpu.memref_slice %arg7[%dma_start3A_600, %dma_start3A_602, %dma_start3A_603] : memref<8x64x128xf32, #tpu.memory_space<vmem>> -> memref<1x64x128xf32, #tpu.memory_space<vmem>>
      %dma_start3A_605 = tpu.memref_squeeze %dma_start3A_604 : memref<1x64x128xf32, #tpu.memory_space<vmem>> -> memref<64x128xf32, #tpu.memory_space<vmem>>
      %dma_start3A_606 = arith.constant 0 : i32
      %dma_start3A_607 = tpu.memref_slice %arg5[%add3A_599, %dma_start3A_606] : memref<819200x128xf32, #tpu.memory_space<hbm>> -> memref<64x128xf32, #tpu.memory_space<hbm>>
      %dma_start3A_608 = tpu.memref_slice %arg11[%dma_start3A_601] : memref<8x!tpu.dma_semaphore, #tpu.memory_space<semaphore_mem>> -> memref<1x!tpu.dma_semaphore, #tpu.memory_space<semaphore_mem>>
      %dma_start3A_609 = tpu.memref_squeeze %dma_start3A_608 : memref<1x!tpu.dma_semaphore, #tpu.memory_space<semaphore_mem>> -> memref<!tpu.dma_semaphore, #tpu.memory_space<semaphore_mem>>
      %dma_start3A_610 = arith.constant 0 : i32
      %dma_start3A_611 = tpu.memref_slice %arg5[%add3A_599, %dma_start3A_610] : memref<819200x128xf32, #tpu.memory_space<hbm>> -> memref<64x128xf32, #tpu.memory_space<hbm>>
      %dma_start3A_612 = arith.constant 0 : i32
      %dma_start3A_613 = arith.constant 0 : i32
      %dma_start3A_614 = tpu.memref_slice %arg7[%dma_start3A_600, %dma_start3A_612, %dma_start3A_613] : memref<8x64x128xf32, #tpu.memory_space<vmem>> -> memref<1x64x128xf32, #tpu.memory_space<vmem>>
      %dma_start3A_615 = tpu.memref_squeeze %dma_start3A_614 : memref<1x64x128xf32, #tpu.memory_space<vmem>> -> memref<64x128xf32, #tpu.memory_space<vmem>>
      tpu.enqueue_dma source(%dma_start3A_615 : memref<64x128xf32, #tpu.memory_space<vmem>>) target(%dma_start3A_611 : memref<64x128xf32, #tpu.memory_space<hbm>>) target_semaphore(%dma_start3A_609 : memref<!tpu.dma_semaphore, #tpu.memory_space<semaphore_mem>>)
      %add3A_616 = arith.constant 6 : i32
      %add3A_617 = arith.addi %add3A_322, %add3A_616 : i32
      %add3A_618 = arith.constant 4 : i32
      %add3A_619 = arith.addi %add3A_617, %add3A_618 : i32
      %lt3A_620 = arith.constant 400 : i32
      %lt3A_621 = arith.cmpi slt, %add3A_619, %lt3A_620 : i32
      %convert_element_type3A_622 = arith.extui %lt3A_621 : i1 to i32
      %cond3A_623 = arith.constant 0 : i32
      %cond3A_624 = arith.cmpi ne, %convert_element_type3A_622, %cond3A_623 : i32
      scf.if %cond3A_624 {
        %ge3A = arith.constant 4 : i32
        %ge3A_714 = arith.cmpi sge, %add3A_617, %ge3A : i32
        %convert_element_type3A_715 = arith.extui %ge3A_714 : i1 to i32
        %cond3A_716 = arith.constant 0 : i32
        %cond3A_717 = arith.cmpi ne, %convert_element_type3A_715, %cond3A_716 : i32
        scf.if %cond3A_717 {
          %add3A_742 = arith.constant 4 : i32
          %add3A_743 = arith.addi %add3A_617, %add3A_742 : i32
          %sub3A = arith.constant 8 : i32
          %sub3A_744 = arith.subi %add3A_743, %sub3A : i32
          %mul3A_745 = arith.constant 64 : i32
          %mul3A_746 = arith.muli %sub3A_744, %mul3A_745 : i32
          %add3A_747 = arith.addi %mul3A_4, %mul3A_746 : i32
          %dma_wait3A_748 = arith.constant 2 : i32
          %dma_wait3A_749 = arith.constant 2 : i32
          %dma_wait3A_750 = arith.constant 0 : i32
          %dma_wait3A_751 = arith.constant 0 : i32
          %dma_wait3A_752 = tpu.memref_slice %arg7[%dma_wait3A_748, %dma_wait3A_750, %dma_wait3A_751] : memref<8x64x128xf32, #tpu.memory_space<vmem>> -> memref<1x64x128xf32, #tpu.memory_space<vmem>>
          %dma_wait3A_753 = tpu.memref_squeeze %dma_wait3A_752 : memref<1x64x128xf32, #tpu.memory_space<vmem>> -> memref<64x128xf32, #tpu.memory_space<vmem>>
          %dma_wait3A_754 = arith.constant 0 : i32
          %dma_wait3A_755 = tpu.memref_slice %arg5[%add3A_747, %dma_wait3A_754] : memref<819200x128xf32, #tpu.memory_space<hbm>> -> memref<64x128xf32, #tpu.memory_space<hbm>>
          %dma_wait3A_756 = tpu.memref_slice %arg11[%dma_wait3A_749] : memref<8x!tpu.dma_semaphore, #tpu.memory_space<semaphore_mem>> -> memref<1x!tpu.dma_semaphore, #tpu.memory_space<semaphore_mem>>
          %dma_wait3A_757 = tpu.memref_squeeze %dma_wait3A_756 : memref<1x!tpu.dma_semaphore, #tpu.memory_space<semaphore_mem>> -> memref<!tpu.dma_semaphore, #tpu.memory_space<semaphore_mem>>
          %dma_wait3A_758 = arith.constant 0 : i32
          %dma_wait3A_759 = tpu.memref_slice %arg5[%add3A_747, %dma_wait3A_758] : memref<819200x128xf32, #tpu.memory_space<hbm>> -> memref<64x128xf32, #tpu.memory_space<hbm>>
          %dma_wait3A_760 = arith.constant 0 : i32
          %dma_wait3A_761 = arith.constant 0 : i32
          %dma_wait3A_762 = tpu.memref_slice %arg7[%dma_wait3A_748, %dma_wait3A_760, %dma_wait3A_761] : memref<8x64x128xf32, #tpu.memory_space<vmem>> -> memref<1x64x128xf32, #tpu.memory_space<vmem>>
          %dma_wait3A_763 = tpu.memref_squeeze %dma_wait3A_762 : memref<1x64x128xf32, #tpu.memory_space<vmem>> -> memref<64x128xf32, #tpu.memory_space<vmem>>
          tpu.wait_dma2 semaphore(%dma_wait3A_757 : memref<!tpu.dma_semaphore, #tpu.memory_space<semaphore_mem>>) src(%dma_wait3A_763 : memref<64x128xf32, #tpu.memory_space<vmem>>) dst(%dma_wait3A_759 : memref<64x128xf32, #tpu.memory_space<hbm>>)
        } else {
        }
        %add3A_718 = arith.constant 4 : i32
        %add3A_719 = arith.addi %add3A_617, %add3A_718 : i32
        %rem3A_720 = arith.constant 25 : i32
        %rem3A_721 = arith.remsi %add3A_719, %rem3A_720 : i32
        %dma_start3A_722 = arith.constant 2 : i32
        %dma_start3A_723 = arith.constant 2 : i32
        %dma_start3A_724 = arith.constant 0 : i32
        %dma_start3A_725 = arith.constant 0 : i32
        %dma_start3A_726 = tpu.memref_slice %arg7[%dma_start3A_722, %dma_start3A_724, %dma_start3A_725] : memref<8x64x128xf32, #tpu.memory_space<vmem>> -> memref<1x64x128xf32, #tpu.memory_space<vmem>>
        %dma_start3A_727 = tpu.memref_squeeze %dma_start3A_726 : memref<1x64x128xf32, #tpu.memory_space<vmem>> -> memref<64x128xf32, #tpu.memory_space<vmem>>
        %dma_start3A_728 = arith.constant 0 : i32
        %dma_start3A_729 = arith.constant 0 : i32
        %dma_start3A_730 = tpu.memref_slice %arg8[%rem3A_721, %dma_start3A_728, %dma_start3A_729] : memref<25x64x128xf32, #tpu.memory_space<vmem_shared>> -> memref<1x64x128xf32, #tpu.memory_space<vmem_shared>>
        %dma_start3A_731 = tpu.memref_squeeze %dma_start3A_730 : memref<1x64x128xf32, #tpu.memory_space<vmem_shared>> -> memref<64x128xf32, #tpu.memory_space<vmem_shared>>
        %dma_start3A_732 = tpu.memref_slice %arg9[%dma_start3A_723] : memref<8x!tpu.dma_semaphore, #tpu.memory_space<semaphore_mem>> -> memref<1x!tpu.dma_semaphore, #tpu.memory_space<semaphore_mem>>
        %dma_start3A_733 = tpu.memref_squeeze %dma_start3A_732 : memref<1x!tpu.dma_semaphore, #tpu.memory_space<semaphore_mem>> -> memref<!tpu.dma_semaphore, #tpu.memory_space<semaphore_mem>>
        %dma_start3A_734 = arith.constant 0 : i32
        %dma_start3A_735 = arith.constant 0 : i32
        %dma_start3A_736 = tpu.memref_slice %arg7[%dma_start3A_722, %dma_start3A_734, %dma_start3A_735] : memref<8x64x128xf32, #tpu.memory_space<vmem>> -> memref<1x64x128xf32, #tpu.memory_space<vmem>>
        %dma_start3A_737 = tpu.memref_squeeze %dma_start3A_736 : memref<1x64x128xf32, #tpu.memory_space<vmem>> -> memref<64x128xf32, #tpu.memory_space<vmem>>
        %dma_start3A_738 = arith.constant 0 : i32
        %dma_start3A_739 = arith.constant 0 : i32
        %dma_start3A_740 = tpu.memref_slice %arg8[%rem3A_721, %dma_start3A_738, %dma_start3A_739] : memref<25x64x128xf32, #tpu.memory_space<vmem_shared>> -> memref<1x64x128xf32, #tpu.memory_space<vmem_shared>>
        %dma_start3A_741 = tpu.memref_squeeze %dma_start3A_740 : memref<1x64x128xf32, #tpu.memory_space<vmem_shared>> -> memref<64x128xf32, #tpu.memory_space<vmem_shared>>
        tpu.enqueue_dma source(%dma_start3A_741 : memref<64x128xf32, #tpu.memory_space<vmem_shared>>) target(%dma_start3A_737 : memref<64x128xf32, #tpu.memory_space<vmem>>) target_semaphore(%dma_start3A_733 : memref<!tpu.dma_semaphore, #tpu.memory_space<semaphore_mem>>)
      } else {
      }
      %add3A_625 = arith.constant 2 : i32
      %add3A_626 = arith.addi %add3A_617, %add3A_625 : i32
      %lt3A_627 = arith.constant 400 : i32
      %lt3A_628 = arith.cmpi slt, %add3A_626, %lt3A_627 : i32
      %convert_element_type3A_629 = arith.extui %lt3A_628 : i1 to i32
      %cond3A_630 = arith.constant 0 : i32
      %cond3A_631 = arith.cmpi ne, %convert_element_type3A_629, %cond3A_630 : i32
      scf.if %cond3A_631 {
        %add3A_714 = arith.constant 2 : i32
        %add3A_715 = arith.addi %add3A_617, %add3A_714 : i32
        %rem3A_716 = arith.constant 25 : i32
        %rem3A_717 = arith.remsi %add3A_715, %rem3A_716 : i32
        %dma_wait3A_718 = arith.constant 0 : i32
        %dma_wait3A_719 = arith.constant 0 : i32
        %dma_wait3A_720 = arith.constant 0 : i32
        %dma_wait3A_721 = arith.constant 0 : i32
        %dma_wait3A_722 = tpu.memref_slice %arg7[%dma_wait3A_718, %dma_wait3A_720, %dma_wait3A_721] : memref<8x64x128xf32, #tpu.memory_space<vmem>> -> memref<1x64x128xf32, #tpu.memory_space<vmem>>
        %dma_wait3A_723 = tpu.memref_squeeze %dma_wait3A_722 : memref<1x64x128xf32, #tpu.memory_space<vmem>> -> memref<64x128xf32, #tpu.memory_space<vmem>>
        %dma_wait3A_724 = arith.constant 0 : i32
        %dma_wait3A_725 = arith.constant 0 : i32
        %dma_wait3A_726 = tpu.memref_slice %arg8[%rem3A_717, %dma_wait3A_724, %dma_wait3A_725] : memref<25x64x128xf32, #tpu.memory_space<vmem_shared>> -> memref<1x64x128xf32, #tpu.memory_space<vmem_shared>>
        %dma_wait3A_727 = tpu.memref_squeeze %dma_wait3A_726 : memref<1x64x128xf32, #tpu.memory_space<vmem_shared>> -> memref<64x128xf32, #tpu.memory_space<vmem_shared>>
        %dma_wait3A_728 = tpu.memref_slice %arg9[%dma_wait3A_719] : memref<8x!tpu.dma_semaphore, #tpu.memory_space<semaphore_mem>> -> memref<1x!tpu.dma_semaphore, #tpu.memory_space<semaphore_mem>>
        %dma_wait3A_729 = tpu.memref_squeeze %dma_wait3A_728 : memref<1x!tpu.dma_semaphore, #tpu.memory_space<semaphore_mem>> -> memref<!tpu.dma_semaphore, #tpu.memory_space<semaphore_mem>>
        %dma_wait3A_730 = arith.constant 0 : i32
        %dma_wait3A_731 = arith.constant 0 : i32
        %dma_wait3A_732 = tpu.memref_slice %arg7[%dma_wait3A_718, %dma_wait3A_730, %dma_wait3A_731] : memref<8x64x128xf32, #tpu.memory_space<vmem>> -> memref<1x64x128xf32, #tpu.memory_space<vmem>>
        %dma_wait3A_733 = tpu.memref_squeeze %dma_wait3A_732 : memref<1x64x128xf32, #tpu.memory_space<vmem>> -> memref<64x128xf32, #tpu.memory_space<vmem>>
        %dma_wait3A_734 = arith.constant 0 : i32
        %dma_wait3A_735 = arith.constant 0 : i32
        %dma_wait3A_736 = tpu.memref_slice %arg8[%rem3A_717, %dma_wait3A_734, %dma_wait3A_735] : memref<25x64x128xf32, #tpu.memory_space<vmem_shared>> -> memref<1x64x128xf32, #tpu.memory_space<vmem_shared>>
        %dma_wait3A_737 = tpu.memref_squeeze %dma_wait3A_736 : memref<1x64x128xf32, #tpu.memory_space<vmem_shared>> -> memref<64x128xf32, #tpu.memory_space<vmem_shared>>
        tpu.wait_dma2 semaphore(%dma_wait3A_729 : memref<!tpu.dma_semaphore, #tpu.memory_space<semaphore_mem>>) src(%dma_wait3A_737 : memref<64x128xf32, #tpu.memory_space<vmem_shared>>) dst(%dma_wait3A_733 : memref<64x128xf32, #tpu.memory_space<vmem>>)
        %add3A_738 = arith.constant 2 : i32
        %add3A_739 = arith.addi %add3A_617, %add3A_738 : i32
        %dma_start3A_740 = arith.constant 0 : i32
        %dma_start3A_741 = arith.constant 0 : i32
        %dma_start3A_742 = arith.constant 0 : i32
        %dma_start3A_743 = arith.constant 0 : i32
        %dma_start3A_744 = tpu.memref_slice %arg7[%dma_start3A_740, %dma_start3A_742, %dma_start3A_743] : memref<8x64x128xf32, #tpu.memory_space<vmem>> -> memref<1x64x128xf32, #tpu.memory_space<vmem>>
        %dma_start3A_745 = tpu.memref_squeeze %dma_start3A_744 : memref<1x64x128xf32, #tpu.memory_space<vmem>> -> memref<64x128xf32, #tpu.memory_space<vmem>>
        %dma_start3A_746 = arith.constant 0 : i32
        %dma_start3A_747 = tpu.memref_slice %arg6[%add3A_739, %dma_start3A_746] : memref<400x64xi32, #tpu.memory_space<vmem>> -> memref<1x64xi32, #tpu.memory_space<vmem>>
        %dma_start3A_748 = tpu.memref_squeeze %dma_start3A_747 : memref<1x64xi32, #tpu.memory_space<vmem>> -> memref<64xi32, #tpu.memory_space<vmem>>
        %dma_start3A_749 = arith.constant 0 : i32
        %dma_start3A_750 = arith.constant 0 : i32
        %dma_start3A_751 = tpu.memref_slice %arg3[%dma_start3A_749, %dma_start3A_750] : memref<100000x128xf32, #tpu.memory_space<hbm>> -> memref<100000x128xf32, #tpu.memory_space<hbm>>
        %dma_start3A_752 = tpu.memref_slice %arg10[%dma_start3A_741] : memref<8x!tpu.dma_semaphore, #tpu.memory_space<semaphore_mem>> -> memref<1x!tpu.dma_semaphore, #tpu.memory_space<semaphore_mem>>
        %dma_start3A_753 = tpu.memref_squeeze %dma_start3A_752 : memref<1x!tpu.dma_semaphore, #tpu.memory_space<semaphore_mem>> -> memref<!tpu.dma_semaphore, #tpu.memory_space<semaphore_mem>>
        tpu.enqueue_indirect_dma source(%dma_start3A_751 : memref<100000x128xf32, #tpu.memory_space<hbm>>) target(%dma_start3A_745 : memref<64x128xf32, #tpu.memory_space<vmem>>) offsets(%dma_start3A_748 : memref<64xi32, #tpu.memory_space<vmem>>) semaphore(%dma_start3A_753 : memref<!tpu.dma_semaphore, #tpu.memory_space<semaphore_mem>>) {add = true}
      } else {
      }
      %dma_wait3A_632 = arith.constant 6 : i32
      %dma_wait3A_633 = arith.constant 6 : i32
      %dma_wait3A_634 = arith.constant 0 : i32
      %dma_wait3A_635 = arith.constant 0 : i32
      %dma_wait3A_636 = tpu.memref_slice %arg7[%dma_wait3A_632, %dma_wait3A_634, %dma_wait3A_635] : memref<8x64x128xf32, #tpu.memory_space<vmem>> -> memref<1x64x128xf32, #tpu.memory_space<vmem>>
      %dma_wait3A_637 = tpu.memref_squeeze %dma_wait3A_636 : memref<1x64x128xf32, #tpu.memory_space<vmem>> -> memref<64x128xf32, #tpu.memory_space<vmem>>
      %dma_wait3A_638 = arith.constant 0 : i32
      %dma_wait3A_639 = tpu.memref_slice %arg6[%add3A_617, %dma_wait3A_638] : memref<400x64xi32, #tpu.memory_space<vmem>> -> memref<1x64xi32, #tpu.memory_space<vmem>>
      %dma_wait3A_640 = tpu.memref_squeeze %dma_wait3A_639 : memref<1x64xi32, #tpu.memory_space<vmem>> -> memref<64xi32, #tpu.memory_space<vmem>>
      %dma_wait3A_641 = arith.constant 0 : i32
      %dma_wait3A_642 = arith.constant 0 : i32
      %dma_wait3A_643 = tpu.memref_slice %arg3[%dma_wait3A_641, %dma_wait3A_642] : memref<100000x128xf32, #tpu.memory_space<hbm>> -> memref<100000x128xf32, #tpu.memory_space<hbm>>
      %dma_wait3A_644 = tpu.memref_slice %arg10[%dma_wait3A_633] : memref<8x!tpu.dma_semaphore, #tpu.memory_space<semaphore_mem>> -> memref<1x!tpu.dma_semaphore, #tpu.memory_space<semaphore_mem>>
      %dma_wait3A_645 = tpu.memref_squeeze %dma_wait3A_644 : memref<1x!tpu.dma_semaphore, #tpu.memory_space<semaphore_mem>> -> memref<!tpu.dma_semaphore, #tpu.memory_space<semaphore_mem>>
      tpu.wait_indirect_dma semaphore(%dma_wait3A_645 : memref<!tpu.dma_semaphore, #tpu.memory_space<semaphore_mem>>) src(%dma_wait3A_643 : memref<100000x128xf32, #tpu.memory_space<hbm>>) dst(%dma_wait3A_637 : memref<64x128xf32, #tpu.memory_space<vmem>>)
      %mul3A_646 = arith.constant 64 : i32
      %mul3A_647 = arith.muli %add3A_617, %mul3A_646 : i32
      %add3A_648 = arith.addi %mul3A_4, %mul3A_647 : i32
      %dma_start3A_649 = arith.constant 6 : i32
      %dma_start3A_650 = arith.constant 6 : i32
      %dma_start3A_651 = arith.constant 0 : i32
      %dma_start3A_652 = arith.constant 0 : i32
      %dma_start3A_653 = tpu.memref_slice %arg7[%dma_start3A_649, %dma_start3A_651, %dma_start3A_652] : memref<8x64x128xf32, #tpu.memory_space<vmem>> -> memref<1x64x128xf32, #tpu.memory_space<vmem>>
      %dma_start3A_654 = tpu.memref_squeeze %dma_start3A_653 : memref<1x64x128xf32, #tpu.memory_space<vmem>> -> memref<64x128xf32, #tpu.memory_space<vmem>>
      %dma_start3A_655 = arith.constant 0 : i32
      %dma_start3A_656 = tpu.memref_slice %arg5[%add3A_648, %dma_start3A_655] : memref<819200x128xf32, #tpu.memory_space<hbm>> -> memref<64x128xf32, #tpu.memory_space<hbm>>
      %dma_start3A_657 = tpu.memref_slice %arg11[%dma_start3A_650] : memref<8x!tpu.dma_semaphore, #tpu.memory_space<semaphore_mem>> -> memref<1x!tpu.dma_semaphore, #tpu.memory_space<semaphore_mem>>
      %dma_start3A_658 = tpu.memref_squeeze %dma_start3A_657 : memref<1x!tpu.dma_semaphore, #tpu.memory_space<semaphore_mem>> -> memref<!tpu.dma_semaphore, #tpu.memory_space<semaphore_mem>>
      %dma_start3A_659 = arith.constant 0 : i32
      %dma_start3A_660 = tpu.memref_slice %arg5[%add3A_648, %dma_start3A_659] : memref<819200x128xf32, #tpu.memory_space<hbm>> -> memref<64x128xf32, #tpu.memory_space<hbm>>
      %dma_start3A_661 = arith.constant 0 : i32
      %dma_start3A_662 = arith.constant 0 : i32
      %dma_start3A_663 = tpu.memref_slice %arg7[%dma_start3A_649, %dma_start3A_661, %dma_start3A_662] : memref<8x64x128xf32, #tpu.memory_space<vmem>> -> memref<1x64x128xf32, #tpu.memory_space<vmem>>
      %dma_start3A_664 = tpu.memref_squeeze %dma_start3A_663 : memref<1x64x128xf32, #tpu.memory_space<vmem>> -> memref<64x128xf32, #tpu.memory_space<vmem>>
      tpu.enqueue_dma source(%dma_start3A_664 : memref<64x128xf32, #tpu.memory_space<vmem>>) target(%dma_start3A_660 : memref<64x128xf32, #tpu.memory_space<hbm>>) target_semaphore(%dma_start3A_658 : memref<!tpu.dma_semaphore, #tpu.memory_space<semaphore_mem>>)
      %add3A_665 = arith.constant 7 : i32
      %add3A_666 = arith.addi %add3A_322, %add3A_665 : i32
      %add3A_667 = arith.constant 4 : i32
      %add3A_668 = arith.addi %add3A_666, %add3A_667 : i32
      %lt3A_669 = arith.constant 400 : i32
      %lt3A_670 = arith.cmpi slt, %add3A_668, %lt3A_669 : i32
      %convert_element_type3A_671 = arith.extui %lt3A_670 : i1 to i32
      %cond3A_672 = arith.constant 0 : i32
      %cond3A_673 = arith.cmpi ne, %convert_element_type3A_671, %cond3A_672 : i32
      scf.if %cond3A_673 {
        %ge3A = arith.constant 4 : i32
        %ge3A_714 = arith.cmpi sge, %add3A_666, %ge3A : i32
        %convert_element_type3A_715 = arith.extui %ge3A_714 : i1 to i32
        %cond3A_716 = arith.constant 0 : i32
        %cond3A_717 = arith.cmpi ne, %convert_element_type3A_715, %cond3A_716 : i32
        scf.if %cond3A_717 {
          %add3A_742 = arith.constant 4 : i32
          %add3A_743 = arith.addi %add3A_666, %add3A_742 : i32
          %sub3A = arith.constant 8 : i32
          %sub3A_744 = arith.subi %add3A_743, %sub3A : i32
          %mul3A_745 = arith.constant 64 : i32
          %mul3A_746 = arith.muli %sub3A_744, %mul3A_745 : i32
          %add3A_747 = arith.addi %mul3A_4, %mul3A_746 : i32
          %dma_wait3A_748 = arith.constant 3 : i32
          %dma_wait3A_749 = arith.constant 3 : i32
          %dma_wait3A_750 = arith.constant 0 : i32
          %dma_wait3A_751 = arith.constant 0 : i32
          %dma_wait3A_752 = tpu.memref_slice %arg7[%dma_wait3A_748, %dma_wait3A_750, %dma_wait3A_751] : memref<8x64x128xf32, #tpu.memory_space<vmem>> -> memref<1x64x128xf32, #tpu.memory_space<vmem>>
          %dma_wait3A_753 = tpu.memref_squeeze %dma_wait3A_752 : memref<1x64x128xf32, #tpu.memory_space<vmem>> -> memref<64x128xf32, #tpu.memory_space<vmem>>
          %dma_wait3A_754 = arith.constant 0 : i32
          %dma_wait3A_755 = tpu.memref_slice %arg5[%add3A_747, %dma_wait3A_754] : memref<819200x128xf32, #tpu.memory_space<hbm>> -> memref<64x128xf32, #tpu.memory_space<hbm>>
          %dma_wait3A_756 = tpu.memref_slice %arg11[%dma_wait3A_749] : memref<8x!tpu.dma_semaphore, #tpu.memory_space<semaphore_mem>> -> memref<1x!tpu.dma_semaphore, #tpu.memory_space<semaphore_mem>>
          %dma_wait3A_757 = tpu.memref_squeeze %dma_wait3A_756 : memref<1x!tpu.dma_semaphore, #tpu.memory_space<semaphore_mem>> -> memref<!tpu.dma_semaphore, #tpu.memory_space<semaphore_mem>>
          %dma_wait3A_758 = arith.constant 0 : i32
          %dma_wait3A_759 = tpu.memref_slice %arg5[%add3A_747, %dma_wait3A_758] : memref<819200x128xf32, #tpu.memory_space<hbm>> -> memref<64x128xf32, #tpu.memory_space<hbm>>
          %dma_wait3A_760 = arith.constant 0 : i32
          %dma_wait3A_761 = arith.constant 0 : i32
          %dma_wait3A_762 = tpu.memref_slice %arg7[%dma_wait3A_748, %dma_wait3A_760, %dma_wait3A_761] : memref<8x64x128xf32, #tpu.memory_space<vmem>> -> memref<1x64x128xf32, #tpu.memory_space<vmem>>
          %dma_wait3A_763 = tpu.memref_squeeze %dma_wait3A_762 : memref<1x64x128xf32, #tpu.memory_space<vmem>> -> memref<64x128xf32, #tpu.memory_space<vmem>>
          tpu.wait_dma2 semaphore(%dma_wait3A_757 : memref<!tpu.dma_semaphore, #tpu.memory_space<semaphore_mem>>) src(%dma_wait3A_763 : memref<64x128xf32, #tpu.memory_space<vmem>>) dst(%dma_wait3A_759 : memref<64x128xf32, #tpu.memory_space<hbm>>)
        } else {
        }
        %add3A_718 = arith.constant 4 : i32
        %add3A_719 = arith.addi %add3A_666, %add3A_718 : i32
        %rem3A_720 = arith.constant 25 : i32
        %rem3A_721 = arith.remsi %add3A_719, %rem3A_720 : i32
        %dma_start3A_722 = arith.constant 3 : i32
        %dma_start3A_723 = arith.constant 3 : i32
        %dma_start3A_724 = arith.constant 0 : i32
        %dma_start3A_725 = arith.constant 0 : i32
        %dma_start3A_726 = tpu.memref_slice %arg7[%dma_start3A_722, %dma_start3A_724, %dma_start3A_725] : memref<8x64x128xf32, #tpu.memory_space<vmem>> -> memref<1x64x128xf32, #tpu.memory_space<vmem>>
        %dma_start3A_727 = tpu.memref_squeeze %dma_start3A_726 : memref<1x64x128xf32, #tpu.memory_space<vmem>> -> memref<64x128xf32, #tpu.memory_space<vmem>>
        %dma_start3A_728 = arith.constant 0 : i32
        %dma_start3A_729 = arith.constant 0 : i32
        %dma_start3A_730 = tpu.memref_slice %arg8[%rem3A_721, %dma_start3A_728, %dma_start3A_729] : memref<25x64x128xf32, #tpu.memory_space<vmem_shared>> -> memref<1x64x128xf32, #tpu.memory_space<vmem_shared>>
        %dma_start3A_731 = tpu.memref_squeeze %dma_start3A_730 : memref<1x64x128xf32, #tpu.memory_space<vmem_shared>> -> memref<64x128xf32, #tpu.memory_space<vmem_shared>>
        %dma_start3A_732 = tpu.memref_slice %arg9[%dma_start3A_723] : memref<8x!tpu.dma_semaphore, #tpu.memory_space<semaphore_mem>> -> memref<1x!tpu.dma_semaphore, #tpu.memory_space<semaphore_mem>>
        %dma_start3A_733 = tpu.memref_squeeze %dma_start3A_732 : memref<1x!tpu.dma_semaphore, #tpu.memory_space<semaphore_mem>> -> memref<!tpu.dma_semaphore, #tpu.memory_space<semaphore_mem>>
        %dma_start3A_734 = arith.constant 0 : i32
        %dma_start3A_735 = arith.constant 0 : i32
        %dma_start3A_736 = tpu.memref_slice %arg7[%dma_start3A_722, %dma_start3A_734, %dma_start3A_735] : memref<8x64x128xf32, #tpu.memory_space<vmem>> -> memref<1x64x128xf32, #tpu.memory_space<vmem>>
        %dma_start3A_737 = tpu.memref_squeeze %dma_start3A_736 : memref<1x64x128xf32, #tpu.memory_space<vmem>> -> memref<64x128xf32, #tpu.memory_space<vmem>>
        %dma_start3A_738 = arith.constant 0 : i32
        %dma_start3A_739 = arith.constant 0 : i32
        %dma_start3A_740 = tpu.memref_slice %arg8[%rem3A_721, %dma_start3A_738, %dma_start3A_739] : memref<25x64x128xf32, #tpu.memory_space<vmem_shared>> -> memref<1x64x128xf32, #tpu.memory_space<vmem_shared>>
        %dma_start3A_741 = tpu.memref_squeeze %dma_start3A_740 : memref<1x64x128xf32, #tpu.memory_space<vmem_shared>> -> memref<64x128xf32, #tpu.memory_space<vmem_shared>>
        tpu.enqueue_dma source(%dma_start3A_741 : memref<64x128xf32, #tpu.memory_space<vmem_shared>>) target(%dma_start3A_737 : memref<64x128xf32, #tpu.memory_space<vmem>>) target_semaphore(%dma_start3A_733 : memref<!tpu.dma_semaphore, #tpu.memory_space<semaphore_mem>>)
      } else {
      }
      %add3A_674 = arith.constant 2 : i32
      %add3A_675 = arith.addi %add3A_666, %add3A_674 : i32
      %lt3A_676 = arith.constant 400 : i32
      %lt3A_677 = arith.cmpi slt, %add3A_675, %lt3A_676 : i32
      %convert_element_type3A_678 = arith.extui %lt3A_677 : i1 to i32
      %cond3A_679 = arith.constant 0 : i32
      %cond3A_680 = arith.cmpi ne, %convert_element_type3A_678, %cond3A_679 : i32
      scf.if %cond3A_680 {
        %add3A_714 = arith.constant 2 : i32
        %add3A_715 = arith.addi %add3A_666, %add3A_714 : i32
        %rem3A_716 = arith.constant 25 : i32
        %rem3A_717 = arith.remsi %add3A_715, %rem3A_716 : i32
        %dma_wait3A_718 = arith.constant 1 : i32
        %dma_wait3A_719 = arith.constant 1 : i32
        %dma_wait3A_720 = arith.constant 0 : i32
        %dma_wait3A_721 = arith.constant 0 : i32
        %dma_wait3A_722 = tpu.memref_slice %arg7[%dma_wait3A_718, %dma_wait3A_720, %dma_wait3A_721] : memref<8x64x128xf32, #tpu.memory_space<vmem>> -> memref<1x64x128xf32, #tpu.memory_space<vmem>>
        %dma_wait3A_723 = tpu.memref_squeeze %dma_wait3A_722 : memref<1x64x128xf32, #tpu.memory_space<vmem>> -> memref<64x128xf32, #tpu.memory_space<vmem>>
        %dma_wait3A_724 = arith.constant 0 : i32
        %dma_wait3A_725 = arith.constant 0 : i32
        %dma_wait3A_726 = tpu.memref_slice %arg8[%rem3A_717, %dma_wait3A_724, %dma_wait3A_725] : memref<25x64x128xf32, #tpu.memory_space<vmem_shared>> -> memref<1x64x128xf32, #tpu.memory_space<vmem_shared>>
        %dma_wait3A_727 = tpu.memref_squeeze %dma_wait3A_726 : memref<1x64x128xf32, #tpu.memory_space<vmem_shared>> -> memref<64x128xf32, #tpu.memory_space<vmem_shared>>
        %dma_wait3A_728 = tpu.memref_slice %arg9[%dma_wait3A_719] : memref<8x!tpu.dma_semaphore, #tpu.memory_space<semaphore_mem>> -> memref<1x!tpu.dma_semaphore, #tpu.memory_space<semaphore_mem>>
        %dma_wait3A_729 = tpu.memref_squeeze %dma_wait3A_728 : memref<1x!tpu.dma_semaphore, #tpu.memory_space<semaphore_mem>> -> memref<!tpu.dma_semaphore, #tpu.memory_space<semaphore_mem>>
        %dma_wait3A_730 = arith.constant 0 : i32
        %dma_wait3A_731 = arith.constant 0 : i32
        %dma_wait3A_732 = tpu.memref_slice %arg7[%dma_wait3A_718, %dma_wait3A_730, %dma_wait3A_731] : memref<8x64x128xf32, #tpu.memory_space<vmem>> -> memref<1x64x128xf32, #tpu.memory_space<vmem>>
        %dma_wait3A_733 = tpu.memref_squeeze %dma_wait3A_732 : memref<1x64x128xf32, #tpu.memory_space<vmem>> -> memref<64x128xf32, #tpu.memory_space<vmem>>
        %dma_wait3A_734 = arith.constant 0 : i32
        %dma_wait3A_735 = arith.constant 0 : i32
        %dma_wait3A_736 = tpu.memref_slice %arg8[%rem3A_717, %dma_wait3A_734, %dma_wait3A_735] : memref<25x64x128xf32, #tpu.memory_space<vmem_shared>> -> memref<1x64x128xf32, #tpu.memory_space<vmem_shared>>
        %dma_wait3A_737 = tpu.memref_squeeze %dma_wait3A_736 : memref<1x64x128xf32, #tpu.memory_space<vmem_shared>> -> memref<64x128xf32, #tpu.memory_space<vmem_shared>>
        tpu.wait_dma2 semaphore(%dma_wait3A_729 : memref<!tpu.dma_semaphore, #tpu.memory_space<semaphore_mem>>) src(%dma_wait3A_737 : memref<64x128xf32, #tpu.memory_space<vmem_shared>>) dst(%dma_wait3A_733 : memref<64x128xf32, #tpu.memory_space<vmem>>)
        %add3A_738 = arith.constant 2 : i32
        %add3A_739 = arith.addi %add3A_666, %add3A_738 : i32
        %dma_start3A_740 = arith.constant 1 : i32
        %dma_start3A_741 = arith.constant 1 : i32
        %dma_start3A_742 = arith.constant 0 : i32
        %dma_start3A_743 = arith.constant 0 : i32
        %dma_start3A_744 = tpu.memref_slice %arg7[%dma_start3A_740, %dma_start3A_742, %dma_start3A_743] : memref<8x64x128xf32, #tpu.memory_space<vmem>> -> memref<1x64x128xf32, #tpu.memory_space<vmem>>
        %dma_start3A_745 = tpu.memref_squeeze %dma_start3A_744 : memref<1x64x128xf32, #tpu.memory_space<vmem>> -> memref<64x128xf32, #tpu.memory_space<vmem>>
        %dma_start3A_746 = arith.constant 0 : i32
        %dma_start3A_747 = tpu.memref_slice %arg6[%add3A_739, %dma_start3A_746] : memref<400x64xi32, #tpu.memory_space<vmem>> -> memref<1x64xi32, #tpu.memory_space<vmem>>
        %dma_start3A_748 = tpu.memref_squeeze %dma_start3A_747 : memref<1x64xi32, #tpu.memory_space<vmem>> -> memref<64xi32, #tpu.memory_space<vmem>>
        %dma_start3A_749 = arith.constant 0 : i32
        %dma_start3A_750 = arith.constant 0 : i32
        %dma_start3A_751 = tpu.memref_slice %arg3[%dma_start3A_749, %dma_start3A_750] : memref<100000x128xf32, #tpu.memory_space<hbm>> -> memref<100000x128xf32, #tpu.memory_space<hbm>>
        %dma_start3A_752 = tpu.memref_slice %arg10[%dma_start3A_741] : memref<8x!tpu.dma_semaphore, #tpu.memory_space<semaphore_mem>> -> memref<1x!tpu.dma_semaphore, #tpu.memory_space<semaphore_mem>>
        %dma_start3A_753 = tpu.memref_squeeze %dma_start3A_752 : memref<1x!tpu.dma_semaphore, #tpu.memory_space<semaphore_mem>> -> memref<!tpu.dma_semaphore, #tpu.memory_space<semaphore_mem>>
        tpu.enqueue_indirect_dma source(%dma_start3A_751 : memref<100000x128xf32, #tpu.memory_space<hbm>>) target(%dma_start3A_745 : memref<64x128xf32, #tpu.memory_space<vmem>>) offsets(%dma_start3A_748 : memref<64xi32, #tpu.memory_space<vmem>>) semaphore(%dma_start3A_753 : memref<!tpu.dma_semaphore, #tpu.memory_space<semaphore_mem>>) {add = true}
      } else {
      }
      %dma_wait3A_681 = arith.constant 7 : i32
      %dma_wait3A_682 = arith.constant 7 : i32
      %dma_wait3A_683 = arith.constant 0 : i32
      %dma_wait3A_684 = arith.constant 0 : i32
      %dma_wait3A_685 = tpu.memref_slice %arg7[%dma_wait3A_681, %dma_wait3A_683, %dma_wait3A_684] : memref<8x64x128xf32, #tpu.memory_space<vmem>> -> memref<1x64x128xf32, #tpu.memory_space<vmem>>
      %dma_wait3A_686 = tpu.memref_squeeze %dma_wait3A_685 : memref<1x64x128xf32, #tpu.memory_space<vmem>> -> memref<64x128xf32, #tpu.memory_space<vmem>>
      %dma_wait3A_687 = arith.constant 0 : i32
      %dma_wait3A_688 = tpu.memref_slice %arg6[%add3A_666, %dma_wait3A_687] : memref<400x64xi32, #tpu.memory_space<vmem>> -> memref<1x64xi32, #tpu.memory_space<vmem>>
      %dma_wait3A_689 = tpu.memref_squeeze %dma_wait3A_688 : memref<1x64xi32, #tpu.memory_space<vmem>> -> memref<64xi32, #tpu.memory_space<vmem>>
      %dma_wait3A_690 = arith.constant 0 : i32
      %dma_wait3A_691 = arith.constant 0 : i32
      %dma_wait3A_692 = tpu.memref_slice %arg3[%dma_wait3A_690, %dma_wait3A_691] : memref<100000x128xf32, #tpu.memory_space<hbm>> -> memref<100000x128xf32, #tpu.memory_space<hbm>>
      %dma_wait3A_693 = tpu.memref_slice %arg10[%dma_wait3A_682] : memref<8x!tpu.dma_semaphore, #tpu.memory_space<semaphore_mem>> -> memref<1x!tpu.dma_semaphore, #tpu.memory_space<semaphore_mem>>
      %dma_wait3A_694 = tpu.memref_squeeze %dma_wait3A_693 : memref<1x!tpu.dma_semaphore, #tpu.memory_space<semaphore_mem>> -> memref<!tpu.dma_semaphore, #tpu.memory_space<semaphore_mem>>
      tpu.wait_indirect_dma semaphore(%dma_wait3A_694 : memref<!tpu.dma_semaphore, #tpu.memory_space<semaphore_mem>>) src(%dma_wait3A_692 : memref<100000x128xf32, #tpu.memory_space<hbm>>) dst(%dma_wait3A_686 : memref<64x128xf32, #tpu.memory_space<vmem>>)
      %mul3A_695 = arith.constant 64 : i32
      %mul3A_696 = arith.muli %add3A_666, %mul3A_695 : i32
      %add3A_697 = arith.addi %mul3A_4, %mul3A_696 : i32
      %dma_start3A_698 = arith.constant 7 : i32
      %dma_start3A_699 = arith.constant 7 : i32
      %dma_start3A_700 = arith.constant 0 : i32
      %dma_start3A_701 = arith.constant 0 : i32
      %dma_start3A_702 = tpu.memref_slice %arg7[%dma_start3A_698, %dma_start3A_700, %dma_start3A_701] : memref<8x64x128xf32, #tpu.memory_space<vmem>> -> memref<1x64x128xf32, #tpu.memory_space<vmem>>
      %dma_start3A_703 = tpu.memref_squeeze %dma_start3A_702 : memref<1x64x128xf32, #tpu.memory_space<vmem>> -> memref<64x128xf32, #tpu.memory_space<vmem>>
      %dma_start3A_704 = arith.constant 0 : i32
      %dma_start3A_705 = tpu.memref_slice %arg5[%add3A_697, %dma_start3A_704] : memref<819200x128xf32, #tpu.memory_space<hbm>> -> memref<64x128xf32, #tpu.memory_space<hbm>>
      %dma_start3A_706 = tpu.memref_slice %arg11[%dma_start3A_699] : memref<8x!tpu.dma_semaphore, #tpu.memory_space<semaphore_mem>> -> memref<1x!tpu.dma_semaphore, #tpu.memory_space<semaphore_mem>>
      %dma_start3A_707 = tpu.memref_squeeze %dma_start3A_706 : memref<1x!tpu.dma_semaphore, #tpu.memory_space<semaphore_mem>> -> memref<!tpu.dma_semaphore, #tpu.memory_space<semaphore_mem>>
      %dma_start3A_708 = arith.constant 0 : i32
      %dma_start3A_709 = tpu.memref_slice %arg5[%add3A_697, %dma_start3A_708] : memref<819200x128xf32, #tpu.memory_space<hbm>> -> memref<64x128xf32, #tpu.memory_space<hbm>>
      %dma_start3A_710 = arith.constant 0 : i32
      %dma_start3A_711 = arith.constant 0 : i32
      %dma_start3A_712 = tpu.memref_slice %arg7[%dma_start3A_698, %dma_start3A_710, %dma_start3A_711] : memref<8x64x128xf32, #tpu.memory_space<vmem>> -> memref<1x64x128xf32, #tpu.memory_space<vmem>>
      %dma_start3A_713 = tpu.memref_squeeze %dma_start3A_712 : memref<1x64x128xf32, #tpu.memory_space<vmem>> -> memref<64x128xf32, #tpu.memory_space<vmem>>
      tpu.enqueue_dma source(%dma_start3A_713 : memref<64x128xf32, #tpu.memory_space<vmem>>) target(%dma_start3A_709 : memref<64x128xf32, #tpu.memory_space<hbm>>) target_semaphore(%dma_start3A_707 : memref<!tpu.dma_semaphore, #tpu.memory_space<semaphore_mem>>)
    }
    %scan3A_173 = arith.constant 50 : i32
    %add3A_174 = arith.constant 25088 : i32
    %add3A_175 = arith.addi %mul3A_4, %add3A_174 : i32
    %dma_wait3A_176 = arith.constant 0 : i32
    %dma_wait3A_177 = arith.constant 0 : i32
    %dma_wait3A_178 = arith.constant 0 : i32
    %dma_wait3A_179 = arith.constant 0 : i32
    %dma_wait3A_180 = tpu.memref_slice %arg7[%dma_wait3A_176, %dma_wait3A_178, %dma_wait3A_179] : memref<8x64x128xf32, #tpu.memory_space<vmem>> -> memref<1x64x128xf32, #tpu.memory_space<vmem>>
    %dma_wait3A_181 = tpu.memref_squeeze %dma_wait3A_180 : memref<1x64x128xf32, #tpu.memory_space<vmem>> -> memref<64x128xf32, #tpu.memory_space<vmem>>
    %dma_wait3A_182 = arith.constant 0 : i32
    %dma_wait3A_183 = tpu.memref_slice %arg5[%add3A_175, %dma_wait3A_182] : memref<819200x128xf32, #tpu.memory_space<hbm>> -> memref<64x128xf32, #tpu.memory_space<hbm>>
    %dma_wait3A_184 = tpu.memref_slice %arg11[%dma_wait3A_177] : memref<8x!tpu.dma_semaphore, #tpu.memory_space<semaphore_mem>> -> memref<1x!tpu.dma_semaphore, #tpu.memory_space<semaphore_mem>>
    %dma_wait3A_185 = tpu.memref_squeeze %dma_wait3A_184 : memref<1x!tpu.dma_semaphore, #tpu.memory_space<semaphore_mem>> -> memref<!tpu.dma_semaphore, #tpu.memory_space<semaphore_mem>>
    %dma_wait3A_186 = arith.constant 0 : i32
    %dma_wait3A_187 = tpu.memref_slice %arg5[%add3A_175, %dma_wait3A_186] : memref<819200x128xf32, #tpu.memory_space<hbm>> -> memref<64x128xf32, #tpu.memory_space<hbm>>
    %dma_wait3A_188 = arith.constant 0 : i32
    %dma_wait3A_189 = arith.constant 0 : i32
    %dma_wait3A_190 = tpu.memref_slice %arg7[%dma_wait3A_176, %dma_wait3A_188, %dma_wait3A_189] : memref<8x64x128xf32, #tpu.memory_space<vmem>> -> memref<1x64x128xf32, #tpu.memory_space<vmem>>
    %dma_wait3A_191 = tpu.memref_squeeze %dma_wait3A_190 : memref<1x64x128xf32, #tpu.memory_space<vmem>> -> memref<64x128xf32, #tpu.memory_space<vmem>>
    tpu.wait_dma2 semaphore(%dma_wait3A_185 : memref<!tpu.dma_semaphore, #tpu.memory_space<semaphore_mem>>) src(%dma_wait3A_191 : memref<64x128xf32, #tpu.memory_space<vmem>>) dst(%dma_wait3A_187 : memref<64x128xf32, #tpu.memory_space<hbm>>)
    %add3A_192 = arith.constant 25152 : i32
    %add3A_193 = arith.addi %mul3A_4, %add3A_192 : i32
    %dma_wait3A_194 = arith.constant 1 : i32
    %dma_wait3A_195 = arith.constant 1 : i32
    %dma_wait3A_196 = arith.constant 0 : i32
    %dma_wait3A_197 = arith.constant 0 : i32
    %dma_wait3A_198 = tpu.memref_slice %arg7[%dma_wait3A_194, %dma_wait3A_196, %dma_wait3A_197] : memref<8x64x128xf32, #tpu.memory_space<vmem>> -> memref<1x64x128xf32, #tpu.memory_space<vmem>>
    %dma_wait3A_199 = tpu.memref_squeeze %dma_wait3A_198 : memref<1x64x128xf32, #tpu.memory_space<vmem>> -> memref<64x128xf32, #tpu.memory_space<vmem>>
    %dma_wait3A_200 = arith.constant 0 : i32
    %dma_wait3A_201 = tpu.memref_slice %arg5[%add3A_193, %dma_wait3A_200] : memref<819200x128xf32, #tpu.memory_space<hbm>> -> memref<64x128xf32, #tpu.memory_space<hbm>>
    %dma_wait3A_202 = tpu.memref_slice %arg11[%dma_wait3A_195] : memref<8x!tpu.dma_semaphore, #tpu.memory_space<semaphore_mem>> -> memref<1x!tpu.dma_semaphore, #tpu.memory_space<semaphore_mem>>
    %dma_wait3A_203 = tpu.memref_squeeze %dma_wait3A_202 : memref<1x!tpu.dma_semaphore, #tpu.memory_space<semaphore_mem>> -> memref<!tpu.dma_semaphore, #tpu.memory_space<semaphore_mem>>
    %dma_wait3A_204 = arith.constant 0 : i32
    %dma_wait3A_205 = tpu.memref_slice %arg5[%add3A_193, %dma_wait3A_204] : memref<819200x128xf32, #tpu.memory_space<hbm>> -> memref<64x128xf32, #tpu.memory_space<hbm>>
    %dma_wait3A_206 = arith.constant 0 : i32
    %dma_wait3A_207 = arith.constant 0 : i32
    %dma_wait3A_208 = tpu.memref_slice %arg7[%dma_wait3A_194, %dma_wait3A_206, %dma_wait3A_207] : memref<8x64x128xf32, #tpu.memory_space<vmem>> -> memref<1x64x128xf32, #tpu.memory_space<vmem>>
    %dma_wait3A_209 = tpu.memref_squeeze %dma_wait3A_208 : memref<1x64x128xf32, #tpu.memory_space<vmem>> -> memref<64x128xf32, #tpu.memory_space<vmem>>
    tpu.wait_dma2 semaphore(%dma_wait3A_203 : memref<!tpu.dma_semaphore, #tpu.memory_space<semaphore_mem>>) src(%dma_wait3A_209 : memref<64x128xf32, #tpu.memory_space<vmem>>) dst(%dma_wait3A_205 : memref<64x128xf32, #tpu.memory_space<hbm>>)
    %add3A_210 = arith.constant 25216 : i32
    %add3A_211 = arith.addi %mul3A_4, %add3A_210 : i32
    %dma_wait3A_212 = arith.constant 2 : i32
    %dma_wait3A_213 = arith.constant 2 : i32
    %dma_wait3A_214 = arith.constant 0 : i32
    %dma_wait3A_215 = arith.constant 0 : i32
    %dma_wait3A_216 = tpu.memref_slice %arg7[%dma_wait3A_212, %dma_wait3A_214, %dma_wait3A_215] : memref<8x64x128xf32, #tpu.memory_space<vmem>> -> memref<1x64x128xf32, #tpu.memory_space<vmem>>
    %dma_wait3A_217 = tpu.memref_squeeze %dma_wait3A_216 : memref<1x64x128xf32, #tpu.memory_space<vmem>> -> memref<64x128xf32, #tpu.memory_space<vmem>>
    %dma_wait3A_218 = arith.constant 0 : i32
    %dma_wait3A_219 = tpu.memref_slice %arg5[%add3A_211, %dma_wait3A_218] : memref<819200x128xf32, #tpu.memory_space<hbm>> -> memref<64x128xf32, #tpu.memory_space<hbm>>
    %dma_wait3A_220 = tpu.memref_slice %arg11[%dma_wait3A_213] : memref<8x!tpu.dma_semaphore, #tpu.memory_space<semaphore_mem>> -> memref<1x!tpu.dma_semaphore, #tpu.memory_space<semaphore_mem>>
    %dma_wait3A_221 = tpu.memref_squeeze %dma_wait3A_220 : memref<1x!tpu.dma_semaphore, #tpu.memory_space<semaphore_mem>> -> memref<!tpu.dma_semaphore, #tpu.memory_space<semaphore_mem>>
    %dma_wait3A_222 = arith.constant 0 : i32
    %dma_wait3A_223 = tpu.memref_slice %arg5[%add3A_211, %dma_wait3A_222] : memref<819200x128xf32, #tpu.memory_space<hbm>> -> memref<64x128xf32, #tpu.memory_space<hbm>>
    %dma_wait3A_224 = arith.constant 0 : i32
    %dma_wait3A_225 = arith.constant 0 : i32
    %dma_wait3A_226 = tpu.memref_slice %arg7[%dma_wait3A_212, %dma_wait3A_224, %dma_wait3A_225] : memref<8x64x128xf32, #tpu.memory_space<vmem>> -> memref<1x64x128xf32, #tpu.memory_space<vmem>>
    %dma_wait3A_227 = tpu.memref_squeeze %dma_wait3A_226 : memref<1x64x128xf32, #tpu.memory_space<vmem>> -> memref<64x128xf32, #tpu.memory_space<vmem>>
    tpu.wait_dma2 semaphore(%dma_wait3A_221 : memref<!tpu.dma_semaphore, #tpu.memory_space<semaphore_mem>>) src(%dma_wait3A_227 : memref<64x128xf32, #tpu.memory_space<vmem>>) dst(%dma_wait3A_223 : memref<64x128xf32, #tpu.memory_space<hbm>>)
    %add3A_228 = arith.constant 25280 : i32
    %add3A_229 = arith.addi %mul3A_4, %add3A_228 : i32
    %dma_wait3A_230 = arith.constant 3 : i32
    %dma_wait3A_231 = arith.constant 3 : i32
    %dma_wait3A_232 = arith.constant 0 : i32
    %dma_wait3A_233 = arith.constant 0 : i32
    %dma_wait3A_234 = tpu.memref_slice %arg7[%dma_wait3A_230, %dma_wait3A_232, %dma_wait3A_233] : memref<8x64x128xf32, #tpu.memory_space<vmem>> -> memref<1x64x128xf32, #tpu.memory_space<vmem>>
    %dma_wait3A_235 = tpu.memref_squeeze %dma_wait3A_234 : memref<1x64x128xf32, #tpu.memory_space<vmem>> -> memref<64x128xf32, #tpu.memory_space<vmem>>
    %dma_wait3A_236 = arith.constant 0 : i32
    %dma_wait3A_237 = tpu.memref_slice %arg5[%add3A_229, %dma_wait3A_236] : memref<819200x128xf32, #tpu.memory_space<hbm>> -> memref<64x128xf32, #tpu.memory_space<hbm>>
    %dma_wait3A_238 = tpu.memref_slice %arg11[%dma_wait3A_231] : memref<8x!tpu.dma_semaphore, #tpu.memory_space<semaphore_mem>> -> memref<1x!tpu.dma_semaphore, #tpu.memory_space<semaphore_mem>>
    %dma_wait3A_239 = tpu.memref_squeeze %dma_wait3A_238 : memref<1x!tpu.dma_semaphore, #tpu.memory_space<semaphore_mem>> -> memref<!tpu.dma_semaphore, #tpu.memory_space<semaphore_mem>>
    %dma_wait3A_240 = arith.constant 0 : i32
    %dma_wait3A_241 = tpu.memref_slice %arg5[%add3A_229, %dma_wait3A_240] : memref<819200x128xf32, #tpu.memory_space<hbm>> -> memref<64x128xf32, #tpu.memory_space<hbm>>
    %dma_wait3A_242 = arith.constant 0 : i32
    %dma_wait3A_243 = arith.constant 0 : i32
    %dma_wait3A_244 = tpu.memref_slice %arg7[%dma_wait3A_230, %dma_wait3A_242, %dma_wait3A_243] : memref<8x64x128xf32, #tpu.memory_space<vmem>> -> memref<1x64x128xf32, #tpu.memory_space<vmem>>
    %dma_wait3A_245 = tpu.memref_squeeze %dma_wait3A_244 : memref<1x64x128xf32, #tpu.memory_space<vmem>> -> memref<64x128xf32, #tpu.memory_space<vmem>>
    tpu.wait_dma2 semaphore(%dma_wait3A_239 : memref<!tpu.dma_semaphore, #tpu.memory_space<semaphore_mem>>) src(%dma_wait3A_245 : memref<64x128xf32, #tpu.memory_space<vmem>>) dst(%dma_wait3A_241 : memref<64x128xf32, #tpu.memory_space<hbm>>)
    %add3A_246 = arith.constant 25344 : i32
    %add3A_247 = arith.addi %mul3A_4, %add3A_246 : i32
    %dma_wait3A_248 = arith.constant 4 : i32
    %dma_wait3A_249 = arith.constant 4 : i32
    %dma_wait3A_250 = arith.constant 0 : i32
    %dma_wait3A_251 = arith.constant 0 : i32
    %dma_wait3A_252 = tpu.memref_slice %arg7[%dma_wait3A_248, %dma_wait3A_250, %dma_wait3A_251] : memref<8x64x128xf32, #tpu.memory_space<vmem>> -> memref<1x64x128xf32, #tpu.memory_space<vmem>>
    %dma_wait3A_253 = tpu.memref_squeeze %dma_wait3A_252 : memref<1x64x128xf32, #tpu.memory_space<vmem>> -> memref<64x128xf32, #tpu.memory_space<vmem>>
    %dma_wait3A_254 = arith.constant 0 : i32
    %dma_wait3A_255 = tpu.memref_slice %arg5[%add3A_247, %dma_wait3A_254] : memref<819200x128xf32, #tpu.memory_space<hbm>> -> memref<64x128xf32, #tpu.memory_space<hbm>>
    %dma_wait3A_256 = tpu.memref_slice %arg11[%dma_wait3A_249] : memref<8x!tpu.dma_semaphore, #tpu.memory_space<semaphore_mem>> -> memref<1x!tpu.dma_semaphore, #tpu.memory_space<semaphore_mem>>
    %dma_wait3A_257 = tpu.memref_squeeze %dma_wait3A_256 : memref<1x!tpu.dma_semaphore, #tpu.memory_space<semaphore_mem>> -> memref<!tpu.dma_semaphore, #tpu.memory_space<semaphore_mem>>
    %dma_wait3A_258 = arith.constant 0 : i32
    %dma_wait3A_259 = tpu.memref_slice %arg5[%add3A_247, %dma_wait3A_258] : memref<819200x128xf32, #tpu.memory_space<hbm>> -> memref<64x128xf32, #tpu.memory_space<hbm>>
    %dma_wait3A_260 = arith.constant 0 : i32
    %dma_wait3A_261 = arith.constant 0 : i32
    %dma_wait3A_262 = tpu.memref_slice %arg7[%dma_wait3A_248, %dma_wait3A_260, %dma_wait3A_261] : memref<8x64x128xf32, #tpu.memory_space<vmem>> -> memref<1x64x128xf32, #tpu.memory_space<vmem>>
    %dma_wait3A_263 = tpu.memref_squeeze %dma_wait3A_262 : memref<1x64x128xf32, #tpu.memory_space<vmem>> -> memref<64x128xf32, #tpu.memory_space<vmem>>
    tpu.wait_dma2 semaphore(%dma_wait3A_257 : memref<!tpu.dma_semaphore, #tpu.memory_space<semaphore_mem>>) src(%dma_wait3A_263 : memref<64x128xf32, #tpu.memory_space<vmem>>) dst(%dma_wait3A_259 : memref<64x128xf32, #tpu.memory_space<hbm>>)
    %add3A_264 = arith.constant 25408 : i32
    %add3A_265 = arith.addi %mul3A_4, %add3A_264 : i32
    %dma_wait3A_266 = arith.constant 5 : i32
    %dma_wait3A_267 = arith.constant 5 : i32
    %dma_wait3A_268 = arith.constant 0 : i32
    %dma_wait3A_269 = arith.constant 0 : i32
    %dma_wait3A_270 = tpu.memref_slice %arg7[%dma_wait3A_266, %dma_wait3A_268, %dma_wait3A_269] : memref<8x64x128xf32, #tpu.memory_space<vmem>> -> memref<1x64x128xf32, #tpu.memory_space<vmem>>
    %dma_wait3A_271 = tpu.memref_squeeze %dma_wait3A_270 : memref<1x64x128xf32, #tpu.memory_space<vmem>> -> memref<64x128xf32, #tpu.memory_space<vmem>>
    %dma_wait3A_272 = arith.constant 0 : i32
    %dma_wait3A_273 = tpu.memref_slice %arg5[%add3A_265, %dma_wait3A_272] : memref<819200x128xf32, #tpu.memory_space<hbm>> -> memref<64x128xf32, #tpu.memory_space<hbm>>
    %dma_wait3A_274 = tpu.memref_slice %arg11[%dma_wait3A_267] : memref<8x!tpu.dma_semaphore, #tpu.memory_space<semaphore_mem>> -> memref<1x!tpu.dma_semaphore, #tpu.memory_space<semaphore_mem>>
    %dma_wait3A_275 = tpu.memref_squeeze %dma_wait3A_274 : memref<1x!tpu.dma_semaphore, #tpu.memory_space<semaphore_mem>> -> memref<!tpu.dma_semaphore, #tpu.memory_space<semaphore_mem>>
    %dma_wait3A_276 = arith.constant 0 : i32
    %dma_wait3A_277 = tpu.memref_slice %arg5[%add3A_265, %dma_wait3A_276] : memref<819200x128xf32, #tpu.memory_space<hbm>> -> memref<64x128xf32, #tpu.memory_space<hbm>>
    %dma_wait3A_278 = arith.constant 0 : i32
    %dma_wait3A_279 = arith.constant 0 : i32
    %dma_wait3A_280 = tpu.memref_slice %arg7[%dma_wait3A_266, %dma_wait3A_278, %dma_wait3A_279] : memref<8x64x128xf32, #tpu.memory_space<vmem>> -> memref<1x64x128xf32, #tpu.memory_space<vmem>>
    %dma_wait3A_281 = tpu.memref_squeeze %dma_wait3A_280 : memref<1x64x128xf32, #tpu.memory_space<vmem>> -> memref<64x128xf32, #tpu.memory_space<vmem>>
    tpu.wait_dma2 semaphore(%dma_wait3A_275 : memref<!tpu.dma_semaphore, #tpu.memory_space<semaphore_mem>>) src(%dma_wait3A_281 : memref<64x128xf32, #tpu.memory_space<vmem>>) dst(%dma_wait3A_277 : memref<64x128xf32, #tpu.memory_space<hbm>>)
    %add3A_282 = arith.constant 25472 : i32
    %add3A_283 = arith.addi %mul3A_4, %add3A_282 : i32
    %dma_wait3A_284 = arith.constant 6 : i32
    %dma_wait3A_285 = arith.constant 6 : i32
    %dma_wait3A_286 = arith.constant 0 : i32
    %dma_wait3A_287 = arith.constant 0 : i32
    %dma_wait3A_288 = tpu.memref_slice %arg7[%dma_wait3A_284, %dma_wait3A_286, %dma_wait3A_287] : memref<8x64x128xf32, #tpu.memory_space<vmem>> -> memref<1x64x128xf32, #tpu.memory_space<vmem>>
    %dma_wait3A_289 = tpu.memref_squeeze %dma_wait3A_288 : memref<1x64x128xf32, #tpu.memory_space<vmem>> -> memref<64x128xf32, #tpu.memory_space<vmem>>
    %dma_wait3A_290 = arith.constant 0 : i32
    %dma_wait3A_291 = tpu.memref_slice %arg5[%add3A_283, %dma_wait3A_290] : memref<819200x128xf32, #tpu.memory_space<hbm>> -> memref<64x128xf32, #tpu.memory_space<hbm>>
    %dma_wait3A_292 = tpu.memref_slice %arg11[%dma_wait3A_285] : memref<8x!tpu.dma_semaphore, #tpu.memory_space<semaphore_mem>> -> memref<1x!tpu.dma_semaphore, #tpu.memory_space<semaphore_mem>>
    %dma_wait3A_293 = tpu.memref_squeeze %dma_wait3A_292 : memref<1x!tpu.dma_semaphore, #tpu.memory_space<semaphore_mem>> -> memref<!tpu.dma_semaphore, #tpu.memory_space<semaphore_mem>>
    %dma_wait3A_294 = arith.constant 0 : i32
    %dma_wait3A_295 = tpu.memref_slice %arg5[%add3A_283, %dma_wait3A_294] : memref<819200x128xf32, #tpu.memory_space<hbm>> -> memref<64x128xf32, #tpu.memory_space<hbm>>
    %dma_wait3A_296 = arith.constant 0 : i32
    %dma_wait3A_297 = arith.constant 0 : i32
    %dma_wait3A_298 = tpu.memref_slice %arg7[%dma_wait3A_284, %dma_wait3A_296, %dma_wait3A_297] : memref<8x64x128xf32, #tpu.memory_space<vmem>> -> memref<1x64x128xf32, #tpu.memory_space<vmem>>
    %dma_wait3A_299 = tpu.memref_squeeze %dma_wait3A_298 : memref<1x64x128xf32, #tpu.memory_space<vmem>> -> memref<64x128xf32, #tpu.memory_space<vmem>>
    tpu.wait_dma2 semaphore(%dma_wait3A_293 : memref<!tpu.dma_semaphore, #tpu.memory_space<semaphore_mem>>) src(%dma_wait3A_299 : memref<64x128xf32, #tpu.memory_space<vmem>>) dst(%dma_wait3A_295 : memref<64x128xf32, #tpu.memory_space<hbm>>)
    %add3A_300 = arith.constant 25536 : i32
    %add3A_301 = arith.addi %mul3A_4, %add3A_300 : i32
    %dma_wait3A_302 = arith.constant 7 : i32
    %dma_wait3A_303 = arith.constant 7 : i32
    %dma_wait3A_304 = arith.constant 0 : i32
    %dma_wait3A_305 = arith.constant 0 : i32
    %dma_wait3A_306 = tpu.memref_slice %arg7[%dma_wait3A_302, %dma_wait3A_304, %dma_wait3A_305] : memref<8x64x128xf32, #tpu.memory_space<vmem>> -> memref<1x64x128xf32, #tpu.memory_space<vmem>>
    %dma_wait3A_307 = tpu.memref_squeeze %dma_wait3A_306 : memref<1x64x128xf32, #tpu.memory_space<vmem>> -> memref<64x128xf32, #tpu.memory_space<vmem>>
    %dma_wait3A_308 = arith.constant 0 : i32
    %dma_wait3A_309 = tpu.memref_slice %arg5[%add3A_301, %dma_wait3A_308] : memref<819200x128xf32, #tpu.memory_space<hbm>> -> memref<64x128xf32, #tpu.memory_space<hbm>>
    %dma_wait3A_310 = tpu.memref_slice %arg11[%dma_wait3A_303] : memref<8x!tpu.dma_semaphore, #tpu.memory_space<semaphore_mem>> -> memref<1x!tpu.dma_semaphore, #tpu.memory_space<semaphore_mem>>
    %dma_wait3A_311 = tpu.memref_squeeze %dma_wait3A_310 : memref<1x!tpu.dma_semaphore, #tpu.memory_space<semaphore_mem>> -> memref<!tpu.dma_semaphore, #tpu.memory_space<semaphore_mem>>
    %dma_wait3A_312 = arith.constant 0 : i32
    %dma_wait3A_313 = tpu.memref_slice %arg5[%add3A_301, %dma_wait3A_312] : memref<819200x128xf32, #tpu.memory_space<hbm>> -> memref<64x128xf32, #tpu.memory_space<hbm>>
    %dma_wait3A_314 = arith.constant 0 : i32
    %dma_wait3A_315 = arith.constant 0 : i32
    %dma_wait3A_316 = tpu.memref_slice %arg7[%dma_wait3A_302, %dma_wait3A_314, %dma_wait3A_315] : memref<8x64x128xf32, #tpu.memory_space<vmem>> -> memref<1x64x128xf32, #tpu.memory_space<vmem>>
    %dma_wait3A_317 = tpu.memref_squeeze %dma_wait3A_316 : memref<1x64x128xf32, #tpu.memory_space<vmem>> -> memref<64x128xf32, #tpu.memory_space<vmem>>
    tpu.wait_dma2 semaphore(%dma_wait3A_311 : memref<!tpu.dma_semaphore, #tpu.memory_space<semaphore_mem>>) src(%dma_wait3A_317 : memref<64x128xf32, #tpu.memory_space<vmem>>) dst(%dma_wait3A_313 : memref<64x128xf32, #tpu.memory_space<hbm>>)
    return
  }
}

</mosaic_0001>

<sc_bundles>
// kernel: kernel.3.cloned.1.call-start
scs
__scs_entry_jumppad:
0x0: {  	(pc) =	sbr.rel $0x88, $3  }
0x1: {  	(tag) =	ssettag $0x0;
	lr =	simm.s32 $0x1  }
0x2: {  	[smem:$0x3F9E] =	sst lr;
	_ =	strace $0xD0000000  }
0x3: {  	_ = 	snop  }
0x4: {  	_ = 	snop  }
0x5: {  	_ = 	snop  }
0x6: {  	_ = 	snop  }
0x7: {  	_ = 	snop  }
__scs_overlays_trampoline_lowered:
0x8: {  	[smem:$0x3FAD] =	sst s0  }
0x9: {  	[smem:$0x3FAE] =	sst s1  }
0xa: {  	[smem:$0x3FAF] =	sst s2  }
0xb: {  	[smem:$0x3FB0] =	sst s3  }
0xc: {  	[smem:$0x3FB1] =	sst s4  }
0xd: {  	[smem:$0x3FB2] =	sst s5  }
0xe: {  	[smem:$0x3FB3] =	sst s6  }
0xf: {  	[smem:$0x3FB4] =	sst s7  }
0x10: {  	[smem:$0x3FB5] =	sst s8  }
0x11: {  	[smem:$0x3FB6] =	sst s9;
	s0 =	simm.s32 @!p0 $0x0  }
0x12: {  	s1 =	sld [smem:$0x3F9C];
	s0 =	simm.s32 @p0 $0x1  }
0x13: {  	[smem:$0x3FB7] =	sst s0;
	s0 =	simm.s32 @!p1 $0x0  }
0x14: {  	s2 =	sld [smem:$0x3F9B];
	s0 =	simm.s32 @p1 $0x1  }
0x15: {  	[smem:$0x3FB8] =	sst s0;
	s0 =	simm.s32 @!p2 $0x0  }
0x16: {  	s3 =	sld [smem:$0x3FDB];
	s0 =	simm.s32 @p2 $0x1  }
0x17: {  	s4 =	simm.s32 $0x1BF5;
	[smem:$0x3FBA] =	sst s0  }
0x18: {  	s0 =	sld [smem:$0x3F9D];
	_ =	swait.ge [sflag:s4], $0x0  }
0x19: {  	s7 =	sld [smem:$0x3F9E]  }
0x1a: {  	s8 =	sadd.s32 $0xFFFFE003, lr  }
0x1b: {  	s9 =	sadd.s32 $0xFFFFFEF7, lr;
	s5 =	simm.s32 $0xFFFFFFFF;
	p2 =	slt.u32 s8, $0xFFFFF086  }
0x1c: {  	p1 =	slt.u32 s9, $0xF7A;
	s5 =	simm.s32 @!p2 $0x0  }
0x1d: {  	s5 =	simm.s32 @p1 $0x1;
	p0 =	seq.s32 s7, s2  }
0x1e: {  	s7 =	smul.u32 @!p0 $0xF7A, s2;
	p2 =	seq.s32 @!p0 s5, $0x0  }
0x1f: {  	s9 =	smul.u32 $0xF7A, s1;
	s8 =	simm.s32 @!p0 $0x1BF5;
	p2 =	por !p2, p0  }
0x20: {  	[sflag:s8] =	ssyncset.s32 @!p0 $0xFFFFF086;
	s6 =	sadd.s32 @!p0 s3, s7;
	s7 =	simm.s32 @!p0 $0x108  }
0x21: {  	s3 =	sadd.s32 s3, s9;
	s6 =	sadd.s32 @!p0 $0x88, s6;
	s7 =	simm.s32 @p2 $0x1082  }
0x22: {  	[simem:s7], [sflag:s8] =	dma.local @!p0 [hbm:s6], $0xF7A  }
0x23: {  	s9 =	sor.u32 $0xD0000000, s2;
	s6 =	simm.s32 $0x108;
	_ =	swait.ge @!p0 [sflag:s8], $0x0  }
0x24: {  	s3 =	sadd.s32 $0x88, s3;
	s6 =	simm.s32 @!p1 $0x1082;
	[sflag:s4] =	ssyncset.s32 $0xFFFFF086  }
0x25: {  	[simem:s6], [sflag:s4] =	dma.local [hbm:s3], $0xF7A  }
0x26: {  	[smem:$0x3F9E] =	sst s1;
	(tag) =	ssettag s2;
	_ =	strace s9  }
0x27: {  	s1 =	sld [smem:$0x3FAE]  }
0x28: {  	s2 =	sld [smem:$0x3FAF]  }
0x29: {  	s4 =	sld [smem:$0x3FB1]  }
0x2a: {  	p0 =	seq.s32 s5, $0x0;
	s5 =	sld [smem:$0x3FB2]  }
0x2b: {  	s6 =	sld [smem:$0x3FB3]  }
0x2c: {  	s7 =	sld [smem:$0x3FB4]  }
0x2d: {  	s3 =	simm.s32 $0x108;
	s8 =	sld [smem:$0x3FB5]  }
0x2e: {  	s3 =	simm.s32 @!p0 $0x1082;
	s9 =	sld [smem:$0x3FB6]  }
0x2f: {  	lr =	sadd.s32 s0, s3;
	s0 =	sld [smem:$0x3FAD]  }
0x30: {  	s3 =	sld [smem:$0x3FB0]  }
0x31: {  	[smem:$0x3FB9] =	sst s10  }
0x32: {  	s10 =	sld [smem:$0x3FB7];
	_ =	sdelay $0x3  }
0x33: {  	p0 =	seq.s32 s10, $0x1;
	s10 =	sld [smem:$0x3FB9];
	_ =	sdelay $0x3  }
0x34: {  	[smem:$0x3FB9] =	sst s10  }
0x35: {  	s10 =	sld [smem:$0x3FB8];
	_ =	sdelay $0x3  }
0x36: {  	p1 =	seq.s32 s10, $0x1;
	s10 =	sld [smem:$0x3FB9];
	_ =	sdelay $0x3  }
0x37: {  	[smem:$0x3FB9] =	sst s10  }
0x38: {  	s10 =	sld [smem:$0x3FBA]  }
0x39: {  	_ = 	snop;
	(pc) =	sbr.ind lr, $3  }
0x3a: {  	_ = 	snop  }
0x3b: {  	_ = 	snop  }
0x3c: {  	p2 =	seq.s32 s10, $0x1;
	s10 =	sld [smem:$0x3FB9]  }
0x3d: {  	_ =	shalt  }
0x3e: {  	_ =	shalt  }
0x3f: {  	_ =	shalt  }
0x40: {  	_ =	shalt  }
0x41: {  	_ =	shalt  }
0x42: {  	_ =	shalt  }
0x43: {  	_ =	shalt  }
0x44: {  	_ =	shalt  }
0x45: {  	_ =	shalt  }
0x46: {  	_ =	shalt  }
0x47: {  	_ =	shalt  }
0x48: {  	_ =	shalt  }
0x49: {  	_ =	shalt  }
0x4a: {  	_ =	shalt  }
0x4b: {  	_ =	shalt  }
0x4c: {  	_ =	shalt  }
0x4d: {  	_ =	shalt  }
0x4e: {  	_ =	shalt  }
0x4f: {  	_ =	shalt  }
0x50: {  	_ =	shalt  }
0x51: {  	_ =	shalt  }
0x52: {  	_ =	shalt  }
0x53: {  	_ =	shalt  }
0x54: {  	_ =	shalt  }
0x55: {  	_ =	shalt  }
0x56: {  	_ =	shalt  }
0x57: {  	_ =	shalt  }
0x58: {  	_ =	shalt  }
0x59: {  	_ =	shalt  }
0x5a: {  	_ =	shalt  }
0x5b: {  	_ =	shalt  }
0x5c: {  	_ =	shalt  }
0x5d: {  	_ =	shalt  }
0x5e: {  	_ =	shalt  }
0x5f: {  	_ =	shalt  }
0x60: {  	_ =	shalt  }
0x61: {  	_ =	shalt  }
0x62: {  	_ =	shalt  }
0x63: {  	_ =	shalt  }
0x64: {  	_ =	shalt  }
0x65: {  	_ =	shalt  }
0x66: {  	_ =	shalt  }
0x67: {  	_ =	shalt  }
0x68: {  	_ =	shalt  }
0x69: {  	_ =	shalt  }
0x6a: {  	_ =	shalt  }
0x6b: {  	_ =	shalt  }
0x6c: {  	_ =	shalt  }
0x6d: {  	_ =	shalt  }
0x6e: {  	_ =	shalt  }
0x6f: {  	_ =	shalt  }
0x70: {  	_ =	shalt  }
0x71: {  	_ =	shalt  }
0x72: {  	_ =	shalt  }
0x73: {  	_ =	shalt  }
0x74: {  	_ =	shalt  }
0x75: {  	_ =	shalt  }
0x76: {  	_ =	shalt  }
0x77: {  	_ =	shalt  }
0x78: {  	_ =	shalt  }
0x79: {  	_ =	shalt  }
0x7a: {  	_ =	shalt  }
0x7b: {  	_ =	shalt  }
0x7c: {  	_ =	shalt  }
0x7d: {  	_ =	shalt  }
0x7e: {  	_ =	shalt  }
0x7f: {  	_ =	shalt  }
0x80: {  	_ =	shalt  }
0x81: {  	_ =	shalt  }
0x82: {  	_ =	shalt  }
0x83: {  	_ =	shalt  }
0x84: {  	_ =	shalt  }
0x85: {  	_ =	shalt  }
0x86: {  	_ =	shalt  }
0x87: {  	_ =	shalt  }
.Lfunc_end0:
.L_simem_size_0:
called_computation.1_lowered:
.L_overlay_start_0:
0x88: {  	s2 =	sld [smem:$0x3FD9]  }
0x89: {  	s3 =	sld [smem:$0x3FFE];
	_ =	sdelay $0x1  }
0x8a: {  	s1 =	srdreg.scid  }
0x8b: {  	s0 =	sand.u32 $0x1, s1  }
0x8c: {  	s16 =	sshll.u32 s0, $0xA;
	s2 =	sadd.s32 s3, s2  }
0x8d: {  	s2 =	sadd.s32 s2, s16  }
0x8e: {  	[smem:$0x3FC5] =	sst s2  }
0x8f: {  	_ = 	snop  }
0x90: {  	(tm) =	ssettm $0x1  }
0x91: {  	s17 =	sld [smem:$0x3FFB];
	_ =	sdelay $0x3  }
0x92: {  	_ =	strace s17  }
0x93: {  	s2 =	sld [smem:$0x3FFC];
	_ =	sdelay $0x3  }
0x94: {  	_ =	strace s2  }
0x95: {  	s2 =	sld [smem:$0x3FFD];
	_ =	sdelay $0x3  }
0x96: {  	_ =	strace s2  }
0x97: {  	_ =	strace $0x8FFFFFFF  }
0x98: {  	s18 =	sld [smem:$0x3FDB];
	_ =	sdelay $0x1  }
0x99: {  	s19 =	simm.s32 $_scs_section_size  }
0x9a: {  	s4 =	simm.s32 $_size__tile_overlayer_lowered;
	s5 =	simm.s32 $_tile_overlayer_lowered  }
0x9b: {  	s22 =	simm.s32 $0x1BFF;
	s21 =	sshll.u32 s5, $0x1;
	s2 =	sadd.s32 s19, s18  }
0x9c: {  	s6 =	simm.s32 $0x0;
	s20 =	sshll.u32 s4, $0x1;
	s4 =	sadd.s32 s21, s2  }
0x9d: {  	[timem:s6], [sflag:s22] =	dma.local [hbm:s4], s20  }
0x9e: {  	_ =	swait.ge [sflag:s22], s20  }
0x9f: {  	s3 =	ssub.s32 $0x0, s20;
	[sflag:s22] =	ssyncset.done $0x0  }
0xa0: {  	[sflag:s22] =	ssyncadd.s32 s3;
	_ =	sdelay $0x1  }
0xa1: {  	s23 =	simm.s32 $0x1B8B  }
0xa2: {  	_ =	swait.ge [sflag:s23], $0x1  }
0xa3: {  	[sflag:s23] =	ssyncset.done $0x0  }
0xa4: {  	s25 =	simm.s32 $0x1B8E;
	s24 =	sld [smem:$0x3FFE];
	[sflag:s23] =	ssyncadd.s32 $0xFFFFFFFF  }
0xa5: {  	s26 =	simm.s32 $execute0_lowered;
	[smem:$0x3FD2] =	sst s25  }
0xa6: {  	s4 =	sshll.u32 s26, $0x1;
	_ =	strace $0x80000046;
	[dreg:$0x1] =	wrdreg $0xFFFFFFFF  }
0xa7: {  	s28 =	simm.s32 $_size_execute0_lowered;
	s2 =	sadd.s32 s2, s4;
	[dreg:$0x0] =	wrdreg $0x0  }
0xa8: {  	s4 =	sshll.u32 s28, $0x1;
	[dreg:$0x2] =	wrdreg s2  }
0xa9: {  	[dreg:$0x3] =	wrdreg s4  }
0xaa: {  	[dreg:$0x4] =	wrdreg $0xC0  }
0xab: {  	_ =	task [dreg:s6], $0x5FFFF  }
0xac: {  	[dreg:$0x1] =	wrdreg $0xFFFFFFFF  }
0xad: {  	[dreg:$0x0] =	wrdreg $0x60  }
0xae: {  	[dreg:$0x2] =	wrdreg s24  }
0xaf: {  	[dreg:$0x3] =	wrdreg $0x1C8000  }
0xb0: {  	[dreg:$0x4] =	wrdreg $0x9  }
0xb1: {  	_ =	task.clear_ibuf [dreg:s6], $0x5FFFF;
	_ =	strace $0x90000046  }
0xb2: {  	s29 =	simm.s32 $0x9;
	_ =	strace $0x80000048  }
0xb3: {  	_ =	swait.ge [sflag:s29], $0x1  }
0xb4: {  	[sflag:s29] =	ssyncadd.s32 $0xFFFFFFFF  }
0xb5: {  	_ =	strace $0x90000048  }
0xb6: {  	_ =	sfence  }
0xb7: {  	s30 =	sld [smem:$0x0];
	_ =	sdelay $0x2  }
0xb8: {  	s31 =	sshll.u32 s1, $0xD;
	s1 =	sshrl.u32 s1, $0x2  }
0xb9: {  	s3 =	sand.u32 $0x4000, s31;
	s1 =	sadd.s32 s1, s30  }
0xba: {  	s0 =	sor.u32 s3, s0;
	s1 =	sshll.u32 s1, $0x11  }
0xbb: {  	s0 =	sor.u32 s1, s0  }
0xbc: {  	s0 =	sadd.s32 $0x8F2B, s0  }
0xbd: {  	[sflag:s0] =	ssyncadd.remote.s32 $0x1  }
0xbe: {  	_ =	sfence.sel $0xFFFF  }
0xbf: {  	[dreg:$0x0] =	wrdreg $0xFFFFFFFF;
	(pc) =	sbr.abs _section_cstart, $3  }
0xc0: {  	[dreg:$0x1] =	wrdreg $0xFFFFFFFF  }
0xc1: {  	_ =	task.clear_ibuf [dreg:s6], $0x2FFFF;
	_ =	strace $0x9FFFFFFF  }
0xc2: {  	(tm) =	ssettm $0x7FFFFFFF  }
0xc3: {  	_ =	shalt  }
tec
execute0_lowered:
.L_overlay_start_1:
0x0: {  	(tag) =	ssettag $0x1  }
0x1: {  	s0 =	srdreg.scid;
	s5 =	rddreg [dreg:$0x0]  }
0x2: {  	s4 =	stileid.u32;
	s1 =	rddreg [dreg:$0x1];
	s30 =	simm.s32 $0x6  }
0x3: {  	s0 =	sand.u32 $0x1, s0;
	s2 =	sshll.u32 s4, $0x1;
	s7 =	smul.u32 $0xC8000, s4  }
0x4: {  	s10 =	sadd.s32 $0x32800, s5;
	s11 =	smul.u32 $0x640000, s4;
	s12 =	sadd.s32 $0x2000, s1  }
0x5: {  	s14 =	sadd.s32 $0x4000, s1;
	s3 =	sor.u32 s0, s2;
	s2 =	simm.s32 $0x0  }
0x6: {  	s15 =	sadd.s32 $0x6000, s1;
	p0 =	sne.s32 s4, $0x0;
	[smem:$0x7FF] =	sst s2  }
0x7: {  	s9 =	smul.u32 $0x64000, s0;
	_ =	strace $0x80000047;
	[dreg:$0xb] =	wrdreg s10  }
0x8: {  	s8 =	ssub.s32 $0x2, s0;
	s0 =	smul.u32 $0x320000, s0;
	[dreg:$0xd] =	wrdreg s12  }
0x9: {  	s3 =	smul.u32 $0x1900, s3;
	s31 =	sshrl.u32 s8, $0x1;
	[dreg:$0xe] =	wrdreg s14  }
0xa: {  	s8 =	ssub.s32 s8, s31;
	s0 =	sadd.s32 s0, s11;
	[dreg:$0xf] =	wrdreg s15  }
0xb: {  	s6 =	sadd.s32 s3, s5;
	s3 =	sadd.s32 $0x38C00, s5;
	s5 =	sadd.s32 $0x1BF600, s5  }
0xc: {  	s16 =	sshrl.u32 s0, $0x3;
	s18 =	sor.u32 $0xE000, s0;
	s20 =	sor.u32 $0xC000, s0  }
0xd: {  	s21 =	sor.u32 $0x6000, s0;
	s25 =	sor.u32 $0xA000, s0;
	s28 =	sor.u32 $0x4000, s0  }
0xe: {  	s0 =	sor.u32 $0x8000, s0;
	s31 =	smax.u32 s8, $0x1;
	s8 =	simm.s32 $0x1A800  }
0xf: {  	s6 =	sadd.s32 $0x800, s6;
	s13 =	sadd.s32 s7, s5;
	[dreg:$0x10] =	wrdreg s31  }
0x10: {  	s17 =	sadd.s32 s16, s5;
	s7 =	sshrl.u32 s20, $0x3;
	[dreg:$0xc] =	wrdreg s6  }
0x11: {  	s23 =	sshrl.u32 s21, $0x3;
	[dreg:$0x4] =	wrdreg s17;
	s22 =	sadd.s32 s7, s5  }
0x12: {  	s0 =	sshrl.u32 s0, $0x3;
	s24 =	sadd.s32 s23, s5;
	[dreg:$0x6] =	wrdreg s22  }
0x13: {  	s6 =	sadd.s32 s9, s13;
	s0 =	sadd.s32 s0, s5;
	[dreg:$0x7] =	wrdreg s24  }
0x14: {  	s7 =	sshrl.u32 s28, $0x3;
	s6 =	sadd.s32 $0x400, s6;
	[dreg:$0xa] =	wrdreg s0  }
0x15: {  	s19 =	sshrl.u32 s18, $0x3;
	s29 =	sadd.s32 s7, s5;
	[dreg:$0x3] =	wrdreg s6  }
0x16: {  	s26 =	sshrl.u32 s25, $0x3;
	s0 =	sshrl.u32 @!p0 s1, $0x3;
	[dreg:$0x9] =	wrdreg s29  }
0x17: {  	s17 =	simm.s32 $0x40;
	s6 =	sadd.s32 s19, s5;
	[dreg:$0x11] =	wrdreg s0  }
0x18: {  	s7 =	simm.s32 $0x18800;
	[dreg:$0x5] =	wrdreg s6;
	s6 =	sadd.s32 s26, s5  }
0x19: {  	s5 =	simm.s32 $0x0;
	[dreg:$0x8] =	wrdreg s6;
	s6 =	simm.s32 $0x16800  }
.LBB2_1:
0x1a: {  	[dreg:$0x12] =	wrdreg s5  }
0x1b: {  	s0 =	rddreg [dreg:$0xb]  }
0x1c: {  	s9 =	simm.s32 @!p0 $0x1C19;
	s10 =	rddreg [dreg:$0x11];
	s22 =	simm.s32 $0x19  }
0x1d: {  	s19 =	simm.s32 $0xC800;
	s4 =	simm.s32 $0x12800;
	s26 =	simm.s32 $0x1  }
0x1e: {  	s28 =	simm.s32 $0x2;
	p1 =	por $0x0, $0x0;
	s29 =	simm.s32 $0x80  }
0x1f: {  	s12 =	simm.s32 $0x4;
	s18 =	simm.s32 $0x2000;
	s31 =	simm.s32 $0x5  }
0x20: {  	[spmem:s10], [sflag:s9] =	dma.local @!p0 [hbm:s0], $0x6400  }
0x21: {  	p3 =	por $0x1, $0x1;
	s20 =	simm.s32 $0x6;
	s9 =	simm.s32 @!p0 $0x19  }
0x22: {  	s10 =	simm.s32 @!p1 $0xA;
	s12 =	smul.u32 $0x47AF, s12;
	s15 =	simm.s32 @!p1 $0xB  }
0x23: {  	s0 =	smul.u32 $0x47AF, s31;
	s31 =	simm.s32 $0x180;
	_ =	swait.ge @!p0 [sflag:s9], $0x6400  }
0x24: {  	p2 =	por p1, p1;
	s10 =	sand.u32 @!p1 $0xFFFF, s10;
	[sflag:s9] =	ssyncset.done @!p0 $0x0  }
0x25: {  	s21 =	rddreg [dreg:$0xc];
	s10 =	smul.u32 @!p1 $0x47AF, s10;
	s12 =	sshrl.u32 s12, $0x10  }
0x26: {  	[sflag:s9] =	ssyncadd.s32 @!p0 $0xFFFF9C00;
	s9 =	simm.s32 $0x9;
	s14 =	ssub.s32 $0x4, s12  }
0x27: {  	[tilespmem:s2], [sflag:$0x19] =	stream.linear.gather [hbm4b:s21+s2], $0xC800, $0x38;
	[tilespmem:$0x1FA00] =	vst v63  }
0x28: {  	s9 =	smul.u32 @!p1 $0x47AF, s9;
	s10 =	sshrl.u32 @!p1 s10, $0x10;
	s14 =	sand.u32 $0xFFFE, s14  }
0x29: {  	s21 =	simm.s32 $0x100;
	_ =	swait.ge [sflag:s22], $0xC800;
	s13 =	ssub.s32 @!p1 $0xA, s10  }
0x2a: {  	s14 =	sshrl.u32 s14, $0x1;
	[sflag:s22] =	ssyncset.done $0x0;
	s9 =	sshrl.u32 @!p1 s9, $0x10  }
0x2b: {  	s13 =	sand.u32 @!p1 $0xFFFE, s13;
	s12 =	sadd.s32 s12, s14;
	s14 =	simm.s32 @!p3 $0x15  }
0x2c: {  	[sflag:s22] =	ssyncadd.s32 $0xFFFF3800;
	s22 =	simm.s32 $0xE800;
	s11 =	ssub.s32 @!p1 $0x9, s9  }
0x2d: {  	s13 =	sshrl.u32 @!p1 s13, $0x1;
	s12 =	sand.u32 $0xFFF0, s12;
	[bflag:$0x0] =	sbarrier.arrive $0xFFFF  }
0x2e: {  	[tilespmem:s19], [sflag:$0x1] =	stream.linear.gather [spmem:s1], $0x2000, $0x38;
	[tilespmem:$0x1FA00] =	vst v63  }
0x2f: {  	s11 =	sand.u32 @!p1 $0xFFFE, s11;
	s10 =	sadd.s32 @!p1 s10, s13;
	s23 =	rddreg [dreg:$0xd]  }
0x30: {  	s13 =	sand.u32 @!p1 $0xFFFF, s15;
	s12 =	sshrl.u32 s12, $0x4;
	s24 =	rddreg [dreg:$0xe]  }
0x31: {  	s25 =	rddreg [dreg:$0xf];
	s11 =	sshrl.u32 @!p1 s11, $0x1;
	s13 =	smul.u32 @!p1 $0x47AF, s13  }
0x32: {  	s10 =	sshrl.u32 @!p1 s10, $0x4;
	s12 =	smul.u32 $0x19, s12;
	s9 =	sadd.s32 @!p1 s9, s11  }
0x33: {  	[tilespmem:s22], [sflag:$0x2] =	stream.linear.gather [spmem:s23], $0x2000, $0x38;
	[tilespmem:$0x1FA00] =	vst v63  }
0x34: {  	s11 =	simm.s32 $0x280;
	s10 =	smul.u32 @!p1 $0x19, s10;
	s9 =	sand.u32 @!p1 $0xFFF0, s9  }
0x35: {  	s23 =	simm.s32 $0x10800;
	s12 =	ssub.s32 $0x4, s12;
	s9 =	sshrl.u32 @!p1 s9, $0x4  }
0x36: {  	[tilespmem:s23], [sflag:$0x3] =	stream.linear.gather [spmem:s24], $0x2000, $0x38;
	[tilespmem:$0x1FA00] =	vst v63  }
0x37: {  	s13 =	sshrl.u32 @!p1 s13, $0x10;
	s12 =	sand.u32 $0xFFFF, s12;
	s9 =	smul.u32 @!p1 $0x19, s9  }
0x38: {  	[tilespmem:s4], [sflag:$0x4] =	stream.linear.gather [spmem:s25], $0x2000, $0x38;
	[tilespmem:$0x1FA00] =	vst v63  }
0x39: {  	s10 =	ssub.s32 @!p1 $0xA, s10;
	s12 =	sshll.u32 s12, $0xD;
	_ =	swait.ge [sflag:s26], $0x2000  }
0x3a: {  	s24 =	simm.s32 $0x9;
	s9 =	ssub.s32 @!p1 $0x9, s9;
	[sflag:s26] =	ssyncset.done $0x0  }
0x3b: {  	s10 =	sand.u32 @!p1 $0xFFFF, s10;
	s9 =	sand.u32 @!p1 $0xFFFF, s9;
	[sflag:s26] =	ssyncadd.s32 $0xFFFFE000  }
0x3c: {  	[tilespmem:s19], [sflag:$0x9] =	stream.indirect.gather.add.f32 [hbm:s3], $0x80, s2, s17, $0xb8;
	[tilespmem:$0x1FA00] =	vst v63  }
0x3d: {  	s12 =	sadd.s32 s12, s1;
	s9 =	sshll.u32 @!p1 s9, $0xD;
	_ =	swait.ge [sflag:s28], $0x2000  }
0x3e: {  	s10 =	sshll.u32 @!p1 s10, $0xD;
	s16 =	sadd.s32 @!p1 s9, s1;
	[sflag:s28] =	ssyncset.done $0x0  }
0x3f: {  	s9 =	sshrl.u32 s0, $0x10;
	s0 =	simm.s32 $0x14800;
	[sflag:s28] =	ssyncadd.s32 $0xFFFFE000  }
0x40: {  	[tilespmem:s22], [sflag:$0xA] =	stream.indirect.gather.add.f32 [hbm:s3], $0x80, s29, s17, $0xb8;
	[tilespmem:$0x1FA00] =	vst v63  }
0x41: {  	s26 =	simm.s32 $0x4;
	s5 =	ssub.s32 $0x5, s9;
	_ =	swait.ge @!p3 [sflag:s14], $0x2000  }
0x42: {  	s15 =	sand.u32 $0xFFFE, s5;
	s5 =	simm.s32 $0xA;
	[sflag:s14] =	ssyncset.done @!p3 $0x0  }
0x43: {  	s29 =	simm.s32 $0x7;
	[sflag:s14] =	ssyncadd.s32 @!p3 $0xFFFFE000;
	s14 =	sshrl.u32 s15, $0x1  }
0x44: {  	[tilespmem:s0], [sflag:$0x5] =	stream.linear.gather [spmem:s12], $0x2000, $0x38;
	[tilespmem:$0x1FA00] =	vst v63  }
0x45: {  	s15 =	simm.s32 $0x3;
	s9 =	sadd.s32 s9, s14;
	s14 =	smul.u32 $0x47AF, s20  }
0x46: {  	s12 =	simm.s32 $0x4000;
	_ =	swait.ge [sflag:s15], $0x2000;
	s9 =	sand.u32 $0xFFF0, s9  }
0x47: {  	[sflag:s15] =	ssyncset.done $0x0;
	s9 =	sshrl.u32 s9, $0x4;
	s14 =	sshrl.u32 s14, $0x10  }
0x48: {  	[sflag:s15] =	ssyncadd.s32 $0xFFFFE000;
	s15 =	ssub.s32 @!p1 $0xB, s13;
	s9 =	smul.u32 $0x19, s9  }
0x49: {  	[tilespmem:s23], [sflag:$0xB] =	stream.indirect.gather.add.f32 [hbm:s3], $0x80, s21, s17, $0xb8;
	[tilespmem:$0x1FA00] =	vst v63  }
0x4a: {  	s25 =	ssub.s32 $0x6, s14;
	s15 =	sand.u32 @!p1 $0xFFFE, s15;
	_ =	swait.ge [sflag:s24], $0x2000  }
0x4b: {  	s9 =	ssub.s32 $0x5, s9;
	s20 =	rddreg [dreg:$0x4];
	[sflag:s24] =	ssyncset.done $0x0  }
0x4c: {  	s9 =	sand.u32 $0xFFFF, s9;
	[sflag:s24] =	ssyncadd.s32 $0xFFFFE000;
	s20 =	sadd.s32 $0x0, s20  }
0x4d: {  	[hbm4b:s20+s2] =	stream.linear.scatter [tilespmem:s19], [sflag:$0x11], $0x2000, $0x38;
	[tilespmem:$0x1FA00] =	vst v63  }
0x4e: {  	s21 =	simm.s32 @!p3 $0x16;
	s9 =	sshll.u32 s9, $0xD;
	s20 =	sand.u32 $0xFFFE, s25  }
0x4f: {  	s9 =	sadd.s32 s9, s1;
	_ =	swait.ge @!p3 [sflag:s21], $0x2000;
	s20 =	sshrl.u32 s20, $0x1  }
0x50: {  	s25 =	simm.s32 $0x5;
	[sflag:s21] =	ssyncset.done @!p3 $0x0;
	s14 =	sadd.s32 s14, s20  }
0x51: {  	s20 =	simm.s32 @!p3 $0x18;
	[sflag:s21] =	ssyncadd.s32 @!p3 $0xFFFFE000;
	s28 =	sand.u32 $0xFFF0, s14  }
0x52: {  	[tilespmem:s6], [sflag:$0x6] =	stream.linear.gather [spmem:s9], $0x2000, $0x38;
	[tilespmem:$0x1FA00] =	vst v63  }
0x53: {  	s14 =	smul.u32 $0x47AF, s29;
	s9 =	sshrl.u32 @!p1 s15, $0x1;
	_ =	swait.ge [sflag:s26], $0x2000  }
0x54: {  	s21 =	simm.s32 @!p3 $0x17;
	s9 =	sadd.s32 @!p1 s13, s9;
	[sflag:s26] =	ssyncset.done $0x0  }
0x55: {  	s13 =	sshrl.u32 s28, $0x4;
	s14 =	sshrl.u32 s14, $0x10;
	[sflag:s26] =	ssyncadd.s32 $0xFFFFE000  }
0x56: {  	[tilespmem:s4], [sflag:$0xC] =	stream.indirect.gather.add.f32 [hbm:s3], $0x80, s31, s17, $0xb8;
	[tilespmem:$0x1FA00] =	vst v63  }
0x57: {  	s28 =	simm.s32 $0xB;
	s9 =	sshrl.u32 @!p1 s9, $0x4;
	_ =	swait.ge [sflag:s5], $0x2000  }
0x58: {  	s13 =	smul.u32 $0x19, s13;
	s6 =	rddreg [dreg:$0x3];
	[sflag:s5] =	ssyncset.done $0x0  }
0x59: {  	s19 =	ssub.s32 $0x7, s14;
	[sflag:s5] =	ssyncadd.s32 $0xFFFFE000;
	s15 =	sadd.s32 $0x0, s6  }
0x5a: {  	[hbm4b:s15+s2] =	stream.linear.scatter [tilespmem:s22], [sflag:$0x12], $0x2000, $0x38;
	[tilespmem:$0x1FA00] =	vst v63  }
0x5b: {  	s9 =	smul.u32 @!p1 $0x19, s9;
	s13 =	ssub.s32 $0x6, s13;
	s22 =	sand.u32 $0xFFFE, s19  }
0x5c: {  	s13 =	sand.u32 $0xFFFF, s13;
	_ =	swait.ge @!p3 [sflag:s21], $0x2000;
	s15 =	sshrl.u32 s22, $0x1  }
0x5d: {  	s13 =	sshll.u32 s13, $0xD;
	[sflag:s21] =	ssyncset.done @!p3 $0x0;
	s14 =	sadd.s32 s14, s15  }
0x5e: {  	s13 =	sadd.s32 s13, s1;
	[sflag:s21] =	ssyncadd.s32 @!p3 $0xFFFFE000;
	s24 =	sand.u32 $0xFFF0, s14  }
0x5f: {  	[tilespmem:s7], [sflag:$0x7] =	stream.linear.gather [spmem:s13], $0x2000, $0x38;
	[tilespmem:$0x1FA00] =	vst v63  }
0x60: {  	s9 =	ssub.s32 @!p1 $0xB, s9;
	s13 =	sadd.s32 @!p1 s10, s1;
	s10 =	sshrl.u32 s24, $0x4  }
0x61: {  	s9 =	sand.u32 @!p1 $0xFFFF, s9;
	_ =	swait.ge [sflag:s25], $0x2000;
	s10 =	smul.u32 $0x19, s10  }
0x62: {  	s26 =	simm.s32 $0x200;
	s9 =	sshll.u32 @!p1 s9, $0xD;
	[sflag:s25] =	ssyncset.done $0x0  }
0x63: {  	s15 =	sadd.s32 @!p1 s9, s1;
	[sflag:s25] =	ssyncadd.s32 $0xFFFFE000;
	s10 =	ssub.s32 $0x7, s10  }
0x64: {  	[tilespmem:s0], [sflag:$0xD] =	stream.indirect.gather.add.f32 [hbm:s3], $0x80, s26, s17, $0xb8;
	[tilespmem:$0x1FA00] =	vst v63  }
0x65: {  	s21 =	simm.s32 $0x11;
	s10 =	sand.u32 $0xFFFF, s10;
	_ =	swait.ge [sflag:s28], $0x2000  }
0x66: {  	s31 =	sshll.u32 s10, $0xD;
	s29 =	rddreg [dreg:$0x9];
	[sflag:s28] =	ssyncset.done $0x0  }
0x67: {  	s10 =	simm.s32 $0x8;
	[sflag:s28] =	ssyncadd.s32 $0xFFFFE000;
	s14 =	sadd.s32 $0x0, s29  }
0x68: {  	[hbm4b:s14+s2] =	stream.linear.scatter [tilespmem:s23], [sflag:$0x13], $0x2000, $0x38;
	[tilespmem:$0x1FA00] =	vst v63  }
0x69: {  	s24 =	simm.s32 $0x300;
	p1 =	por $0x0, $0x0;
	s14 =	smul.u32 @!p2 $0x47AF, s10  }
0x6a: {  	s22 =	smul.u32 @!p1 $0x47AF, s21;
	s9 =	sadd.s32 s31, s1;
	_ =	swait.ge @!p3 [sflag:s20], $0x2000  }
0x6b: {  	s23 =	simm.s32 $0x380;
	[sflag:s20] =	ssyncset.done @!p3 $0x0;
	s25 =	sshrl.u32 @!p2 s14, $0x10  }
0x6c: {  	[sflag:s20] =	ssyncadd.s32 @!p3 $0xFFFFE000;
	s14 =	ssub.s32 @!p2 $0x8, s25;
	s20 =	simm.s32 @!p1 $0x12  }
0x6d: {  	[tilespmem:s8], [sflag:$0x8] =	stream.linear.gather [spmem:s9], $0x2000, $0x38;
	[tilespmem:$0x1FA00] =	vst v63  }
0x6e: {  	s9 =	simm.s32 $0x680;
	s26 =	sand.u32 @!p2 $0xFFFE, s14;
	s14 =	simm.s32 $0x0  }
.LBB2_2:
0x6f: {  	_ =	swait.ge [sflag:s30], $0x2000  }
0x70: {  	s26 =	sshrl.u32 @!p2 s26, $0x1;
	s6 =	simm.s32 $0x16800;
	s0 =	simm.s32 $0xC  }
0x71: {  	s31 =	simm.s32 @!p2 $0x11;
	s4 =	simm.s32 $0x12800;
	s8 =	simm.s32 $0x7  }
0x72: {  	s7 =	simm.s32 $0x18800;
	s19 =	simm.s32 $0xD;
	s28 =	sshrl.u32 @!p1 s22, $0x10  }
0x73: {  	[sflag:s30] =	ssyncset.done $0x0;
	s25 =	sadd.s32 @!p2 s25, s26;
	s29 =	ssub.s32 @!p1 s21, s28  }
0x74: {  	[sflag:s30] =	ssyncadd.s32 $0xFFFFE000;
	s25 =	sand.u32 @!p2 $0xFFF0, s25;
	s30 =	sand.u32 @!p1 $0xFFFF, s20  }
0x75: {  	[tilespmem:s6], [sflag:$0xE] =	stream.indirect.gather.add.f32 [hbm:s3], $0x80, s11, s17, $0xb8;
	[tilespmem:$0x1FA00] =	vst v63  }
0x76: {  	s26 =	sand.u32 @!p1 $0xFFFE, s29;
	s25 =	sshrl.u32 @!p2 s25, $0x4;
	s30 =	smul.u32 @!p1 $0x47AF, s30  }
0x77: {  	s26 =	sshrl.u32 @!p1 s26, $0x1;
	_ =	swait.ge [sflag:s0], $0x2000;
	s29 =	smul.u32 @!p2 $0x19, s25  }
0x78: {  	s25 =	sadd.s32 @!p1 $0xB, s10;
	s26 =	sadd.s32 @!p1 s28, s26;
	s28 =	rddreg [dreg:$0x7]  }
0x79: {  	[sflag:s0] =	ssyncset.done $0x0;
	s26 =	sand.u32 @!p1 $0xFFF0, s26;
	s29 =	ssub.s32 @!p2 s10, s29  }
0x7a: {  	[sflag:s0] =	ssyncadd.s32 $0xFFFFE000;
	s28 =	sadd.s32 s14, s28;
	s0 =	simm.s32 @!p2 $0x12  }
0x7b: {  	[hbm4b:s28+s2] =	stream.linear.scatter [tilespmem:s4], [sflag:$0x14], $0x2000, $0x38;
	[tilespmem:$0x1FA00] =	vst v63  }
0x7c: {  	s29 =	sand.u32 @!p2 $0xFFFF, s29;
	s26 =	sshrl.u32 @!p1 s26, $0x4;
	_ =	swait.ge @!p2 [sflag:s31], $0x2000  }
0x7d: {  	s28 =	sshll.u32 @!p2 s29, $0xD;
	s29 =	smul.u32 @!p1 $0x19, s26;
	[sflag:s31] =	ssyncset.done @!p2 $0x0  }
0x7e: {  	s26 =	simm.s32 @!p2 $0xC800;
	s28 =	sadd.s32 @!p2 s28, s1;
	[sflag:s31] =	ssyncadd.s32 @!p2 $0xFFFFE000  }
0x7f: {  	[tilespmem:s26], [sflag:$0x1] =	stream.linear.gather @!p2 [spmem:s28], $0x2000, $0x38;
	[tilespmem:$0x1FA00] =	vst v63  }
0x80: {  	s21 =	ssub.s32 @!p1 s21, s29;
	s28 =	sshrl.u32 @!p1 s30, $0x10;
	_ =	swait.ge [sflag:s8], $0x2000  }
0x81: {  	s21 =	sand.u32 @!p1 $0xFFFF, s21;
	s29 =	ssub.s32 @!p1 s20, s28;
	[sflag:s8] =	ssyncset.done $0x0  }
0x82: {  	s21 =	sshll.u32 @!p1 s21, $0xD;
	s29 =	sand.u32 @!p1 $0xFFFE, s29;
	[sflag:s8] =	ssyncadd.s32 $0xFFFFE000  }
0x83: {  	[tilespmem:s7], [sflag:$0xF] =	stream.indirect.gather.add.f32 [hbm:s3], $0x80, s24, s17, $0xb8;
	[tilespmem:$0x1FA00] =	vst v63  }
0x84: {  	s30 =	sadd.s32 $0x4, s10;
	s24 =	sadd.s32 @!p1 s21, s1;
	s21 =	sshrl.u32 @!p1 s29, $0x1  }
0x85: {  	s8 =	smul.u32 $0x47AF, s30;
	_ =	swait.ge [sflag:s19], $0x2000;
	s21 =	sadd.s32 @!p1 s28, s21  }
0x86: {  	s28 =	sand.u32 @!p1 $0xFFFF, s25;
	s5 =	rddreg [dreg:$0xa];
	[sflag:s19] =	ssyncset.done $0x0  }
0x87: {  	[sflag:s19] =	ssyncadd.s32 $0xFFFFE000;
	s29 =	sadd.s32 s14, s5;
	s5 =	simm.s32 $0x14800  }
0x88: {  	[hbm4b:s29+s2] =	stream.linear.scatter [tilespmem:s5], [sflag:$0x15], $0x2000, $0x38;
	[tilespmem:$0x1FA00] =	vst v63  }
0x89: {  	s21 =	sshrl.u32 @!p1 s21, $0x4;
	s28 =	smul.u32 @!p1 $0x47AF, s28;
	s29 =	sshrl.u32 s8, $0x10  }
0x8a: {  	s31 =	smul.u32 @!p1 $0x19, s21;
	_ =	swait.ge @!p2 [sflag:s0], $0x2000;
	s19 =	ssub.s32 s30, s29  }
0x8b: {  	s21 =	simm.s32 @!p2 $0xE800;
	[sflag:s0] =	ssyncset.done @!p2 $0x0;
	s19 =	sand.u32 $0xFFFE, s19  }
0x8c: {  	s20 =	ssub.s32 @!p1 s20, s31;
	[sflag:s0] =	ssyncadd.s32 @!p2 $0xFFFFE000;
	s19 =	sshrl.u32 s19, $0x1  }
0x8d: {  	[tilespmem:s21], [sflag:$0x2] =	stream.linear.gather @!p2 [spmem:s16], $0x2000, $0x38;
	[tilespmem:$0x1FA00] =	vst v63  }
0x8e: {  	s8 =	simm.s32 $0x8;
	s16 =	sand.u32 @!p1 $0xFFFF, s20;
	s0 =	sadd.s32 s29, s19  }
0x8f: {  	s20 =	simm.s32 $0xE;
	_ =	swait.ge [sflag:s8], $0x2000;
	s0 =	sand.u32 $0xFFF0, s0  }
0x90: {  	s16 =	sshll.u32 @!p1 s16, $0xD;
	[sflag:s8] =	ssyncset.done $0x0;
	s0 =	sshrl.u32 s0, $0x4  }
0x91: {  	[sflag:s8] =	ssyncadd.s32 $0xFFFFE000;
	s8 =	simm.s32 $0x1A800;
	s0 =	smul.u32 $0x19, s0  }
0x92: {  	[tilespmem:s8], [sflag:$0x10] =	stream.indirect.gather.add.f32 [hbm:s3], $0x80, s23, s17, $0xb8;
	[tilespmem:$0x1FA00] =	vst v63  }
0x93: {  	s19 =	sadd.s32 @!p1 s16, s1;
	s23 =	sshrl.u32 @!p1 s28, $0x10;
	_ =	swait.ge [sflag:s20], $0x2000  }
0x94: {  	s16 =	ssub.s32 @!p1 s25, s23;
	s0 =	ssub.s32 s30, s0;
	s31 =	rddreg [dreg:$0x8]  }
0x95: {  	s28 =	sand.u32 @!p1 $0xFFFE, s16;
	s16 =	smov.u32 s24;
	[sflag:s20] =	ssyncset.done $0x0  }
0x96: {  	s0 =	sand.u32 $0xFFFF, s0;
	[sflag:s20] =	ssyncadd.s32 $0xFFFFE000;
	s20 =	sadd.s32 s14, s31  }
0x97: {  	[hbm4b:s20+s2] =	stream.linear.scatter [tilespmem:s6], [sflag:$0x16], $0x2000, $0x38;
	[tilespmem:$0x1FA00] =	vst v63  }
0x98: {  	s24 =	simm.s32 @!p2 $0x13;
	s20 =	sshll.u32 s0, $0xD;
	s0 =	sshrl.u32 @!p1 s28, $0x1  }
0x99: {  	p4 =	seq.s32 s18, $0x0;
	_ =	swait.ge @!p2 [sflag:s24], $0x2000;
	s0 =	sadd.s32 @!p1 s23, s0  }
0x9a: {  	s30 =	simm.s32 $0xF;
	[sflag:s24] =	ssyncset.done @!p2 $0x0;
	s0 =	sshrl.u32 @!p1 s0, $0x4  }
0x9b: {  	[sflag:s24] =	ssyncadd.s32 @!p2 $0xFFFFE000;
	s24 =	simm.s32 @!p2 $0x10800;
	s0 =	smul.u32 @!p1 $0x19, s0  }
0x9c: {  	[tilespmem:s24], [sflag:$0x3] =	stream.linear.gather @!p2 [spmem:s13], $0x2000, $0x38;
	[tilespmem:$0x1FA00] =	vst v63  }
0x9d: {  	s23 =	simm.s32 @!p2 $0x1;
	s13 =	smov.u32 s19;
	s19 =	simm.s32 @!p2 $0x40  }
0x9e: {  	s24 =	sadd.s32 $0x5, s10;
	_ =	swait.ge @!p2 [sflag:s23], $0x2000;
	s0 =	ssub.s32 @!p1 s25, s0  }
0x9f: {  	s29 =	smul.u32 $0x47AF, s24;
	[sflag:s23] =	ssyncset.done @!p2 $0x0;
	s0 =	sand.u32 @!p1 $0xFFFF, s0  }
0xa0: {  	[sflag:s23] =	ssyncadd.s32 @!p2 $0xFFFFE000;
	s23 =	sadd.s32 @!p2 $0x180, s11;
	s0 =	sshll.u32 @!p1 s0, $0xD  }
0xa1: {  	[tilespmem:s26], [sflag:$0x9] =	stream.indirect.gather.add.f32 @!p2 [hbm:s3], $0x80, s23, s19, $0xb8;
	[tilespmem:$0x1FA00] =	vst v63  }
0xa2: {  	s11 =	sadd.s32 @!p2 $0x200, s11;
	s23 =	sadd.s32 $0x6, s10;
	_ =	swait.ge [sflag:s30], $0x2000  }
0xa3: {  	s0 =	sadd.s32 @!p1 s0, s1;
	s28 =	smul.u32 $0x47AF, s23;
	s31 =	rddreg [dreg:$0x6]  }
0xa4: {  	s26 =	sshrl.u32 s29, $0x10;
	[sflag:s30] =	ssyncset.done $0x0;
	s25 =	sadd.s32 s14, s31  }
0xa5: {  	s31 =	ssub.s32 s24, s26;
	[sflag:s30] =	ssyncadd.s32 $0xFFFFE000;
	s28 =	sshrl.u32 s28, $0x10  }
0xa6: {  	[hbm4b:s25+s2] =	stream.linear.scatter [tilespmem:s7], [sflag:$0x17], $0x2000, $0x38;
	[tilespmem:$0x1FA00] =	vst v63  }
0xa7: {  	s30 =	simm.s32 @!p2 $0x14;
	s25 =	sand.u32 $0xFFFE, s31;
	s29 =	ssub.s32 s23, s28  }
0xa8: {  	s31 =	simm.s32 @!p2 $0x2;
	_ =	swait.ge @!p2 [sflag:s30], $0x2000;
	s25 =	sshrl.u32 s25, $0x1  }
0xa9: {  	s29 =	sand.u32 $0xFFFE, s29;
	[sflag:s30] =	ssyncset.done @!p2 $0x0;
	s26 =	sadd.s32 s26, s25  }
0xaa: {  	s25 =	sshrl.u32 s29, $0x1;
	[sflag:s30] =	ssyncadd.s32 @!p2 $0xFFFFE000;
	s30 =	simm.s32 @!p2 $0x12800  }
0xab: {  	[tilespmem:s30], [sflag:$0x4] =	stream.linear.gather @!p2 [spmem:s15], $0x2000, $0x38;
	[tilespmem:$0x1FA00] =	vst v63  }
0xac: {  	s25 =	sadd.s32 s28, s25;
	s15 =	sand.u32 $0xFFF0, s26;
	_ =	swait.ge @!p2 [sflag:s31], $0x2000  }
0xad: {  	s28 =	simm.s32 $0x10;
	s15 =	sshrl.u32 s15, $0x4;
	[sflag:s31] =	ssyncset.done @!p2 $0x0  }
0xae: {  	s29 =	sand.u32 $0xFFF0, s25;
	s26 =	smul.u32 $0x19, s15;
	[sflag:s31] =	ssyncadd.s32 @!p2 $0xFFFFE000  }
0xaf: {  	[tilespmem:s21], [sflag:$0xA] =	stream.indirect.gather.add.f32 @!p2 [hbm:s3], $0x80, s11, s19, $0xb8;
	[tilespmem:$0x1FA00] =	vst v63  }
0xb0: {  	s15 =	smov.u32 s0;
	s24 =	ssub.s32 s24, s26;
	_ =	swait.ge [sflag:s28], $0x2000  }
0xb1: {  	s0 =	sand.u32 $0xFFFF, s24;
	[sflag:s28] =	ssyncset.done $0x0;
	s31 =	rddreg [dreg:$0x5]  }
0xb2: {  	s24 =	simm.s32 @!p4 $0x15;
	[sflag:s28] =	ssyncadd.s32 $0xFFFFE000;
	s25 =	sadd.s32 s14, s31  }
0xb3: {  	[hbm4b:s25+s2] =	stream.linear.scatter [tilespmem:s8], [sflag:$0x18], $0x2000, $0x38;
	[tilespmem:$0x1FA00] =	vst v63  }
0xb4: {  	s22 =	smov.u32 s12;
	_ =	swait.ge @!p4 [sflag:s24], $0x2000  }
0xb5: {  	s19 =	sshrl.u32 s29, $0x4;
	s29 =	sadd.s32 s20, s1;
	[sflag:s24] =	ssyncset.done @!p4 $0x0  }
0xb6: {  	s19 =	smul.u32 $0x19, s19;
	s31 =	simm.s32 $0x3;
	[sflag:s24] =	ssyncadd.s32 @!p4 $0xFFFFE000  }
0xb7: {  	[tilespmem:s5], [sflag:$0x5] =	stream.linear.gather [spmem:s29], $0x2000, $0x38;
	[tilespmem:$0x1FA00] =	vst v63  }
0xb8: {  	s21 =	sadd.s32 $0xFFFFFE80, s9;
	s26 =	ssub.s32 s23, s19;
	_ =	swait.ge [sflag:s31], $0x2000  }
0xb9: {  	s14 =	smov.u32 s18;
	s18 =	smov.u32 s22;
	[sflag:s31] =	ssyncset.done $0x0  }
0xba: {  	s23 =	simm.s32 $0x9;
	s25 =	simm.s32 $0x10800;
	[sflag:s31] =	ssyncadd.s32 $0xFFFFE000  }
0xbb: {  	[tilespmem:s25], [sflag:$0xB] =	stream.indirect.gather.add.f32 [hbm:s3], $0x80, s21, s17, $0xb8;
	[tilespmem:$0x1FA00] =	vst v63  }
0xbc: {  	s22 =	simm.s32 @!p4 $0x16;
	s19 =	sand.u32 $0xFFFF, s26;
	_ =	swait.ge [sflag:s23], $0x2000  }
0xbd: {  	s26 =	simm.s32 $0xC800;
	s24 =	rddreg [dreg:$0x4];
	[sflag:s23] =	ssyncset.done $0x0  }
0xbe: {  	s20 =	sshll.u32 s19, $0xD;
	[sflag:s23] =	ssyncadd.s32 $0xFFFFE000;
	s19 =	sadd.s32 s14, s24  }
0xbf: {  	[hbm4b:s19+s2] =	stream.linear.scatter [tilespmem:s26], [sflag:$0x11], $0x2000, $0x38;
	[tilespmem:$0x1FA00] =	vst v63  }
0xc0: {  	s12 =	sadd.s32 $0x2000, s12;
	s0 =	sshll.u32 s0, $0xD;
	_ =	swait.ge @!p4 [sflag:s22], $0x2000  }
0xc1: {  	p3 =	sne.s32 s12, $0x64000;
	s0 =	sadd.s32 s0, s1;
	[sflag:s22] =	ssyncset.done @!p4 $0x0  }
0xc2: {  	s21 =	sadd.s32 $0x7, s10;
	s24 =	simm.s32 $0x4;
	[sflag:s22] =	ssyncadd.s32 @!p4 $0xFFFFE000  }
0xc3: {  	[tilespmem:s6], [sflag:$0x6] =	stream.linear.gather [spmem:s0], $0x2000, $0x38;
	[tilespmem:$0x1FA00] =	vst v63  }
0xc4: {  	s30 =	simm.s32 $0x6;
	s31 =	smul.u32 $0x47AF, s21;
	_ =	swait.ge [sflag:s24], $0x2000  }
0xc5: {  	s11 =	smov.u32 s9;
	p2 =	por p1, p1;
	[sflag:s24] =	ssyncset.done $0x0  }
0xc6: {  	s29 =	sadd.s32 $0xFFFFFF00, s9;
	s23 =	sshrl.u32 s31, $0x10;
	[sflag:s24] =	ssyncadd.s32 $0xFFFFE000  }
0xc7: {  	[tilespmem:s4], [sflag:$0xC] =	stream.indirect.gather.add.f32 [hbm:s3], $0x80, s29, s17, $0xb8;
	[tilespmem:$0x1FA00] =	vst v63  }
0xc8: {  	s26 =	ssub.s32 s21, s23;
	s22 =	simm.s32 @!p4 $0x17;
	s29 =	simm.s32 $0xA  }
0xc9: {  	s0 =	sand.u32 $0xFFFE, s26;
	s6 =	simm.s32 $0xE800;
	_ =	swait.ge [sflag:s29], $0x2000  }
0xca: {  	s0 =	sshrl.u32 s0, $0x1;
	s31 =	rddreg [dreg:$0x3];
	[sflag:s29] =	ssyncset.done $0x0  }
0xcb: {  	s0 =	sadd.s32 s23, s0;
	[sflag:s29] =	ssyncadd.s32 $0xFFFFE000;
	s19 =	sadd.s32 s14, s31  }
0xcc: {  	[hbm4b:s19+s2] =	stream.linear.scatter [tilespmem:s6], [sflag:$0x12], $0x2000, $0x38;
	[tilespmem:$0x1FA00] =	vst v63  }
0xcd: {  	p1 =	seq.s32 s18, $0x62000;
	s0 =	sand.u32 $0xFFF0, s0;
	_ =	swait.ge @!p4 [sflag:s22], $0x2000  }
0xce: {  	s23 =	sadd.s32 s20, s1;
	s0 =	sshrl.u32 s0, $0x4;
	[sflag:s22] =	ssyncset.done @!p4 $0x0  }
0xcf: {  	s24 =	simm.s32 $0x5;
	s0 =	smul.u32 $0x19, s0;
	[sflag:s22] =	ssyncadd.s32 @!p4 $0xFFFFE000  }
0xd0: {  	[tilespmem:s7], [sflag:$0x7] =	stream.linear.gather [spmem:s23], $0x2000, $0x38;
	[tilespmem:$0x1FA00] =	vst v63  }
0xd1: {  	s10 =	sadd.s32 $0x8, s10;
	s26 =	sadd.s32 $0xFFFFFF80, s9;
	_ =	swait.ge [sflag:s24], $0x2000  }
0xd2: {  	s20 =	smul.u32 @!p2 $0x47AF, s10;
	s0 =	ssub.s32 s21, s0;
	[sflag:s24] =	ssyncset.done $0x0  }
0xd3: {  	s29 =	simm.s32 $0xB;
	s0 =	sand.u32 $0xFFFF, s0;
	[sflag:s24] =	ssyncadd.s32 $0xFFFFE000  }
0xd4: {  	[tilespmem:s5], [sflag:$0xD] =	stream.indirect.gather.add.f32 [hbm:s3], $0x80, s26, s17, $0xb8;
	[tilespmem:$0x1FA00] =	vst v63  }
0xd5: {  	s21 =	sadd.s32 $0x9, s10;
	s0 =	sshll.u32 s0, $0xD;
	_ =	swait.ge [sflag:s29], $0x2000  }
0xd6: {  	s0 =	sadd.s32 s0, s1;
	s31 =	rddreg [dreg:$0x9];
	[sflag:s29] =	ssyncset.done $0x0  }
0xd7: {  	s22 =	smul.u32 @!p1 $0x47AF, s21;
	[sflag:s29] =	ssyncadd.s32 $0xFFFFE000;
	s19 =	sadd.s32 s14, s31  }
0xd8: {  	[hbm4b:s19+s2] =	stream.linear.scatter [tilespmem:s25], [sflag:$0x13], $0x2000, $0x38;
	[tilespmem:$0x1FA00] =	vst v63  }
.Ltmp0:
0xd9: {  	s23 =	sadd.s32 $0x100, s9;
	s26 =	simm.s32 @!p4 $0x18;
	(pc) =	sbr.rel @p3 .LBB2_2-.Ltmp0, $4  }
0xda: {  	s24 =	sadd.s32 $0x80, s9;
	s25 =	sshrl.u32 @!p2 s20, $0x10;
	_ =	swait.ge @!p4 [sflag:s26], $0x2000  }
0xdb: {  	s9 =	sadd.s32 $0x400, s9;
	s19 =	ssub.s32 @!p2 s10, s25;
	[sflag:s26] =	ssyncset.done @!p4 $0x0  }
0xdc: {  	s20 =	sadd.s32 @!p1 $0xA, s10;
	[sflag:s26] =	ssyncadd.s32 @!p4 $0xFFFFE000;
	s26 =	sand.u32 @!p2 $0xFFFE, s19  }
0xdd: {  	[tilespmem:s8], [sflag:$0x8] =	stream.linear.gather [spmem:s0], $0x2000, $0x38;
	[tilespmem:$0x1FA00] =	vst v63  }
0xde: {  	_ =	swait.ge [sflag:s30], $0x2000  }
0xdf: {  	s19 =	simm.s32 $0x16800;
	s0 =	sshrl.u32 @!p2 s26, $0x1;
	[sflag:s30] =	ssyncset.done $0x0  }
0xe0: {  	s4 =	simm.s32 $0xC;
	s0 =	sadd.s32 @!p2 s25, s0;
	[sflag:s30] =	ssyncadd.s32 $0xFFFFE000  }
0xe1: {  	[tilespmem:s19], [sflag:$0xE] =	stream.indirect.gather.add.f32 [hbm:s3], $0x80, s11, s17, $0xb8;
	[tilespmem:$0x1FA00] =	vst v63  }
0xe2: {  	s5 =	simm.s32 $0x12800;
	s0 =	sand.u32 @!p2 $0xFFF0, s0;
	_ =	swait.ge [sflag:s4], $0x2000  }
0xe3: {  	s0 =	sshrl.u32 @!p2 s0, $0x4;
	s12 =	rddreg [dreg:$0x7];
	[sflag:s4] =	ssyncset.done $0x0  }
0xe4: {  	s0 =	smul.u32 @!p2 $0x19, s0;
	[sflag:s4] =	ssyncadd.s32 $0xFFFFE000;
	s12 =	sadd.s32 s14, s12  }
0xe5: {  	[hbm4b:s12+s2] =	stream.linear.scatter [tilespmem:s5], [sflag:$0x14], $0x2000, $0x38;
	[tilespmem:$0x1FA00] =	vst v63  }
0xe6: {  	s0 =	ssub.s32 @!p2 s10, s0;
	s12 =	simm.s32 @!p2 $0x11  }
0xe7: {  	s0 =	sand.u32 @!p2 $0xFFFF, s0;
	_ =	swait.ge @!p2 [sflag:s12], $0x2000  }
0xe8: {  	s31 =	simm.s32 $0x7;
	s0 =	sshll.u32 @!p2 s0, $0xD;
	[sflag:s12] =	ssyncset.done @!p2 $0x0  }
0xe9: {  	s0 =	sadd.s32 @!p2 s0, s1;
	[sflag:s12] =	ssyncadd.s32 @!p2 $0xFFFFE000;
	s12 =	simm.s32 @!p2 $0xC800  }
0xea: {  	[tilespmem:s12], [sflag:$0x1] =	stream.linear.gather @!p2 [spmem:s0], $0x2000, $0x38;
	[tilespmem:$0x1FA00] =	vst v63  }
0xeb: {  	_ =	swait.ge [sflag:s31], $0x2000  }
0xec: {  	[sflag:s31] =	ssyncset.done $0x0  }
0xed: {  	s29 =	simm.s32 $0xD;
	s25 =	simm.s32 $0x18800;
	[sflag:s31] =	ssyncadd.s32 $0xFFFFE000  }
0xee: {  	[tilespmem:s25], [sflag:$0xF] =	stream.indirect.gather.add.f32 [hbm:s3], $0x80, s24, s17, $0xb8;
	[tilespmem:$0x1FA00] =	vst v63  }
0xef: {  	_ =	swait.ge [sflag:s29], $0x2000  }
0xf0: {  	s6 =	rddreg [dreg:$0xa];
	[sflag:s29] =	ssyncset.done $0x0  }
0xf1: {  	s5 =	simm.s32 $0x14800;
	[sflag:s29] =	ssyncadd.s32 $0xFFFFE000;
	s0 =	sadd.s32 s14, s6  }
0xf2: {  	[hbm4b:s0+s2] =	stream.linear.scatter [tilespmem:s5], [sflag:$0x15], $0x2000, $0x38;
	[tilespmem:$0x1FA00] =	vst v63  }
0xf3: {  	s0 =	simm.s32 @!p2 $0x12  }
0xf4: {  	_ =	swait.ge @!p2 [sflag:s0], $0x2000  }
0xf5: {  	[sflag:s0] =	ssyncset.done @!p2 $0x0  }
0xf6: {  	s26 =	simm.s32 $0x8;
	[sflag:s0] =	ssyncadd.s32 @!p2 $0xFFFFE000;
	s0 =	simm.s32 @!p2 $0xE800  }
0xf7: {  	[tilespmem:s0], [sflag:$0x2] =	stream.linear.gather @!p2 [spmem:s16], $0x2000, $0x38;
	[tilespmem:$0x1FA00] =	vst v63  }
0xf8: {  	_ =	swait.ge [sflag:s26], $0x2000  }
0xf9: {  	[sflag:s26] =	ssyncset.done $0x0  }
0xfa: {  	s8 =	simm.s32 $0xE;
	s24 =	simm.s32 $0x1A800;
	[sflag:s26] =	ssyncadd.s32 $0xFFFFE000  }
0xfb: {  	[tilespmem:s24], [sflag:$0x10] =	stream.indirect.gather.add.f32 [hbm:s3], $0x80, s23, s17, $0xb8;
	[tilespmem:$0x1FA00] =	vst v63  }
0xfc: {  	_ =	swait.ge [sflag:s8], $0x2000  }
0xfd: {  	s7 =	rddreg [dreg:$0x8];
	[sflag:s8] =	ssyncset.done $0x0  }
0xfe: {  	[sflag:s8] =	ssyncadd.s32 $0xFFFFE000;
	s16 =	sadd.s32 s14, s7  }
0xff: {  	[hbm4b:s16+s2] =	stream.linear.scatter [tilespmem:s19], [sflag:$0x16], $0x2000, $0x38;
	[tilespmem:$0x1FA00] =	vst v63  }
0x100: {  	s16 =	simm.s32 @!p2 $0x13  }
0x101: {  	_ =	swait.ge @!p2 [sflag:s16], $0x2000  }
0x102: {  	[sflag:s16] =	ssyncset.done @!p2 $0x0  }
0x103: {  	[sflag:s16] =	ssyncadd.s32 @!p2 $0xFFFFE000;
	s16 =	simm.s32 @!p2 $0x10800  }
0x104: {  	[tilespmem:s16], [sflag:$0x3] =	stream.linear.gather @!p2 [spmem:s13], $0x2000, $0x38;
	[tilespmem:$0x1FA00] =	vst v63  }
0x105: {  	s13 =	simm.s32 @!p2 $0x1  }
0x106: {  	_ =	swait.ge @!p2 [sflag:s13], $0x2000  }
0x107: {  	s7 =	simm.s32 $0xF;
	[sflag:s13] =	ssyncset.done @!p2 $0x0  }
0x108: {  	s16 =	simm.s32 @!p2 $0x40;
	[sflag:s13] =	ssyncadd.s32 @!p2 $0xFFFFE000;
	s13 =	sadd.s32 @!p2 $0x180, s11  }
0x109: {  	[tilespmem:s12], [sflag:$0x9] =	stream.indirect.gather.add.f32 @!p2 [hbm:s3], $0x80, s13, s16, $0xb8;
	[tilespmem:$0x1FA00] =	vst v63  }
0x10a: {  	_ =	swait.ge [sflag:s7], $0x2000  }
0x10b: {  	s23 =	rddreg [dreg:$0x6];
	[sflag:s7] =	ssyncset.done $0x0  }
0x10c: {  	s12 =	sadd.s32 s14, s23;
	[sflag:s7] =	ssyncadd.s32 $0xFFFFE000  }
0x10d: {  	[hbm4b:s12+s2] =	stream.linear.scatter [tilespmem:s25], [sflag:$0x17], $0x2000, $0x38;
	[tilespmem:$0x1FA00] =	vst v63  }
0x10e: {  	s12 =	simm.s32 @!p2 $0x14  }
0x10f: {  	_ =	swait.ge @!p2 [sflag:s12], $0x2000  }
0x110: {  	[sflag:s12] =	ssyncset.done @!p2 $0x0  }
0x111: {  	[sflag:s12] =	ssyncadd.s32 @!p2 $0xFFFFE000;
	s12 =	simm.s32 @!p2 $0x12800  }
0x112: {  	[tilespmem:s12], [sflag:$0x4] =	stream.linear.gather @!p2 [spmem:s15], $0x2000, $0x38;
	[tilespmem:$0x1FA00] =	vst v63  }
0x113: {  	s13 =	sadd.s32 $0x4, s10;
	s12 =	simm.s32 @!p2 $0x2  }
0x114: {  	s6 =	smul.u32 $0x47AF, s13;
	_ =	swait.ge @!p2 [sflag:s12], $0x2000  }
0x115: {  	[sflag:s12] =	ssyncset.done @!p2 $0x0  }
0x116: {  	s11 =	sadd.s32 @!p2 $0x200, s11;
	s15 =	sshrl.u32 s6, $0x10;
	[sflag:s12] =	ssyncadd.s32 @!p2 $0xFFFFE000  }
0x117: {  	[tilespmem:s0], [sflag:$0xA] =	stream.indirect.gather.add.f32 @!p2 [hbm:s3], $0x80, s11, s16, $0xb8;
	[tilespmem:$0x1FA00] =	vst v63  }
0x118: {  	s16 =	ssub.s32 s13, s15  }
0x119: {  	s11 =	sand.u32 $0xFFFE, s16  }
0x11a: {  	s11 =	sshrl.u32 s11, $0x1  }
0x11b: {  	p3 =	seq.s32 s18, $0x0;
	s12 =	sadd.s32 $0x5, s10;
	s0 =	sadd.s32 s15, s11  }
0x11c: {  	s6 =	smul.u32 $0x47AF, s12;
	_ =	swait.ge [sflag:s28], $0x2000;
	s0 =	sand.u32 $0xFFF0, s0  }
0x11d: {  	s23 =	rddreg [dreg:$0x5];
	[sflag:s28] =	ssyncset.done $0x0;
	s0 =	sshrl.u32 s0, $0x4  }
0x11e: {  	[sflag:s28] =	ssyncadd.s32 $0xFFFFE000;
	s11 =	sadd.s32 s14, s23;
	s0 =	smul.u32 $0x19, s0  }
0x11f: {  	[hbm4b:s11+s2] =	stream.linear.scatter [tilespmem:s24], [sflag:$0x18], $0x2000, $0x38;
	[tilespmem:$0x1FA00] =	vst v63  }
0x120: {  	s14 =	simm.s32 @!p3 $0x15;
	s15 =	sshrl.u32 s6, $0x10;
	s0 =	ssub.s32 s13, s0  }
0x121: {  	_ =	swait.ge @!p3 [sflag:s14], $0x2000;
	s13 =	ssub.s32 s12, s15;
	s0 =	sand.u32 $0xFFFF, s0  }
0x122: {  	[sflag:s14] =	ssyncset.done @!p3 $0x0;
	s13 =	sand.u32 $0xFFFE, s13;
	s0 =	sshll.u32 s0, $0xD  }
0x123: {  	[sflag:s14] =	ssyncadd.s32 @!p3 $0xFFFFE000;
	s16 =	sshrl.u32 s13, $0x1;
	s0 =	sadd.s32 s0, s1  }
0x124: {  	[tilespmem:s5], [sflag:$0x5] =	stream.linear.gather [spmem:s0], $0x2000, $0x38;
	[tilespmem:$0x1FA00] =	vst v63  }
0x125: {  	s0 =	sadd.s32 s15, s16  }
0x126: {  	s23 =	simm.s32 $0x3;
	s6 =	sadd.s32 $0xFFFFFE80, s9;
	s0 =	sand.u32 $0xFFF0, s0  }
0x127: {  	s11 =	simm.s32 $0x9;
	_ =	swait.ge [sflag:s23], $0x2000;
	s0 =	sshrl.u32 s0, $0x4  }
0x128: {  	s13 =	sadd.s32 $0x6, s10;
	[sflag:s23] =	ssyncset.done $0x0;
	s0 =	smul.u32 $0x19, s0  }
0x129: {  	s16 =	simm.s32 $0x10800;
	[sflag:s23] =	ssyncadd.s32 $0xFFFFE000;
	s23 =	smul.u32 $0x47AF, s13  }
0x12a: {  	[tilespmem:s16], [sflag:$0xB] =	stream.indirect.gather.add.f32 [hbm:s3], $0x80, s6, s17, $0xb8;
	[tilespmem:$0x1FA00] =	vst v63  }
0x12b: {  	s6 =	simm.s32 $0xC800;
	_ =	swait.ge [sflag:s11], $0x2000;
	s0 =	ssub.s32 s12, s0  }
0x12c: {  	s12 =	simm.s32 @!p3 $0x16;
	s14 =	rddreg [dreg:$0x4];
	[sflag:s11] =	ssyncset.done $0x0  }
0x12d: {  	s23 =	sshrl.u32 s23, $0x10;
	[sflag:s11] =	ssyncadd.s32 $0xFFFFE000;
	s11 =	sadd.s32 s18, s14  }
0x12e: {  	[hbm4b:s11+s2] =	stream.linear.scatter [tilespmem:s6], [sflag:$0x11], $0x2000, $0x38;
	[tilespmem:$0x1FA00] =	vst v63  }
0x12f: {  	s0 =	sand.u32 $0xFFFF, s0;
	s14 =	ssub.s32 s13, s23;
	_ =	swait.ge @!p3 [sflag:s12], $0x2000  }
0x130: {  	s0 =	sshll.u32 s0, $0xD;
	s14 =	sand.u32 $0xFFFE, s14;
	[sflag:s12] =	ssyncset.done @!p3 $0x0  }
0x131: {  	s0 =	sadd.s32 s0, s1;
	s15 =	sshrl.u32 s14, $0x1;
	[sflag:s12] =	ssyncadd.s32 @!p3 $0xFFFFE000  }
0x132: {  	[tilespmem:s19], [sflag:$0x6] =	stream.linear.gather [spmem:s0], $0x2000, $0x38;
	[tilespmem:$0x1FA00] =	vst v63  }
0x133: {  	s6 =	simm.s32 $0x4;
	s11 =	simm.s32 $0xA;
	s0 =	sadd.s32 s23, s15  }
0x134: {  	s12 =	sadd.s32 $0x7, s10;
	_ =	swait.ge [sflag:s6], $0x2000;
	s0 =	sand.u32 $0xFFF0, s0  }
0x135: {  	s23 =	sadd.s32 $0xFFFFFF00, s9;
	[sflag:s6] =	ssyncset.done $0x0;
	s0 =	sshrl.u32 s0, $0x4  }
0x136: {  	s15 =	simm.s32 $0x12800;
	[sflag:s6] =	ssyncadd.s32 $0xFFFFE000;
	s0 =	smul.u32 $0x19, s0  }
0x137: {  	[tilespmem:s15], [sflag:$0xC] =	stream.indirect.gather.add.f32 [hbm:s3], $0x80, s23, s17, $0xb8;
	[tilespmem:$0x1FA00] =	vst v63  }
0x138: {  	s6 =	smul.u32 $0x47AF, s12;
	s23 =	simm.s32 $0xE800;
	_ =	swait.ge [sflag:s11], $0x2000  }
0x139: {  	s0 =	ssub.s32 s13, s0;
	s14 =	rddreg [dreg:$0x3];
	[sflag:s11] =	ssyncset.done $0x0  }
0x13a: {  	s13 =	simm.s32 @!p3 $0x17;
	[sflag:s11] =	ssyncadd.s32 $0xFFFFE000;
	s11 =	sadd.s32 s18, s14  }
0x13b: {  	[hbm4b:s11+s2] =	stream.linear.scatter [tilespmem:s23], [sflag:$0x12], $0x2000, $0x38;
	[tilespmem:$0x1FA00] =	vst v63  }
0x13c: {  	s0 =	sand.u32 $0xFFFF, s0;
	_ =	swait.ge @!p3 [sflag:s13], $0x2000  }
0x13d: {  	s0 =	sshll.u32 s0, $0xD;
	s11 =	sshrl.u32 s6, $0x10;
	[sflag:s13] =	ssyncset.done @!p3 $0x0  }
0x13e: {  	s0 =	sadd.s32 s0, s1;
	s14 =	ssub.s32 s12, s11;
	[sflag:s13] =	ssyncadd.s32 @!p3 $0xFFFFE000  }
0x13f: {  	[tilespmem:s25], [sflag:$0x7] =	stream.linear.gather [spmem:s0], $0x2000, $0x38;
	[tilespmem:$0x1FA00] =	vst v63  }
0x140: {  	s23 =	simm.s32 $0x5;
	s0 =	sand.u32 $0xFFFE, s14  }
0x141: {  	s0 =	sshrl.u32 s0, $0x1;
	_ =	swait.ge [sflag:s23], $0x2000  }
0x142: {  	s0 =	sadd.s32 s11, s0;
	[sflag:s23] =	ssyncset.done $0x0  }
0x143: {  	s6 =	sadd.s32 $0xFFFFFF80, s9;
	s0 =	sand.u32 $0xFFF0, s0;
	[sflag:s23] =	ssyncadd.s32 $0xFFFFE000  }
0x144: {  	[tilespmem:s5], [sflag:$0xD] =	stream.indirect.gather.add.f32 [hbm:s3], $0x80, s6, s17, $0xb8;
	[tilespmem:$0x1FA00] =	vst v63  }
0x145: {  	s0 =	sshrl.u32 s0, $0x4  }
0x146: {  	s13 =	simm.s32 $0xB;
	s0 =	smul.u32 $0x19, s0  }
0x147: {  	_ =	swait.ge [sflag:s13], $0x2000  }
0x148: {  	s14 =	rddreg [dreg:$0x9];
	[sflag:s13] =	ssyncset.done $0x0;
	s0 =	ssub.s32 s12, s0  }
0x149: {  	[sflag:s13] =	ssyncadd.s32 $0xFFFFE000;
	s11 =	sadd.s32 s18, s14;
	s12 =	simm.s32 @!p3 $0x18  }
0x14a: {  	[hbm4b:s11+s2] =	stream.linear.scatter [tilespmem:s16], [sflag:$0x13], $0x2000, $0x38;
	[tilespmem:$0x1FA00] =	vst v63  }
0x14b: {  	p2 =	por p1, p1;
	s0 =	sand.u32 $0xFFFF, s0;
	_ =	swait.ge @!p3 [sflag:s12], $0x2000  }
0x14c: {  	s11 =	sadd.s32 $0x8, s10;
	s0 =	sshll.u32 s0, $0xD;
	[sflag:s12] =	ssyncset.done @!p3 $0x0  }
0x14d: {  	s0 =	sadd.s32 s0, s1;
	[sflag:s12] =	ssyncadd.s32 @!p3 $0xFFFFE000;
	s12 =	smul.u32 @!p2 $0x47AF, s11  }
0x14e: {  	[tilespmem:s24], [sflag:$0x8] =	stream.linear.gather [spmem:s0], $0x2000, $0x38;
	[tilespmem:$0x1FA00] =	vst v63  }
0x14f: {  	s0 =	sshrl.u32 @!p2 s12, $0x10;
	_ =	swait.ge [sflag:s30], $0x2000  }
0x150: {  	s12 =	ssub.s32 @!p2 s11, s0;
	[sflag:s30] =	ssyncset.done $0x0  }
0x151: {  	s12 =	sand.u32 @!p2 $0xFFFE, s12;
	[sflag:s30] =	ssyncadd.s32 $0xFFFFE000  }
0x152: {  	[tilespmem:s19], [sflag:$0xE] =	stream.indirect.gather.add.f32 [hbm:s3], $0x80, s9, s17, $0xb8;
	[tilespmem:$0x1FA00] =	vst v63  }
0x153: {  	s12 =	sshrl.u32 @!p2 s12, $0x1  }
0x154: {  	s0 =	sadd.s32 @!p2 s0, s12  }
0x155: {  	_ =	swait.ge [sflag:s4], $0x2000;
	s0 =	sand.u32 @!p2 $0xFFF0, s0  }
0x156: {  	s16 =	rddreg [dreg:$0x7];
	[sflag:s4] =	ssyncset.done $0x0;
	s0 =	sshrl.u32 @!p2 s0, $0x4  }
0x157: {  	[sflag:s4] =	ssyncadd.s32 $0xFFFFE000;
	s12 =	sadd.s32 s18, s16;
	s0 =	smul.u32 @!p2 $0x19, s0  }
0x158: {  	[hbm4b:s12+s2] =	stream.linear.scatter [tilespmem:s15], [sflag:$0x14], $0x2000, $0x38;
	[tilespmem:$0x1FA00] =	vst v63  }
0x159: {  	s0 =	ssub.s32 @!p2 s11, s0;
	s11 =	simm.s32 @!p2 $0x11  }
0x15a: {  	s0 =	sand.u32 @!p2 $0xFFFF, s0;
	_ =	swait.ge @!p2 [sflag:s11], $0x2000  }
0x15b: {  	s0 =	sshll.u32 @!p2 s0, $0xD;
	[sflag:s11] =	ssyncset.done @!p2 $0x0  }
0x15c: {  	s0 =	sadd.s32 @!p2 s0, s1;
	[sflag:s11] =	ssyncadd.s32 @!p2 $0xFFFFE000;
	s11 =	simm.s32 @!p2 $0xC800  }
0x15d: {  	[tilespmem:s11], [sflag:$0x1] =	stream.linear.gather @!p2 [spmem:s0], $0x2000, $0x38;
	[tilespmem:$0x1FA00] =	vst v63  }
0x15e: {  	s0 =	sshrl.u32 @!p1 s22, $0x10  }
0x15f: {  	_ =	swait.ge [sflag:s31], $0x2000;
	s12 =	ssub.s32 @!p1 s21, s0  }
0x160: {  	[sflag:s31] =	ssyncset.done $0x0;
	s12 =	sand.u32 @!p1 $0xFFFE, s12  }
0x161: {  	s23 =	sadd.s32 $0x80, s9;
	[sflag:s31] =	ssyncadd.s32 $0xFFFFE000;
	s12 =	sshrl.u32 @!p1 s12, $0x1  }
0x162: {  	[tilespmem:s25], [sflag:$0xF] =	stream.indirect.gather.add.f32 [hbm:s3], $0x80, s23, s17, $0xb8;
	[tilespmem:$0x1FA00] =	vst v63  }
0x163: {  	s0 =	sadd.s32 @!p1 s0, s12  }
0x164: {  	_ =	swait.ge [sflag:s29], $0x2000;
	s0 =	sand.u32 @!p1 $0xFFF0, s0  }
0x165: {  	s4 =	rddreg [dreg:$0xa];
	s0 =	sshrl.u32 @!p1 s0, $0x4;
	[sflag:s29] =	ssyncset.done $0x0  }
0x166: {  	s0 =	smul.u32 @!p1 $0x19, s0;
	[sflag:s29] =	ssyncadd.s32 $0xFFFFE000;
	s12 =	sadd.s32 s18, s4  }
0x167: {  	[hbm4b:s12+s2] =	stream.linear.scatter [tilespmem:s5], [sflag:$0x15], $0x2000, $0x38;
	[tilespmem:$0x1FA00] =	vst v63  }
0x168: {  	s12 =	sand.u32 @!p1 $0xFFFF, s20  }
0x169: {  	s13 =	simm.s32 @!p2 $0x12;
	s12 =	smul.u32 @!p1 $0x47AF, s12;
	s0 =	ssub.s32 @!p1 s21, s0  }
0x16a: {  	_ =	swait.ge @!p2 [sflag:s13], $0x2000;
	s0 =	sand.u32 @!p1 $0xFFFF, s0  }
0x16b: {  	[sflag:s13] =	ssyncset.done @!p2 $0x0;
	s14 =	sshrl.u32 @!p1 s12, $0x10;
	s0 =	sshll.u32 @!p1 s0, $0xD  }
0x16c: {  	[sflag:s13] =	ssyncadd.s32 @!p2 $0xFFFFE000;
	s12 =	simm.s32 @!p2 $0xE800;
	s0 =	sadd.s32 @!p1 s0, s1  }
0x16d: {  	[tilespmem:s12], [sflag:$0x2] =	stream.linear.gather @!p2 [spmem:s0], $0x2000, $0x38;
	[tilespmem:$0x1FA00] =	vst v63  }
0x16e: {  	s0 =	ssub.s32 @!p1 s20, s14  }
0x16f: {  	s0 =	sand.u32 @!p1 $0xFFFE, s0;
	_ =	swait.ge [sflag:s26], $0x2000  }
0x170: {  	s0 =	sshrl.u32 @!p1 s0, $0x1;
	[sflag:s26] =	ssyncset.done $0x0  }
0x171: {  	s5 =	sadd.s32 $0x100, s9;
	s0 =	sadd.s32 @!p1 s14, s0;
	[sflag:s26] =	ssyncadd.s32 $0xFFFFE000  }
0x172: {  	[tilespmem:s24], [sflag:$0x10] =	stream.indirect.gather.add.f32 [hbm:s3], $0x80, s5, s17, $0xb8;
	[tilespmem:$0x1FA00] =	vst v63  }
0x173: {  	s0 =	sshrl.u32 @!p1 s0, $0x4  }
0x174: {  	_ =	swait.ge [sflag:s8], $0x2000;
	s0 =	smul.u32 @!p1 $0x19, s0  }
0x175: {  	s14 =	simm.s32 @!p2 $0x13;
	s6 =	rddreg [dreg:$0x8];
	[sflag:s8] =	ssyncset.done $0x0  }
0x176: {  	s0 =	ssub.s32 @!p1 s20, s0;
	[sflag:s8] =	ssyncadd.s32 $0xFFFFE000;
	s13 =	sadd.s32 s18, s6  }
0x177: {  	[hbm4b:s13+s2] =	stream.linear.scatter [tilespmem:s19], [sflag:$0x16], $0x2000, $0x38;
	[tilespmem:$0x1FA00] =	vst v63  }
0x178: {  	s10 =	sadd.s32 @!p1 $0xB, s10;
	s0 =	sand.u32 @!p1 $0xFFFF, s0;
	_ =	swait.ge @!p2 [sflag:s14], $0x2000  }
0x179: {  	s13 =	sand.u32 @!p1 $0xFFFF, s10;
	s0 =	sshll.u32 @!p1 s0, $0xD;
	[sflag:s14] =	ssyncset.done @!p2 $0x0  }
0x17a: {  	s0 =	sadd.s32 @!p1 s0, s1;
	[sflag:s14] =	ssyncadd.s32 @!p2 $0xFFFFE000;
	s14 =	simm.s32 @!p2 $0x10800  }
0x17b: {  	[tilespmem:s14], [sflag:$0x3] =	stream.linear.gather @!p2 [spmem:s0], $0x2000, $0x38;
	[tilespmem:$0x1FA00] =	vst v63  }
0x17c: {  	s0 =	smul.u32 @!p1 $0x47AF, s13;
	s13 =	simm.s32 @!p2 $0x1  }
0x17d: {  	_ =	swait.ge @!p2 [sflag:s13], $0x2000  }
0x17e: {  	s14 =	simm.s32 @!p2 $0x40;
	[sflag:s13] =	ssyncset.done @!p2 $0x0  }
0x17f: {  	s0 =	sshrl.u32 @!p1 s0, $0x10;
	[sflag:s13] =	ssyncadd.s32 @!p2 $0xFFFFE000;
	s13 =	sadd.s32 @!p2 $0x180, s9  }
0x180: {  	[tilespmem:s11], [sflag:$0x9] =	stream.indirect.gather.add.f32 @!p2 [hbm:s3], $0x80, s13, s14, $0xb8;
	[tilespmem:$0x1FA00] =	vst v63  }
0x181: {  	s11 =	ssub.s32 @!p1 s10, s0  }
0x182: {  	s11 =	sand.u32 @!p1 $0xFFFE, s11  }
0x183: {  	s11 =	sshrl.u32 @!p1 s11, $0x1  }
0x184: {  	_ =	swait.ge [sflag:s7], $0x2000;
	s0 =	sadd.s32 @!p1 s0, s11  }
0x185: {  	s15 =	rddreg [dreg:$0x6];
	[sflag:s7] =	ssyncset.done $0x0;
	s0 =	sshrl.u32 @!p1 s0, $0x4  }
0x186: {  	s16 =	sadd.s32 s18, s15;
	[sflag:s7] =	ssyncadd.s32 $0xFFFFE000;
	s0 =	smul.u32 @!p1 $0x19, s0  }
0x187: {  	[hbm4b:s16+s2] =	stream.linear.scatter [tilespmem:s25], [sflag:$0x17], $0x2000, $0x38;
	[tilespmem:$0x1FA00] =	vst v63  }
0x188: {  	s0 =	ssub.s32 @!p1 s10, s0;
	s10 =	simm.s32 @!p2 $0x14  }
0x189: {  	s0 =	sand.u32 @!p1 $0xFFFF, s0;
	_ =	swait.ge @!p2 [sflag:s10], $0x2000  }
0x18a: {  	s0 =	sshll.u32 @!p1 s0, $0xD;
	[sflag:s10] =	ssyncset.done @!p2 $0x0  }
0x18b: {  	s0 =	sadd.s32 @!p1 s0, s1;
	[sflag:s10] =	ssyncadd.s32 @!p2 $0xFFFFE000;
	s10 =	simm.s32 @!p2 $0x12800  }
0x18c: {  	[tilespmem:s10], [sflag:$0x4] =	stream.linear.gather @!p2 [spmem:s0], $0x2000, $0x38;
	[tilespmem:$0x1FA00] =	vst v63  }
0x18d: {  	s0 =	simm.s32 @!p2 $0x2  }
0x18e: {  	_ =	swait.ge @!p2 [sflag:s0], $0x2000  }
0x18f: {  	[sflag:s0] =	ssyncset.done @!p2 $0x0  }
0x190: {  	[sflag:s0] =	ssyncadd.s32 @!p2 $0xFFFFE000;
	s0 =	sadd.s32 @!p2 $0x200, s9  }
0x191: {  	[tilespmem:s12], [sflag:$0xA] =	stream.indirect.gather.add.f32 @!p2 [hbm:s3], $0x80, s0, s14, $0xb8;
	[tilespmem:$0x1FA00] =	vst v63  }
0x192: {  	_ =	swait.ge [sflag:s28], $0x2000  }
0x193: {  	s19 =	rddreg [dreg:$0x5];
	[sflag:s28] =	ssyncset.done $0x0  }
0x194: {  	s20 =	simm.s32 $0x11;
	s0 =	sadd.s32 s18, s19;
	[sflag:s28] =	ssyncadd.s32 $0xFFFFE000  }
0x195: {  	[hbm4b:s0+s2] =	stream.linear.scatter [tilespmem:s24], [sflag:$0x18], $0x2000, $0x38;
	[tilespmem:$0x1FA00] =	vst v63  }
0x196: {  	_ =	swait.ge [sflag:s20], $0x2000  }
0x197: {  	[sflag:s20] =	ssyncset.done $0x0  }
0x198: {  	s21 =	simm.s32 $0x12;
	[sflag:s20] =	ssyncadd.s32 $0xFFFFE000  }
0x199: {  	_ =	swait.ge [sflag:s21], $0x2000  }
0x19a: {  	[sflag:s21] =	ssyncset.done $0x0  }
0x19b: {  	s22 =	simm.s32 $0x13;
	[sflag:s21] =	ssyncadd.s32 $0xFFFFE000  }
0x19c: {  	_ =	swait.ge [sflag:s22], $0x2000  }
0x19d: {  	[sflag:s22] =	ssyncset.done $0x0  }
0x19e: {  	s23 =	simm.s32 $0x14;
	[sflag:s22] =	ssyncadd.s32 $0xFFFFE000  }
0x19f: {  	_ =	swait.ge [sflag:s23], $0x2000  }
0x1a0: {  	[sflag:s23] =	ssyncset.done $0x0  }
0x1a1: {  	s24 =	simm.s32 $0x15;
	[sflag:s23] =	ssyncadd.s32 $0xFFFFE000  }
0x1a2: {  	_ =	swait.ge [sflag:s24], $0x2000  }
0x1a3: {  	[sflag:s24] =	ssyncset.done $0x0  }
0x1a4: {  	s25 =	simm.s32 $0x16;
	[sflag:s24] =	ssyncadd.s32 $0xFFFFE000  }
0x1a5: {  	_ =	swait.ge [sflag:s25], $0x2000  }
0x1a6: {  	[sflag:s25] =	ssyncset.done $0x0  }
0x1a7: {  	s26 =	simm.s32 $0x17;
	[sflag:s25] =	ssyncadd.s32 $0xFFFFE000  }
0x1a8: {  	_ =	swait.ge [sflag:s26], $0x2000  }
0x1a9: {  	[sflag:s26] =	ssyncset.done $0x0  }
0x1aa: {  	s28 =	simm.s32 $0x18;
	[sflag:s26] =	ssyncadd.s32 $0xFFFFE000  }
0x1ab: {  	_ =	swait.ge [sflag:s28], $0x2000  }
0x1ac: {  	s29 =	rddreg [dreg:$0x12]  }
0x1ad: {  	s31 =	rddreg [dreg:$0x10];
	s5 =	sadd.s32 $0x1, s29  }
0x1ae: {  	p1 =	sne.s32 s5, s31  }
.Ltmp1:
0x1af: {  	_ = 	snop;
	(pc) =	sbr.rel @p1 .LBB2_1-.Ltmp1, $3  }
0x1b0: {  	_ =	sdelay $0x1  }
0x1b1: {  	s6 =	simm.s32 $0x16800;
	[sflag:s28] =	ssyncset.done $0x0  }
0x1b2: {  	s8 =	simm.s32 $0x1A800;
	s7 =	simm.s32 $0x18800;
	[sflag:s28] =	ssyncadd.s32 $0xFFFFE000  }
0x1b3: {  	_ =	sfence.sel $0x180000  }
0x1b4: {  	[bflag:$0x0] =	sbarrier.arrive $0xFFFF  }
0x1b5: {  	_ =	strace $0x90000047  }
0x1b6: {  	[bflag:$0x2] =	sbarrier.arrive $0xFFFF  }
0x1b7: {  	s0 =	rddreg [dreg:$0x2]  }
0x1b8: {  	s0 =	sadd.s32 @!p0 $0x100000, s0  }
0x1b9: {  	[sflag:s0] =	ssyncadd.tile.s32 @!p0 $0x1;
	_ =	shalt  }
.Lfunc_end2:
_tile_overlayer_lowered:
.L_overlay_start_2:
0x1ba: {  	(tag) =	ssettag $0x2  }
0x1bb: {  	s0 =	rddreg [dreg:$0x0];
	s2 =	stileid.u32  }
0x1bc: {  	s1 =	rddreg [dreg:$0x1];
	p0 =	sne.s32 s2, $0x0  }
0x1bd: {  	s3 =	rddreg [dreg:$0x2];
	[bflag:$0x3] =	sbarrier.arrive $0xFFFF;
	s2 =	simm.s32 @!p0 $0x1C19  }
0x1be: {  	[timem:s3], [sflag:s2] =	dma.local @!p0 [hbm:s0], s1  }
0x1bf: {  	s0 =	simm.s32 @!p0 $0x19  }
0x1c0: {  	_ =	swait.ge @!p0 [sflag:s0], s1  }
0x1c1: {  	s1 =	ssub.s32 @!p0 $0x0, s1;
	[sflag:s0] =	ssyncset.done @!p0 $0x0  }
0x1c2: {  	[sflag:s0] =	ssyncadd.s32 @!p0 s1  }
0x1c3: {  	[bflag:$0x3] =	sbarrier.arrive $0xFFFF  }
0x1c4: {  	_ =	shalt  }

// kernel: sparse-core-data-format-call.cloned.1.call-start
scs
called_computation_lowered:
.L_overlay_start_0:
0x0: {  	s2 =	sld [smem:$0x3FD9]  }
0x1: {  	s3 =	sld [smem:$0x3FFE];
	_ =	sdelay $0x1  }
0x2: {  	s1 =	srdreg.scid  }
0x3: {  	s0 =	sand.u32 $0x1, s1  }
0x4: {  	s18 =	sshll.u32 s0, $0xA;
	s2 =	sadd.s32 s3, s2  }
0x5: {  	s2 =	sadd.s32 s2, s18  }
0x6: {  	[smem:$0x3FC5] =	sst s2  }
0x7: {  	_ = 	snop  }
0x8: {  	s2 =	sld [smem:$0x3FD0];
	(tm) =	ssettm $0x1  }
0x9: {  	s19 =	sld [smem:$0x3FFB];
	_ =	sdelay $0x3  }
0xa: {  	_ =	strace s19  }
0xb: {  	s3 =	sld [smem:$0x3FFC];
	_ =	sdelay $0x3  }
0xc: {  	_ =	strace s3  }
0xd: {  	s3 =	sld [smem:$0x3FFD];
	_ =	sdelay $0x3  }
0xe: {  	_ =	strace s3  }
0xf: {  	_ =	strace $0x8FFFFFFF  }
0x10: {  	s20 =	sld [smem:$0x3FDB];
	_ =	sdelay $0x1  }
0x11: {  	s4 =	simm.s32 $_scs_section_size  }
0x12: {  	s5 =	simm.s32 $_size__tile_overlayer_lowered;
	s6 =	simm.s32 $_tile_overlayer_lowered  }
0x13: {  	s23 =	simm.s32 $0x1BFF;
	s22 =	sshll.u32 s6, $0x1;
	s3 =	sadd.s32 s4, s20  }
0x14: {  	s7 =	simm.s32 $0x0;
	s21 =	sshll.u32 s5, $0x1;
	s5 =	sadd.s32 s22, s3  }
0x15: {  	[timem:s7], [sflag:s23] =	dma.local [hbm:s5], s21  }
0x16: {  	_ =	swait.ge [sflag:s23], s21  }
0x17: {  	s4 =	ssub.s32 $0x0, s21;
	[sflag:s23] =	ssyncset.done $0x0  }
0x18: {  	[sflag:s23] =	ssyncadd.s32 s4;
	_ =	sdelay $0x1  }
0x19: {  	s24 =	simm.s32 $0x1B8B  }
0x1a: {  	_ =	swait.ge [sflag:s24], $0x1  }
0x1b: {  	[sflag:s24] =	ssyncset.done $0x0  }
0x1c: {  	s26 =	simm.s32 $0x1B8E;
	s25 =	sld [smem:$0x3FFE];
	[sflag:s24] =	ssyncadd.s32 $0xFFFFFFFF  }
0x1d: {  	s27 =	simm.s32 $execute0_lowered;
	[smem:$0x3FD2] =	sst s26  }
0x1e: {  	s5 =	sshll.u32 s27, $0x1;
	_ =	strace $0x80000049;
	[dreg:$0x1] =	wrdreg $0xFFFFFFFF  }
0x1f: {  	s28 =	simm.s32 $_size_execute0_lowered;
	s3 =	sadd.s32 s3, s5;
	[dreg:$0x0] =	wrdreg $0x0  }
0x20: {  	s5 =	sshll.u32 s28, $0x1;
	[dreg:$0x2] =	wrdreg s3  }
0x21: {  	[dreg:$0x3] =	wrdreg s5  }
0x22: {  	[dreg:$0x4] =	wrdreg $0xC0  }
0x23: {  	_ =	task [dreg:s7], $0x5FFFF  }
0x24: {  	[dreg:$0x1] =	wrdreg $0xFFFFFFFF  }
0x25: {  	[dreg:$0x0] =	wrdreg $0x60  }
0x26: {  	[dreg:$0x2] =	wrdreg s25  }
0x27: {  	[dreg:$0x3] =	wrdreg s2  }
0x28: {  	[dreg:$0x4] =	wrdreg $0x9  }
0x29: {  	_ =	task.clear_ibuf [dreg:s7], $0x5FFFF;
	_ =	strace $0x90000049  }
0x2a: {  	s29 =	simm.s32 $0x9;
	_ =	strace $0x8000004B  }
0x2b: {  	_ =	swait.ge [sflag:s29], $0x1  }
0x2c: {  	[sflag:s29] =	ssyncadd.s32 $0xFFFFFFFF  }
0x2d: {  	_ =	strace $0x9000004B  }
0x2e: {  	_ =	sfence  }
0x2f: {  	s30 =	sld [smem:$0x0];
	_ =	sdelay $0x2  }
0x30: {  	s31 =	sshll.u32 s1, $0xD;
	s1 =	sshrl.u32 s1, $0x2  }
0x31: {  	s3 =	sand.u32 $0x4000, s31;
	s1 =	sadd.s32 s1, s30  }
0x32: {  	s0 =	sor.u32 s3, s0;
	s1 =	sshll.u32 s1, $0x11  }
0x33: {  	s0 =	sor.u32 s1, s0  }
0x34: {  	s0 =	sadd.s32 $0x8F2B, s0  }
0x35: {  	[sflag:s0] =	ssyncadd.remote.s32 $0x1  }
0x36: {  	_ =	sfence.sel $0xFFFF  }
0x37: {  	[dreg:$0x0] =	wrdreg $0xFFFFFFFF;
	(pc) =	sbr.abs _section_cstart, $3  }
0x38: {  	[dreg:$0x1] =	wrdreg $0xFFFFFFFF  }
0x39: {  	_ =	task.clear_ibuf [dreg:s7], $0x2FFFF;
	_ =	strace $0x9FFFFFFF  }
0x3a: {  	(tm) =	ssettm $0x7FFFFFFF  }
0x3b: {  	_ =	shalt  }
tec
execute0_lowered:
.L_overlay_start_1:
0x0: {  	(tag) =	ssettag $0x1  }
0x1: {  	s0 =	srdreg.scid  }
0x2: {  	s1 =	sshll.u32 s0, $0x4  }
0x3: {  	s0 =	stileid.u32;
	s1 =	sand.u32 $0x10, s1  }
0x4: {  	s1 =	sor.u32 s0, s1  }
0x5: {  	s6 =	rddreg [dreg:$0x0];
	s4 =	simm.s32 $0x1;
	s2 =	sshll.u32 s1, $0x7  }
0x6: {  	s7 =	simm.s32 $0x2;
	s12 =	simm.s32 $0x0;
	s1 =	ssub.s32 $0x1000, s2  }
0x7: {  	s8 =	simm.s32 $0x8000;
	s13 =	simm.s32 $0x0;
	s3 =	sand.u32 $0xF80, s1  }
0x8: {  	s9 =	simm.s32 $0x0;
	s5 =	sshrl.u32 s1, $0xC;
	p0 =	sne.s32 s3, $0x0  }
.Ltmp0:
0x9: {  	s1 =	rddreg [dreg:$0x2];
	s4 =	simm.s32 @!p0 $0x0;
	(pc) =	sbr.rel .LBB1_1-.Ltmp0, $4  }
0xa: {  	s11 =	simm.s32 $0x0;
	s3 =	rddreg [dreg:$0x1];
	s5 =	sadd.s32 s4, s5  }
0xb: {  	_ =	strace $0x8000004A;
	s4 =	simm.s32 $0x1;
	s5 =	smul.u32 $0xC8, s5  }
0xc: {  	s6 =	sadd.s32 $0x1BF600, s6;
	s10 =	smov.u32 s2;
	[sflag:s4] =	ssyncpa.u1 $0x0  }
0xd: {  	p0 =	por $0x0, $0x0;
	[sflag:s7] =	ssyncpa.u1 $0x0;
	s7 =	sor.u32 $0x1, s5  }
.LBB1_4:
0xe: {  	s16 =	sshll.u32 s13, $0x3;
	s17 =	sand.u32 $0x78, s13  }
0xf: {  	s30 =	sand.u32 $0x7E00, s13;
	s12 =	sshll.u32 s12, $0xF;
	s16 =	sand.u32 $0xC00, s16  }
0x10: {  	[tilespmem:s15+$0x810 ss:$0x81] =	vst.msk $0xffff, v2;
	s31 =	sand.u32 $0x7, s13;
	s16 =	sor.u32 s17, s16;
	s17 =	sadd.s32 s3, s30  }
0x11: {  	[tilespmem:s15+$0x1020 ss:$0x81] =	vst.msk $0xffff, v0;
	s13 =	sshll.u32 s31, $0x12;
	s12 =	sadd.s32 s12, s17;
	s16 =	sshrl.u32 s16, $0x3  }
0x12: {  	[tilespmem:s15+$0x0 ss:$0x81] =	vst.msk $0xffff, v1;
	s13 =	sor.u32 $0x400, s13;
	s12 =	sadd.s32 s16, s12  }
0x13: {  	[hbm4b:s12+s13] =	stream.strided.scatter [tilespmem:s14], [sflag:$0x2], $0x2000, s8, s13, $0x20;
	[tilespmem:$0x8080] =	vst v63  }
.LBB1_5:
0x14: {  	s14 =	sadd.s32 $0x1, s9  }
0x15: {  	s12 =	sadd.s32 $0x1000, s10;
	s16 =	smov.u32 s10;
	p2 =	sgt.s32 s14, $0xC7  }
0x16: {  	s16 =	smov.u32 @p2 s12  }
0x17: {  	s14 =	simm.s32 @p2 $0x0;
	p2 =	sgt.s32 s16, $0xFFF  }
0x18: {  	s16 =	smov.u32 @p2 s2;
	p2 =	sne.s32 s11, s7  }
.Ltmp1:
0x19: {  	p1 =	slt.u32 s11, $0x2;
	(pc) =	sbr.rel @!p2 .LBB1_6-.Ltmp1, $4  }
0x1a: {  	s15 =	simm.s32 @!p1 $0x2  }
0x1b: {  	s13 =	smov.u32 s10;
	p0 =	por !p0, !p0;
	_ =	swait.ge @!p1 [sflag:s15], $0x2000  }
0x1c: {  	s12 =	smov.u32 s9;
	[sflag:s15] =	ssyncset.done @!p1 $0x0;
	s9 =	smov.u32 s14  }
0x1d: {  	s11 =	sadd.s32 $0x1, s11;
	[sflag:s15] =	ssyncadd.s32 @!p1 $0xFFFFE000;
	s10 =	smov.u32 s16  }
.LBB1_1:
0x1e: {  	p1 =	sge.u32 s11, s5  }
0x1f: {  	s14 =	sand.u32 @!p1 $0x1FFFFFF, s9  }
0x20: {  	s15 =	smulhi.u32 @!p1 $0x147AE15, s14;
	_ =	sdelay $0x1  }
0x21: {  	s15 =	smul.u32 @!p1 $0xC8, s15  }
0x22: {  	s16 =	sxor.u32 @!p1 $0xFFFFFFFF, s11;
	s17 =	smul.u32 @!p1 $0xC80, s10  }
0x23: {  	s31 =	sadd.s32 $0xFFFFFFFF, s11;
	s16 =	sshll.u32 @!p1 s16, $0xD;
	s14 =	ssub.s32 @!p1 s14, s15  }
0x24: {  	s15 =	sand.u32 @!p1 $0x2000, s16;
	s16 =	sadd.s32 @!p1 s6, s17;
	s14 =	sshll.u32 @!p1 s14, $0x4  }
0x25: {  	s17 =	simm.s32 @!p1 $0x6400;
	s14 =	sadd.s32 @!p1 s14, s16;
	s16 =	simm.s32 @!p1 $0x40  }
0x26: {  	[tilespmem:s15], [sflag:$0x1] =	stream.strided.gather @!p1 [hbm4b:s14+s16], $0x2000, s17, s16, $0x38;
	[tilespmem:$0x8080] =	vst v63  }
0x27: {  	p1 =	sge.u32 s31, s5  }
.Ltmp2:
0x28: {  	_ = 	snop;
	(pc) =	sbr.rel @p1 .LBB1_5-.Ltmp2, $1  }
0x29: {  	_ =	sdelay $0x3  }
0x2a: {  	s14 =	simm.s32 $0x1  }
0x2b: {  	_ =	swait.ge [sflag:s4], $0x2000;
	s14 =	simm.s32 @!p0 $0x0  }
0x2c: {  	[sflag:s4] =	ssyncset.done $0x0;
	s15 =	sshll.u32 s14, $0xD  }
0x2d: {  	[sflag:s4] =	ssyncadd.s32 $0xFFFFE000;
	s18 =	sor.u32 $0x20, s15  }
0x2e: {  	s14 =	smul.u32 $0x8100, s14;
	v3 =	vld [tilespmem:s18+$0x10]  }
0x2f: {  	s30 =	sand.u32 $0x1, s11;
	v2 =	vld [tilespmem:s18+$0xFFFFFFF0]  }
0x30: {  	s15 =	smul.u32 $0x8100, s30;
	s14 =	sshrl.u32 s14, $0x2;
	v0 =	vld [tilespmem:s18+$0x0]  }
0x31: {  	v1 =	vld [tilespmem:s18+$0xFFFFFFE0];
	s16 =	sor.u32 $0x4000, s14  }
0x32: {  	s31 =	sshrl.u32 s15, $0x2;
	s15 =	sadd.s32 $0x0, s16  }
0x33: {  	s17 =	simm.s32 $0x4;
	s18 =	sadd.s32 $0x40, s18;
	s14 =	sor.u32 $0x4000, s31;
	[tilespmem:s15+$0x1830 ss:$0x81] =	vst.msk $0xffff, v3  }
.LBB1_3:
0x34: {  	v3 =	vld [tilespmem:s18+$0x10];
	p1 =	sne.s32 s17, $0x1FC;
	[tilespmem:s15+$0x810 ss:$0x81] =	vst.msk $0xffff, v2;
	s19 =	smov.u32 s17;
	s17 =	sadd.s32 $0x4, s17  }
.Ltmp3:
0x35: {  	v2 =	vld [tilespmem:s18+$0xFFFFFFF0];
	[tilespmem:s15+$0x1020 ss:$0x81] =	vst.msk $0xffff, v0;
	(pc) =	sbr.rel @p1 .LBB1_3-.Ltmp3, $4  }
0x36: {  	v0 =	vld [tilespmem:s18+$0x0];
	[tilespmem:s15+$0x0 ss:$0x81] =	vst.msk $0xffff, v1  }
0x37: {  	s15 =	sshra.s32 s19, $0x2;
	v1 =	vld [tilespmem:s18+$0xFFFFFFE0]  }
0x38: {  	s15 =	sadd.s32 s15, s16  }
0x39: {  	s18 =	sadd.s32 $0x40, s18;
	[tilespmem:s15+$0x1830 ss:$0x81] =	vst.msk $0xffff, v3  }
.Ltmp4:
0x3a: {  	_ = 	snop;
	(pc) =	sbr.rel .LBB1_4-.Ltmp4, $1  }
0x3b: {  	_ =	sdelay $0x3  }
.LBB1_6:
0x3c: {  	_ =	sfence.sel $0x180000  }
0x3d: {  	s2 =	simm.s32 $0x1;
	[bflag:$0x0] =	sbarrier.arrive $0xFFFF  }
0x3e: {  	s31 =	simm.s32 $0x2;
	[sflag:s2] =	ssyncpa.u1 $0x1  }
0x3f: {  	[sflag:s31] =	ssyncpa.u1 $0x1  }
0x40: {  	p0 =	sne.s32 s0, $0x0;
	_ =	strace $0x9000004A  }
0x41: {  	s0 =	sadd.s32 @!p0 $0x100000, s1;
	[bflag:$0x2] =	sbarrier.arrive $0xFFFF  }
0x42: {  	[sflag:s0] =	ssyncadd.tile.s32 @!p0 $0x1;
	_ =	shalt  }
.Lfunc_end1:
_tile_overlayer_lowered:
.L_overlay_start_2:
0x43: {  	(tag) =	ssettag $0x2  }
0x44: {  	s0 =	rddreg [dreg:$0x0];
	s2 =	stileid.u32  }
0x45: {  	s1 =	rddreg [dreg:$0x1];
	p0 =	sne.s32 s2, $0x0  }
0x46: {  	s3 =	rddreg [dreg:$0x2];
	[bflag:$0x3] =	sbarrier.arrive $0xFFFF;
	s2 =	simm.s32 @!p0 $0x1C01  }
0x47: {  	[timem:s3], [sflag:s2] =	dma.local @!p0 [hbm:s0], s1  }
0x48: {  	s0 =	simm.s32 @!p0 $0x1  }
0x49: {  	_ =	swait.ge @!p0 [sflag:s0], s1  }
0x4a: {  	s1 =	ssub.s32 @!p0 $0x0, s1;
	[sflag:s0] =	ssyncset.done @!p0 $0x0  }
0x4b: {  	[sflag:s0] =	ssyncadd.s32 @!p0 s1  }
0x4c: {  	[bflag:$0x3] =	sbarrier.arrive $0xFFFF  }
0x4d: {  	_ =	shalt  }

</sc_bundles>
